<compile_context>
chip_gen: v7x
topology: tpu7x:2x2x1
jax: 0.10.2.dev20260603
libtpu: 0.0.44.dev20260713+nightly
codegen_flags: <defaults>
</compile_context>

<pallas_src>
import functools

import jax
import jax.numpy as jnp
from jax import lax
from jax.experimental import pallas as pl
from jax.experimental.pallas import tpu as pltpu
from jax.experimental.pallas import tpu_sc as plsc

N = 10000
E = 320000
D = 128
G = 64

NC = 2
NS = 16
NW = NC * NS
EPW = E // NW
K = 80
NCH = EPW // K
SEGS = (64, 61)
SEGMAX = 64
DEG_PAD = 10240
DWPT = DEG_PAD // NS

BN = 1000
NBLK = N // BN


def _mesh():
    return plsc.VectorSubcoreMesh(
        core_axis_name="c", subcore_axis_name="s", num_cores=NC, num_subcores=NS
    )


@functools.partial(
    pl.kernel,
    out_type=jax.ShapeDtypeStruct((NC, 1, DEG_PAD), jnp.float32),
    mesh=_mesh(),
    scratch_types=[
        pltpu.VMEM((NCH, K), jnp.int32),
        pltpu.VMEM((K,), jnp.float32),
        pltpu.VMEM((DWPT,), jnp.float32),
        pltpu.VMEM_SHARED((DEG_PAD,), jnp.float32),
        pltpu.SemaphoreType.DMA,
    ],
)
def _sc_deg(dst_hbm, out_hbm, di_v, ones_v, buf_v, acc_sh, sem):
    c = lax.axis_index("c")
    s = lax.axis_index("s")
    wid = s * NC + c

    def fill_ones(i, carry):
        ones_v[pl.ds(i * 16, 16)] = jnp.ones((16,), jnp.float32)
        return carry

    lax.fori_loop(0, K // 16, fill_ones, 0)

    def fill_zero(i, carry):
        buf_v[pl.ds(i * 16, 16)] = jnp.zeros((16,), jnp.float32)
        return carry

    lax.fori_loop(0, DWPT // 16, fill_zero, 0)
    pltpu.sync_copy(buf_v, acc_sh.at[pl.ds(s * DWPT, DWPT)])
    pltpu.sync_copy(dst_hbm.at[wid], di_v)
    plsc.subcore_barrier()

    FG = 5

    def group(t, carry):
        j0 = t * FG
        for i in range(FG):
            pltpu.make_async_copy(ones_v, acc_sh.at[di_v.at[j0 + i]], sem).start(
                add=True
            )
        for i in range(FG):
            pltpu.make_async_copy(ones_v, acc_sh.at[di_v.at[j0 + i]], sem).wait()
        return carry

    lax.fori_loop(0, NCH // FG, group, 0)
    plsc.subcore_barrier()

    pltpu.sync_copy(acc_sh.at[pl.ds(s * DWPT, DWPT)], buf_v)
    pltpu.sync_copy(buf_v, out_hbm.at[c, 0, pl.ds(s * DWPT, DWPT)])


@functools.partial(
    pl.kernel,
    out_type=jax.ShapeDtypeStruct((NC, N, D), jnp.float32),
    mesh=_mesh(),
    scratch_types=[
        pltpu.VMEM((SEGMAX, K), jnp.int32),
        pltpu.VMEM((SEGMAX, K), jnp.int32),
        pltpu.VMEM((K, D), jnp.float32),
        pltpu.VMEM((K, D), jnp.float32),
        pltpu.VMEM((K, D), jnp.float32),
        pltpu.VMEM_SHARED((N, D), jnp.float32),
        pltpu.SemaphoreType.DMA,
        pltpu.SemaphoreType.DMA,
        pltpu.SemaphoreType.DMA,
        pltpu.SemaphoreType.DMA,
        pltpu.SemaphoreType.DMA,
        pltpu.SemaphoreType.DMA,
    ],
)
def _sc_agg(h_hbm, src_hbm, dst_hbm, out_hbm, si_v, di_v, rb0, rb1, rb2,
            acc_sh, g0, g1, g2, s0, s1, s2):
    rows = (rb0, rb1, rb2)
    gsem = (g0, g1, g2)
    ssem = (s0, s1, s2)
    c = lax.axis_index("c")
    s = lax.axis_index("s")
    wid = s * NC + c

    def zrow(i, carry):
        def zcol(j, inner):
            rb0[i, pl.ds(j * 16, 16)] = jnp.zeros((16,), jnp.float32)
            return inner

        return lax.fori_loop(0, D // 16, zcol, carry)

    lax.fori_loop(0, K, zrow, 0)

    r0 = s * 640
    nz = jnp.where(s == NS - 1, 5, 8)

    def zcopy(z, carry):
        pltpu.sync_copy(rb0, acc_sh.at[pl.ds(r0 + z * K, K)])
        return carry

    lax.fori_loop(0, nz, zcopy, 0)

    def g_desc(j, b):
        return pltpu.make_async_copy(h_hbm.at[si_v.at[j]], rows[b], gsem[b])

    def s_desc(j, b):
        return pltpu.make_async_copy(rows[b], acc_sh.at[di_v.at[j]], ssem[b])

    def step(j, b):
        g_desc(j, b).wait()
        s_desc(j, b).start(add=True)

    def run_seg(cnt):
        g_desc(0, 0).start()
        g_desc(1, 1).start()
        step(0, 0)
        g_desc(2, 2).start()
        nt = (cnt - 4) // 3

        def group(t, carry):
            for i in range(3):
                j = 1 + 3 * t + i
                b = (1 + i) % 3
                step(j, b)
                s_desc(j - 1, (b + 2) % 3).wait()
                g_desc(j + 2, (b + 2) % 3).start()
            return carry

        lax.fori_loop(0, nt, group, 0)
        for j in range(3 * nt + 1, cnt):
            step(j, j % 3)
            s_desc(j - 1, (j - 1) % 3).wait()
            if j + 2 <= cnt - 1:
                g_desc(j + 2, (j + 2) % 3).start()
        s_desc(cnt - 1, (cnt - 1) % 3).wait()

    off = 0
    for gi, cnt in enumerate(SEGS):
        pltpu.sync_copy(src_hbm.at[wid, pl.ds(off, cnt)], si_v.at[pl.ds(0, cnt)])
        pltpu.sync_copy(dst_hbm.at[wid, pl.ds(off, cnt)], di_v.at[pl.ds(0, cnt)])
        if gi == 0:
            plsc.subcore_barrier()
        run_seg(cnt)
        off += cnt
    plsc.subcore_barrier()

    def wcopy(z, carry):
        pltpu.sync_copy(acc_sh.at[pl.ds(r0 + z * K, K)], rb0)
        pltpu.sync_copy(rb0, out_hbm.at[c, pl.ds(r0 + z * K, K)])
        return carry

    lax.fori_loop(0, nz, wcopy, 0)


def _tc_h1p(x, degT, W1):
    def body(x_ref, dg_ref, w_ref, hp_ref, dinv_ref):
        d = dg_ref[:, 0:1] + dg_ref[:, 1:2] + 1.0
        dinv = lax.rsqrt(d)
        mm = jnp.dot(x_ref[...], w_ref[...], preferred_element_type=jnp.float32)
        hp_ref[...] = dinv * mm
        dinv_ref[...] = dinv

    return pl.pallas_call(
        body,
        grid=(NBLK,),
        in_specs=[
            pl.BlockSpec((BN, D), lambda i: (i, 0)),
            pl.BlockSpec((BN, 2), lambda i: (i, 0)),
            pl.BlockSpec((D, D), lambda i: (0, 0)),
        ],
        out_specs=[
            pl.BlockSpec((BN, D), lambda i: (i, 0)),
            pl.BlockSpec((BN, 1), lambda i: (i, 0)),
        ],
        out_shape=[
            jax.ShapeDtypeStruct((N, D), jnp.float32),
            jax.ShapeDtypeStruct((N, 1), jnp.float32),
        ],
    )(x, degT, W1)


def _tc_mid(acc0, acc1, h1p, dinv, b1r, W2):
    def body(a0, a1, hp, dv, br, w_ref, out_ref):
        h1 = jnp.maximum(dv[...] * (a0[...] + a1[...] + hp[...]) + br[...], 0.0)
        out_ref[...] = dv[...] * jnp.dot(
            h1, w_ref[...], preferred_element_type=jnp.float32
        )

    return pl.pallas_call(
        body,
        grid=(NBLK,),
        in_specs=[
            pl.BlockSpec((BN, D), lambda i: (i, 0)),
            pl.BlockSpec((BN, D), lambda i: (i, 0)),
            pl.BlockSpec((BN, D), lambda i: (i, 0)),
            pl.BlockSpec((BN, 1), lambda i: (i, 0)),
            pl.BlockSpec((1, D), lambda i: (0, 0)),
            pl.BlockSpec((D, D), lambda i: (0, 0)),
        ],
        out_specs=pl.BlockSpec((BN, D), lambda i: (i, 0)),
        out_shape=jax.ShapeDtypeStruct((N, D), jnp.float32),
    )(acc0, acc1, h1p, dinv, b1r, W2)


def _tc_final(acc0, acc1, h2p, dinv, b2r, batch_col, W_fc, bfc_r):
    def body(a0, a1, hp, dv, br, bt, wf, bf, out_ref, sums, cnts):
        i = pl.program_id(0)

        @pl.when(i == 0)
        def _init():
            sums[...] = jnp.zeros((G, D), jnp.float32)
            cnts[...] = jnp.zeros((G, D), jnp.float32)

        h2 = jnp.maximum(dv[...] * (a0[...] + a1[...] + hp[...]) + br[...], 0.0)
        gids = lax.broadcasted_iota(jnp.int32, (BN, G), 1)
        onehot = (gids == bt[...]).astype(jnp.float32)
        dims = (((0,), (0,)), ((), ()))
        sums[...] += lax.dot_general(
            onehot, h2, dims, preferred_element_type=jnp.float32
        )
        cnts[...] += lax.dot_general(
            onehot, jnp.ones((BN, D), jnp.float32), dims,
            preferred_element_type=jnp.float32,
        )

        @pl.when(i == NBLK - 1)
        def _fin():
            pooled = sums[...] / jnp.maximum(cnts[...], 1.0)
            out_ref[...] = (
                jnp.dot(pooled, wf[...], preferred_element_type=jnp.float32) + bf[...]
            )

    return pl.pallas_call(
        body,
        grid=(NBLK,),
        in_specs=[
            pl.BlockSpec((BN, D), lambda i: (i, 0)),
            pl.BlockSpec((BN, D), lambda i: (i, 0)),
            pl.BlockSpec((BN, D), lambda i: (i, 0)),
            pl.BlockSpec((BN, 1), lambda i: (i, 0)),
            pl.BlockSpec((1, D), lambda i: (0, 0)),
            pl.BlockSpec((BN, 1), lambda i: (i, 0)),
            pl.BlockSpec((D, D), lambda i: (0, 0)),
            pl.BlockSpec((1, D), lambda i: (0, 0)),
        ],
        out_specs=pl.BlockSpec((G, D), lambda i: (0, 0)),
        out_shape=jax.ShapeDtypeStruct((G, D), jnp.float32),
        scratch_shapes=[
            pltpu.VMEM((G, D), jnp.float32),
            pltpu.VMEM((G, D), jnp.float32),
        ],
    )(acc0, acc1, h2p, dinv, b2r, batch_col, W_fc, bfc_r)


@jax.jit
def _impl(x, edge_index, batch, W1, b1, W2, b2, W_fc, b_fc):
    src3 = edge_index[0].reshape(NW, NCH, K)
    dst3 = edge_index[1].reshape(NW, NCH, K)

    deg2 = _sc_deg(dst3).reshape(NC, DEG_PAD)
    degT = jnp.transpose(deg2)[:N]

    h1p, dinv = _tc_h1p(x, degT, W1)
    acc1 = _sc_agg(h1p, src3, dst3)
    h2p = _tc_mid(acc1[0], acc1[1], h1p, dinv, b1.reshape(1, D), W2)
    acc2 = _sc_agg(h2p, src3, dst3)
    out = _tc_final(
        acc2[0], acc2[1], h2p, dinv,
        b2.reshape(1, D), batch.reshape(N, 1), W_fc, b_fc.reshape(1, D),
    )
    return out


def kernel(x, edge_index, batch, W1, b1, W2, b2, W_fc, b_fc):
    return _impl(x, edge_index, batch, W1, b1, W2, b2, W_fc, b_fc)

# --- scband reference (transcript-rebuilt; emitter-appended) ---
"""Pipeline reference for scband-graph-matching-network-50921132261403 (READ-ONLY COPY).

The authoritative reference and input builder live on the scoring server;
editing this copy changes nothing except your own understanding.
"""

import jax, jax.numpy as jnp
import numpy as np

N = 10000
E = 320000
D_IN = 128
D_H = 128
D_OUT = 128
G = 64


def setup_inputs(seed: int = 0) -> dict:
    key = jax.random.key(seed)
    ks = jax.random.split(key, 10)
    x = jax.random.normal(ks[0], (N, D_IN), dtype=jnp.float32)
    edge_index = jax.random.randint(ks[1], (2, E), 0, N, dtype=jnp.int32)
    batch = jnp.sort(jax.random.randint(ks[2], (N,), 0, G, dtype=jnp.int32))
    W1 = jax.random.normal(ks[3], (D_IN, D_H), dtype=jnp.float32) * (1.0 / np.sqrt(D_IN))
    b1 = jnp.zeros((D_H,), dtype=jnp.float32)
    W2 = jax.random.normal(ks[4], (D_H, D_H), dtype=jnp.float32) * (1.0 / np.sqrt(D_H))
    b2 = jnp.zeros((D_H,), dtype=jnp.float32)
    W_fc = jax.random.normal(ks[5], (D_H, D_OUT), dtype=jnp.float32) * (1.0 / np.sqrt(D_H))
    b_fc = jnp.zeros((D_OUT,), dtype=jnp.float32)
    return {"x": x, "edge_index": edge_index, "batch": batch,
            "W1": W1, "b1": b1, "W2": W2, "b2": b2, "W_fc": W_fc, "b_fc": b_fc}


def _gcn_conv(x, edge_index, W, b):
    # PyG GCNConv: add self-loops, symmetric normalization D^-1/2 (A+I) D^-1/2 X W + b
    src = edge_index[0]
    dst = edge_index[1]
    loop = jnp.arange(N, dtype=src.dtype)
    src_f = jnp.concatenate([src, loop])
    dst_f = jnp.concatenate([dst, loop])
    deg = jnp.zeros((N,), dtype=x.dtype).at[dst_f].add(1.0)
    dinv = jax.lax.rsqrt(deg)  # deg >= 1 due to self-loops
    norm = dinv[src_f] * dinv[dst_f]
    h = x @ W
    msg = jnp.take(h, src_f, axis=0) * norm[:, None]
    out = jax.ops.segment_sum(msg, dst_f, num_segments=N)
    return out + b


def _global_mean_pool(x, batch):
    sums = jax.ops.segment_sum(x, batch, num_segments=G)
    counts = jax.ops.segment_sum(jnp.ones((N,), dtype=x.dtype), batch, num_segments=G)
    return sums / jnp.maximum(counts, 1.0)[:, None]


def reference(x, edge_index, batch, W1, b1, W2, b2, W_fc, b_fc):
    h = jax.nn.relu(_gcn_conv(x, edge_index, W1, b1))
    h = jax.nn.relu(_gcn_conv(h, edge_index, W2, b2))
    pooled = _global_mean_pool(h, batch)
    out = pooled @ W_fc + b_fc
    return out

if __name__ == "__main__":
    import jax
    _d = setup_inputs()
    print(jax.jit(kernel)(*tuple(_d.values())))

</pallas_src>

<mosaic_0001>
#map = affine_map<(d0, d1) -> (0, 0)>
#map1 = affine_map<(d0, d1) -> (0, 0, 0)>
module attributes {stable_mosaic.version = 14 : i64} {
  func.func @_sc_agg(%arg0: i32, %arg1: i32, %arg2: memref<10000x128xf32, #tpu.memory_space<hbm>>, %arg3: memref<32x125x80xi32, #tpu.memory_space<hbm>>, %arg4: memref<32x125x80xi32, #tpu.memory_space<hbm>>, %arg5: memref<2x10000x128xf32, #tpu.memory_space<hbm>>, %arg6: memref<64x80xi32, #tpu.memory_space<vmem>>, %arg7: memref<64x80xi32, #tpu.memory_space<vmem>>, %arg8: memref<80x128xf32, #tpu.memory_space<vmem>>, %arg9: memref<80x128xf32, #tpu.memory_space<vmem>>, %arg10: memref<80x128xf32, #tpu.memory_space<vmem>>, %arg11: memref<10000x128xf32, #tpu.memory_space<vmem_shared>>, %arg12: memref<!tpu.dma_semaphore, #tpu.memory_space<semaphore_mem>>, %arg13: memref<!tpu.dma_semaphore, #tpu.memory_space<semaphore_mem>>, %arg14: memref<!tpu.dma_semaphore, #tpu.memory_space<semaphore_mem>>, %arg15: memref<!tpu.dma_semaphore, #tpu.memory_space<semaphore_mem>>, %arg16: memref<!tpu.dma_semaphore, #tpu.memory_space<semaphore_mem>>, %arg17: memref<!tpu.dma_semaphore, #tpu.memory_space<semaphore_mem>>) attributes {dimension_semantics = [#tpu.dimension_semantics<core_parallel>, #tpu.dimension_semantics<subcore_parallel>], iteration_bounds = array<i64: 2, 16>, scalar_prefetch = 0 : i64, scratch_operands = 12 : i64, tpu.core_type = #tpu.core_type<sc_vector_subcore>, window_params = [{transform_indices = #map}, {transform_indices = #map1}, {transform_indices = #map1}, {transform_indices = #map1}]} {
    %mul3A = arith.constant 2 : i32
    %mul3A_0 = arith.muli %arg1, %mul3A : i32
    %add3A = arith.addi %mul3A_0, %arg0 : i32
    %scan3A = arith.constant 0 : i32
    %scan3A_1 = arith.constant 0 : i32
    %scan3A_2 = arith.constant 80 : i32
    %scan3A_3 = arith.addi %scan3A_1, %scan3A_2 : i32
    %scan3A_4 = arith.constant 1 : i32
    scf.for %scan3A_264 = %scan3A_1 to %scan3A_3 step %scan3A_4  : i32 {
      %scan3A_265 = arith.constant 0 : i32
      %scan3A_266 = arith.constant 8 : i32
      %scan3A_267 = arith.addi %scan3A_265, %scan3A_266 : i32
      %scan3A_268 = arith.constant 1 : i32
      scf.for %scan3A_270 = %scan3A_265 to %scan3A_267 step %scan3A_268  : i32 {
        %broadcast_in_dim3A = arith.constant 0.000000e+00 : f32
        %broadcast_in_dim3A_271 = vector.broadcast %broadcast_in_dim3A : f32 to vector<16xf32>
        %mul3A_272 = arith.constant 16 : i32
        %mul3A_273 = arith.muli %scan3A_270, %mul3A_272 : i32
        %swap3A = arith.index_cast %scan3A_264 : i32 to index
        %swap3A_274 = arith.index_cast %mul3A_273 : i32 to index
        %swap3A_275 = tpu.vector_load %arg8[%swap3A, %swap3A_274] {strides = array<i32>} : memref<80x128xf32, #tpu.memory_space<vmem>>, vector<1x16xf32>,
        %swap3A_276 = vector.shape_cast %swap3A_275 : vector<1x16xf32> to vector<16xf32>
        %swap3A_277 = vector.shape_cast %broadcast_in_dim3A_271 : vector<16xf32> to vector<1x16xf32>
        tpu.vector_store %arg8[%swap3A, %swap3A_274], %swap3A_277 {strides = array<i32>} : memref<80x128xf32, #tpu.memory_space<vmem>>, vector<1x16xf32>,
      }
      %scan3A_269 = arith.constant 8 : i32
    }
    %scan3A_5 = arith.constant 80 : i32
    %mul3A_6 = arith.constant 640 : i32
    %mul3A_7 = arith.muli %arg1, %mul3A_6 : i32
    %eq3A = arith.constant 15 : i32
    %eq3A_8 = arith.cmpi eq, %arg1, %eq3A : i32
    %jit3A = arith.constant 5 : i32
    %jit3A_9 = arith.constant 8 : i32
    %select_n3A = arith.select %eq3A_8, %jit3A, %jit3A_9 : i32
    %while3A = arith.constant 0 : i32
    %while3A_10 = arith.constant 0 : i32
    %while3A_11 = arith.subi %select_n3A, %while3A_10 : i32
    %while3A_12 = arith.addi %while3A_10, %while3A_11 : i32
    %while3A_13 = arith.constant 1 : i32
    %while3A_14 = arith.divsi %while3A_11, %while3A_13 : i32
    %while3A_15 = arith.muli %while3A_14, %while3A_13 : i32
    %while3A_16 = arith.addi %while3A_10, %while3A_15 : i32
    %while3A_17 = arith.constant 1 : i32
    scf.for %while3A_264 = %while3A_10 to %while3A_16 step %while3A_17  : i32 {
      %mul3A_265 = arith.constant 80 : i32
      %mul3A_266 = arith.muli %while3A_264, %mul3A_265 : i32
      %add3A_267 = arith.addi %mul3A_7, %mul3A_266 : i32
      "tpu.region"() ({
        %run_scoped3A = tpu.sem_alloc : memref<!tpu.dma_semaphore, #tpu.memory_space<semaphore_mem>>
        %dma_start3A_268 = arith.constant 0 : i32
        %dma_start3A_269 = tpu.memref_slice %arg11[%add3A_267, %dma_start3A_268] : memref<10000x128xf32, #tpu.memory_space<vmem_shared>> -> memref<80x128xf32, #tpu.memory_space<vmem_shared>>
        %dma_start3A_270 = arith.constant 0 : i32
        %dma_start3A_271 = tpu.memref_slice %arg11[%add3A_267, %dma_start3A_270] : memref<10000x128xf32, #tpu.memory_space<vmem_shared>> -> memref<80x128xf32, #tpu.memory_space<vmem_shared>>
        tpu.enqueue_dma source(%arg8 : memref<80x128xf32, #tpu.memory_space<vmem>>) target(%dma_start3A_271 : memref<80x128xf32, #tpu.memory_space<vmem_shared>>) target_semaphore(%run_scoped3A : memref<!tpu.dma_semaphore, #tpu.memory_space<semaphore_mem>>)
        %dma_wait3A_272 = arith.constant 0 : i32
        %dma_wait3A_273 = tpu.memref_slice %arg11[%add3A_267, %dma_wait3A_272] : memref<10000x128xf32, #tpu.memory_space<vmem_shared>> -> memref<80x128xf32, #tpu.memory_space<vmem_shared>>
        %dma_wait3A_274 = arith.constant 0 : i32
        %dma_wait3A_275 = tpu.memref_slice %arg11[%add3A_267, %dma_wait3A_274] : memref<10000x128xf32, #tpu.memory_space<vmem_shared>> -> memref<80x128xf32, #tpu.memory_space<vmem_shared>>
        tpu.wait_dma2 semaphore(%run_scoped3A : memref<!tpu.dma_semaphore, #tpu.memory_space<semaphore_mem>>) src(%arg8 : memref<80x128xf32, #tpu.memory_space<vmem>>) dst(%dma_wait3A_275 : memref<80x128xf32, #tpu.memory_space<vmem_shared>>)
        tpu.yield
      }) : () -> ()
    }
    %while3A_18 = arith.constant 1 : i32
    scf.for %while3A_264 = %while3A_16 to %while3A_12 step %while3A_18  : i32 {
      %mul3A_265 = arith.constant 80 : i32
      %mul3A_266 = arith.muli %while3A_264, %mul3A_265 : i32
      %add3A_267 = arith.addi %mul3A_7, %mul3A_266 : i32
      "tpu.region"() ({
        %run_scoped3A = tpu.sem_alloc : memref<!tpu.dma_semaphore, #tpu.memory_space<semaphore_mem>>
        %dma_start3A_268 = arith.constant 0 : i32
        %dma_start3A_269 = tpu.memref_slice %arg11[%add3A_267, %dma_start3A_268] : memref<10000x128xf32, #tpu.memory_space<vmem_shared>> -> memref<80x128xf32, #tpu.memory_space<vmem_shared>>
        %dma_start3A_270 = arith.constant 0 : i32
        %dma_start3A_271 = tpu.memref_slice %arg11[%add3A_267, %dma_start3A_270] : memref<10000x128xf32, #tpu.memory_space<vmem_shared>> -> memref<80x128xf32, #tpu.memory_space<vmem_shared>>
        tpu.enqueue_dma source(%arg8 : memref<80x128xf32, #tpu.memory_space<vmem>>) target(%dma_start3A_271 : memref<80x128xf32, #tpu.memory_space<vmem_shared>>) target_semaphore(%run_scoped3A : memref<!tpu.dma_semaphore, #tpu.memory_space<semaphore_mem>>)
        %dma_wait3A_272 = arith.constant 0 : i32
        %dma_wait3A_273 = tpu.memref_slice %arg11[%add3A_267, %dma_wait3A_272] : memref<10000x128xf32, #tpu.memory_space<vmem_shared>> -> memref<80x128xf32, #tpu.memory_space<vmem_shared>>
        %dma_wait3A_274 = arith.constant 0 : i32
        %dma_wait3A_275 = tpu.memref_slice %arg11[%add3A_267, %dma_wait3A_274] : memref<10000x128xf32, #tpu.memory_space<vmem_shared>> -> memref<80x128xf32, #tpu.memory_space<vmem_shared>>
        tpu.wait_dma2 semaphore(%run_scoped3A : memref<!tpu.dma_semaphore, #tpu.memory_space<semaphore_mem>>) src(%arg8 : memref<80x128xf32, #tpu.memory_space<vmem>>) dst(%dma_wait3A_275 : memref<80x128xf32, #tpu.memory_space<vmem_shared>>)
        tpu.yield
      }) : () -> ()
    }
    "tpu.region"() ({
      %run_scoped3A = tpu.sem_alloc : memref<!tpu.dma_semaphore, #tpu.memory_space<semaphore_mem>>
      %dma_start3A_264 = arith.constant 0 : i32
      %dma_start3A_265 = arith.constant 0 : i32
      %dma_start3A_266 = tpu.memref_slice %arg6[%dma_start3A_264, %dma_start3A_265] : memref<64x80xi32, #tpu.memory_space<vmem>> -> memref<64x80xi32, #tpu.memory_space<vmem>>
      %dma_start3A_267 = arith.constant 0 : i32
      %dma_start3A_268 = arith.constant 0 : i32
      %dma_start3A_269 = tpu.memref_slice %arg3[%add3A, %dma_start3A_267, %dma_start3A_268] : memref<32x125x80xi32, #tpu.memory_space<hbm>> -> memref<1x64x80xi32, #tpu.memory_space<hbm>>
      %dma_start3A_270 = tpu.memref_squeeze %dma_start3A_269 : memref<1x64x80xi32, #tpu.memory_space<hbm>> -> memref<64x80xi32, #tpu.memory_space<hbm>>
      %dma_start3A_271 = arith.constant 0 : i32
      %dma_start3A_272 = arith.constant 0 : i32
      %dma_start3A_273 = tpu.memref_slice %arg6[%dma_start3A_271, %dma_start3A_272] : memref<64x80xi32, #tpu.memory_space<vmem>> -> memref<64x80xi32, #tpu.memory_space<vmem>>
      %dma_start3A_274 = arith.constant 0 : i32
      %dma_start3A_275 = arith.constant 0 : i32
      %dma_start3A_276 = tpu.memref_slice %arg3[%add3A, %dma_start3A_274, %dma_start3A_275] : memref<32x125x80xi32, #tpu.memory_space<hbm>> -> memref<1x64x80xi32, #tpu.memory_space<hbm>>
      %dma_start3A_277 = tpu.memref_squeeze %dma_start3A_276 : memref<1x64x80xi32, #tpu.memory_space<hbm>> -> memref<64x80xi32, #tpu.memory_space<hbm>>
      tpu.enqueue_dma source(%dma_start3A_277 : memref<64x80xi32, #tpu.memory_space<hbm>>) target(%dma_start3A_273 : memref<64x80xi32, #tpu.memory_space<vmem>>) target_semaphore(%run_scoped3A : memref<!tpu.dma_semaphore, #tpu.memory_space<semaphore_mem>>)
      %dma_wait3A_278 = arith.constant 0 : i32
      %dma_wait3A_279 = arith.constant 0 : i32
      %dma_wait3A_280 = tpu.memref_slice %arg6[%dma_wait3A_278, %dma_wait3A_279] : memref<64x80xi32, #tpu.memory_space<vmem>> -> memref<64x80xi32, #tpu.memory_space<vmem>>
      %dma_wait3A_281 = arith.constant 0 : i32
      %dma_wait3A_282 = arith.constant 0 : i32
      %dma_wait3A_283 = tpu.memref_slice %arg3[%add3A, %dma_wait3A_281, %dma_wait3A_282] : memref<32x125x80xi32, #tpu.memory_space<hbm>> -> memref<1x64x80xi32, #tpu.memory_space<hbm>>
      %dma_wait3A_284 = tpu.memref_squeeze %dma_wait3A_283 : memref<1x64x80xi32, #tpu.memory_space<hbm>> -> memref<64x80xi32, #tpu.memory_space<hbm>>
      %dma_wait3A_285 = arith.constant 0 : i32
      %dma_wait3A_286 = arith.constant 0 : i32
      %dma_wait3A_287 = tpu.memref_slice %arg6[%dma_wait3A_285, %dma_wait3A_286] : memref<64x80xi32, #tpu.memory_space<vmem>> -> memref<64x80xi32, #tpu.memory_space<vmem>>
      %dma_wait3A_288 = arith.constant 0 : i32
      %dma_wait3A_289 = arith.constant 0 : i32
      %dma_wait3A_290 = tpu.memref_slice %arg3[%add3A, %dma_wait3A_288, %dma_wait3A_289] : memref<32x125x80xi32, #tpu.memory_space<hbm>> -> memref<1x64x80xi32, #tpu.memory_space<hbm>>
      %dma_wait3A_291 = tpu.memref_squeeze %dma_wait3A_290 : memref<1x64x80xi32, #tpu.memory_space<hbm>> -> memref<64x80xi32, #tpu.memory_space<hbm>>
      tpu.wait_dma2 semaphore(%run_scoped3A : memref<!tpu.dma_semaphore, #tpu.memory_space<semaphore_mem>>) src(%dma_wait3A_291 : memref<64x80xi32, #tpu.memory_space<hbm>>) dst(%dma_wait3A_287 : memref<64x80xi32, #tpu.memory_space<vmem>>)
      tpu.yield
    }) : () -> ()
    "tpu.region"() ({
      %run_scoped3A = tpu.sem_alloc : memref<!tpu.dma_semaphore, #tpu.memory_space<semaphore_mem>>
      %dma_start3A_264 = arith.constant 0 : i32
      %dma_start3A_265 = arith.constant 0 : i32
      %dma_start3A_266 = tpu.memref_slice %arg7[%dma_start3A_264, %dma_start3A_265] : memref<64x80xi32, #tpu.memory_space<vmem>> -> memref<64x80xi32, #tpu.memory_space<vmem>>
      %dma_start3A_267 = arith.constant 0 : i32
      %dma_start3A_268 = arith.constant 0 : i32
      %dma_start3A_269 = tpu.memref_slice %arg4[%add3A, %dma_start3A_267, %dma_start3A_268] : memref<32x125x80xi32, #tpu.memory_space<hbm>> -> memref<1x64x80xi32, #tpu.memory_space<hbm>>
      %dma_start3A_270 = tpu.memref_squeeze %dma_start3A_269 : memref<1x64x80xi32, #tpu.memory_space<hbm>> -> memref<64x80xi32, #tpu.memory_space<hbm>>
      %dma_start3A_271 = arith.constant 0 : i32
      %dma_start3A_272 = arith.constant 0 : i32
      %dma_start3A_273 = tpu.memref_slice %arg7[%dma_start3A_271, %dma_start3A_272] : memref<64x80xi32, #tpu.memory_space<vmem>> -> memref<64x80xi32, #tpu.memory_space<vmem>>
      %dma_start3A_274 = arith.constant 0 : i32
      %dma_start3A_275 = arith.constant 0 : i32
      %dma_start3A_276 = tpu.memref_slice %arg4[%add3A, %dma_start3A_274, %dma_start3A_275] : memref<32x125x80xi32, #tpu.memory_space<hbm>> -> memref<1x64x80xi32, #tpu.memory_space<hbm>>
      %dma_start3A_277 = tpu.memref_squeeze %dma_start3A_276 : memref<1x64x80xi32, #tpu.memory_space<hbm>> -> memref<64x80xi32, #tpu.memory_space<hbm>>
      tpu.enqueue_dma source(%dma_start3A_277 : memref<64x80xi32, #tpu.memory_space<hbm>>) target(%dma_start3A_273 : memref<64x80xi32, #tpu.memory_space<vmem>>) target_semaphore(%run_scoped3A : memref<!tpu.dma_semaphore, #tpu.memory_space<semaphore_mem>>)
      %dma_wait3A_278 = arith.constant 0 : i32
      %dma_wait3A_279 = arith.constant 0 : i32
      %dma_wait3A_280 = tpu.memref_slice %arg7[%dma_wait3A_278, %dma_wait3A_279] : memref<64x80xi32, #tpu.memory_space<vmem>> -> memref<64x80xi32, #tpu.memory_space<vmem>>
      %dma_wait3A_281 = arith.constant 0 : i32
      %dma_wait3A_282 = arith.constant 0 : i32
      %dma_wait3A_283 = tpu.memref_slice %arg4[%add3A, %dma_wait3A_281, %dma_wait3A_282] : memref<32x125x80xi32, #tpu.memory_space<hbm>> -> memref<1x64x80xi32, #tpu.memory_space<hbm>>
      %dma_wait3A_284 = tpu.memref_squeeze %dma_wait3A_283 : memref<1x64x80xi32, #tpu.memory_space<hbm>> -> memref<64x80xi32, #tpu.memory_space<hbm>>
      %dma_wait3A_285 = arith.constant 0 : i32
      %dma_wait3A_286 = arith.constant 0 : i32
      %dma_wait3A_287 = tpu.memref_slice %arg7[%dma_wait3A_285, %dma_wait3A_286] : memref<64x80xi32, #tpu.memory_space<vmem>> -> memref<64x80xi32, #tpu.memory_space<vmem>>
      %dma_wait3A_288 = arith.constant 0 : i32
      %dma_wait3A_289 = arith.constant 0 : i32
      %dma_wait3A_290 = tpu.memref_slice %arg4[%add3A, %dma_wait3A_288, %dma_wait3A_289] : memref<32x125x80xi32, #tpu.memory_space<hbm>> -> memref<1x64x80xi32, #tpu.memory_space<hbm>>
      %dma_wait3A_291 = tpu.memref_squeeze %dma_wait3A_290 : memref<1x64x80xi32, #tpu.memory_space<hbm>> -> memref<64x80xi32, #tpu.memory_space<hbm>>
      tpu.wait_dma2 semaphore(%run_scoped3A : memref<!tpu.dma_semaphore, #tpu.memory_space<semaphore_mem>>) src(%dma_wait3A_291 : memref<64x80xi32, #tpu.memory_space<hbm>>) dst(%dma_wait3A_287 : memref<64x80xi32, #tpu.memory_space<vmem>>)
      tpu.yield
    }) : () -> ()
    %barrier3A = arith.constant 0 : index
    tpu.barrier barrier_id(%barrier3A)
    %dma_start3A = arith.constant 0 : i32
    %dma_start3A_19 = arith.constant 0 : i32
    %dma_start3A_20 = tpu.memref_slice %arg6[%dma_start3A, %dma_start3A_19] : memref<64x80xi32, #tpu.memory_space<vmem>> -> memref<1x80xi32, #tpu.memory_space<vmem>>
    %dma_start3A_21 = tpu.memref_squeeze %dma_start3A_20 : memref<1x80xi32, #tpu.memory_space<vmem>> -> memref<80xi32, #tpu.memory_space<vmem>>
    %dma_start3A_22 = arith.constant 0 : i32
    %dma_start3A_23 = arith.constant 0 : i32
    %dma_start3A_24 = tpu.memref_slice %arg2[%dma_start3A_22, %dma_start3A_23] : memref<10000x128xf32, #tpu.memory_space<hbm>> -> memref<10000x128xf32, #tpu.memory_space<hbm>>
    tpu.enqueue_indirect_dma source(%dma_start3A_24 : memref<10000x128xf32, #tpu.memory_space<hbm>>) target(%arg8 : memref<80x128xf32, #tpu.memory_space<vmem>>) offsets(%dma_start3A_21 : memref<80xi32, #tpu.memory_space<vmem>>) semaphore(%arg12 : memref<!tpu.dma_semaphore, #tpu.memory_space<semaphore_mem>>)
    %dma_start3A_25 = arith.constant 1 : i32
    %dma_start3A_26 = arith.constant 0 : i32
    %dma_start3A_27 = tpu.memref_slice %arg6[%dma_start3A_25, %dma_start3A_26] : memref<64x80xi32, #tpu.memory_space<vmem>> -> memref<1x80xi32, #tpu.memory_space<vmem>>
    %dma_start3A_28 = tpu.memref_squeeze %dma_start3A_27 : memref<1x80xi32, #tpu.memory_space<vmem>> -> memref<80xi32, #tpu.memory_space<vmem>>
    %dma_start3A_29 = arith.constant 0 : i32
    %dma_start3A_30 = arith.constant 0 : i32
    %dma_start3A_31 = tpu.memref_slice %arg2[%dma_start3A_29, %dma_start3A_30] : memref<10000x128xf32, #tpu.memory_space<hbm>> -> memref<10000x128xf32, #tpu.memory_space<hbm>>
    tpu.enqueue_indirect_dma source(%dma_start3A_31 : memref<10000x128xf32, #tpu.memory_space<hbm>>) target(%arg9 : memref<80x128xf32, #tpu.memory_space<vmem>>) offsets(%dma_start3A_28 : memref<80xi32, #tpu.memory_space<vmem>>) semaphore(%arg13 : memref<!tpu.dma_semaphore, #tpu.memory_space<semaphore_mem>>)
    %dma_wait3A = arith.constant 0 : i32
    %dma_wait3A_32 = arith.constant 0 : i32
    %dma_wait3A_33 = tpu.memref_slice %arg6[%dma_wait3A, %dma_wait3A_32] : memref<64x80xi32, #tpu.memory_space<vmem>> -> memref<1x80xi32, #tpu.memory_space<vmem>>
    %dma_wait3A_34 = tpu.memref_squeeze %dma_wait3A_33 : memref<1x80xi32, #tpu.memory_space<vmem>> -> memref<80xi32, #tpu.memory_space<vmem>>
    %dma_wait3A_35 = arith.constant 0 : i32
    %dma_wait3A_36 = arith.constant 0 : i32
    %dma_wait3A_37 = tpu.memref_slice %arg2[%dma_wait3A_35, %dma_wait3A_36] : memref<10000x128xf32, #tpu.memory_space<hbm>> -> memref<10000x128xf32, #tpu.memory_space<hbm>>
    tpu.wait_indirect_dma semaphore(%arg12 : memref<!tpu.dma_semaphore, #tpu.memory_space<semaphore_mem>>) src(%dma_wait3A_37 : memref<10000x128xf32, #tpu.memory_space<hbm>>) dst(%arg8 : memref<80x128xf32, #tpu.memory_space<vmem>>)
    %dma_start3A_38 = arith.constant 0 : i32
    %dma_start3A_39 = arith.constant 0 : i32
    %dma_start3A_40 = tpu.memref_slice %arg7[%dma_start3A_38, %dma_start3A_39] : memref<64x80xi32, #tpu.memory_space<vmem>> -> memref<1x80xi32, #tpu.memory_space<vmem>>
    %dma_start3A_41 = tpu.memref_squeeze %dma_start3A_40 : memref<1x80xi32, #tpu.memory_space<vmem>> -> memref<80xi32, #tpu.memory_space<vmem>>
    %dma_start3A_42 = arith.constant 0 : i32
    %dma_start3A_43 = arith.constant 0 : i32
    %dma_start3A_44 = tpu.memref_slice %arg11[%dma_start3A_42, %dma_start3A_43] : memref<10000x128xf32, #tpu.memory_space<vmem_shared>> -> memref<10000x128xf32, #tpu.memory_space<vmem_shared>>
    tpu.enqueue_indirect_dma source(%arg8 : memref<80x128xf32, #tpu.memory_space<vmem>>) target(%dma_start3A_44 : memref<10000x128xf32, #tpu.memory_space<vmem_shared>>) offsets(%dma_start3A_41 : memref<80xi32, #tpu.memory_space<vmem>>) semaphore(%arg15 : memref<!tpu.dma_semaphore, #tpu.memory_space<semaphore_mem>>) {add = true}
    %dma_start3A_45 = arith.constant 2 : i32
    %dma_start3A_46 = arith.constant 0 : i32
    %dma_start3A_47 = tpu.memref_slice %arg6[%dma_start3A_45, %dma_start3A_46] : memref<64x80xi32, #tpu.memory_space<vmem>> -> memref<1x80xi32, #tpu.memory_space<vmem>>
    %dma_start3A_48 = tpu.memref_squeeze %dma_start3A_47 : memref<1x80xi32, #tpu.memory_space<vmem>> -> memref<80xi32, #tpu.memory_space<vmem>>
    %dma_start3A_49 = arith.constant 0 : i32
    %dma_start3A_50 = arith.constant 0 : i32
    %dma_start3A_51 = tpu.memref_slice %arg2[%dma_start3A_49, %dma_start3A_50] : memref<10000x128xf32, #tpu.memory_space<hbm>> -> memref<10000x128xf32, #tpu.memory_space<hbm>>
    tpu.enqueue_indirect_dma source(%dma_start3A_51 : memref<10000x128xf32, #tpu.memory_space<hbm>>) target(%arg10 : memref<80x128xf32, #tpu.memory_space<vmem>>) offsets(%dma_start3A_48 : memref<80xi32, #tpu.memory_space<vmem>>) semaphore(%arg14 : memref<!tpu.dma_semaphore, #tpu.memory_space<semaphore_mem>>)
    %scan3A_52 = arith.constant 0 : i32
    %scan3A_53 = arith.constant 0 : i32
    %scan3A_54 = arith.constant 20 : i32
    %scan3A_55 = arith.addi %scan3A_53, %scan3A_54 : i32
    %scan3A_56 = arith.constant 1 : i32
    scf.for %scan3A_264 = %scan3A_53 to %scan3A_55 step %scan3A_56  : i32 {
      %mul3A_265 = arith.constant 3 : i32
      %mul3A_266 = arith.muli %mul3A_265, %scan3A_264 : i32
      %add3A_267 = arith.constant 1 : i32
      %add3A_268 = arith.addi %add3A_267, %mul3A_266 : i32
      %add3A_269 = arith.constant 0 : i32
      %add3A_270 = arith.addi %add3A_268, %add3A_269 : i32
      %dma_wait3A_271 = arith.constant 0 : i32
      %dma_wait3A_272 = tpu.memref_slice %arg6[%add3A_270, %dma_wait3A_271] : memref<64x80xi32, #tpu.memory_space<vmem>> -> memref<1x80xi32, #tpu.memory_space<vmem>>
      %dma_wait3A_273 = tpu.memref_squeeze %dma_wait3A_272 : memref<1x80xi32, #tpu.memory_space<vmem>> -> memref<80xi32, #tpu.memory_space<vmem>>
      %dma_wait3A_274 = arith.constant 0 : i32
      %dma_wait3A_275 = arith.constant 0 : i32
      %dma_wait3A_276 = tpu.memref_slice %arg2[%dma_wait3A_274, %dma_wait3A_275] : memref<10000x128xf32, #tpu.memory_space<hbm>> -> memref<10000x128xf32, #tpu.memory_space<hbm>>
      tpu.wait_indirect_dma semaphore(%arg13 : memref<!tpu.dma_semaphore, #tpu.memory_space<semaphore_mem>>) src(%dma_wait3A_276 : memref<10000x128xf32, #tpu.memory_space<hbm>>) dst(%arg9 : memref<80x128xf32, #tpu.memory_space<vmem>>)
      %dma_start3A_277 = arith.constant 0 : i32
      %dma_start3A_278 = tpu.memref_slice %arg7[%add3A_270, %dma_start3A_277] : memref<64x80xi32, #tpu.memory_space<vmem>> -> memref<1x80xi32, #tpu.memory_space<vmem>>
      %dma_start3A_279 = tpu.memref_squeeze %dma_start3A_278 : memref<1x80xi32, #tpu.memory_space<vmem>> -> memref<80xi32, #tpu.memory_space<vmem>>
      %dma_start3A_280 = arith.constant 0 : i32
      %dma_start3A_281 = arith.constant 0 : i32
      %dma_start3A_282 = tpu.memref_slice %arg11[%dma_start3A_280, %dma_start3A_281] : memref<10000x128xf32, #tpu.memory_space<vmem_shared>> -> memref<10000x128xf32, #tpu.memory_space<vmem_shared>>
      tpu.enqueue_indirect_dma source(%arg9 : memref<80x128xf32, #tpu.memory_space<vmem>>) target(%dma_start3A_282 : memref<10000x128xf32, #tpu.memory_space<vmem_shared>>) offsets(%dma_start3A_279 : memref<80xi32, #tpu.memory_space<vmem>>) semaphore(%arg16 : memref<!tpu.dma_semaphore, #tpu.memory_space<semaphore_mem>>) {add = true}
      %sub3A = arith.constant 1 : i32
      %sub3A_283 = arith.subi %add3A_270, %sub3A : i32
      %dma_wait3A_284 = arith.constant 0 : i32
      %dma_wait3A_285 = tpu.memref_slice %arg7[%sub3A_283, %dma_wait3A_284] : memref<64x80xi32, #tpu.memory_space<vmem>> -> memref<1x80xi32, #tpu.memory_space<vmem>>
      %dma_wait3A_286 = tpu.memref_squeeze %dma_wait3A_285 : memref<1x80xi32, #tpu.memory_space<vmem>> -> memref<80xi32, #tpu.memory_space<vmem>>
      %dma_wait3A_287 = arith.constant 0 : i32
      %dma_wait3A_288 = arith.constant 0 : i32
      %dma_wait3A_289 = tpu.memref_slice %arg11[%dma_wait3A_287, %dma_wait3A_288] : memref<10000x128xf32, #tpu.memory_space<vmem_shared>> -> memref<10000x128xf32, #tpu.memory_space<vmem_shared>>
      tpu.wait_indirect_dma semaphore(%arg15 : memref<!tpu.dma_semaphore, #tpu.memory_space<semaphore_mem>>) src(%arg8 : memref<80x128xf32, #tpu.memory_space<vmem>>) dst(%dma_wait3A_289 : memref<10000x128xf32, #tpu.memory_space<vmem_shared>>)
      %add3A_290 = arith.constant 2 : i32
      %add3A_291 = arith.addi %add3A_270, %add3A_290 : i32
      %dma_start3A_292 = arith.constant 0 : i32
      %dma_start3A_293 = tpu.memref_slice %arg6[%add3A_291, %dma_start3A_292] : memref<64x80xi32, #tpu.memory_space<vmem>> -> memref<1x80xi32, #tpu.memory_space<vmem>>
      %dma_start3A_294 = tpu.memref_squeeze %dma_start3A_293 : memref<1x80xi32, #tpu.memory_space<vmem>> -> memref<80xi32, #tpu.memory_space<vmem>>
      %dma_start3A_295 = arith.constant 0 : i32
      %dma_start3A_296 = arith.constant 0 : i32
      %dma_start3A_297 = tpu.memref_slice %arg2[%dma_start3A_295, %dma_start3A_296] : memref<10000x128xf32, #tpu.memory_space<hbm>> -> memref<10000x128xf32, #tpu.memory_space<hbm>>
      tpu.enqueue_indirect_dma source(%dma_start3A_297 : memref<10000x128xf32, #tpu.memory_space<hbm>>) target(%arg8 : memref<80x128xf32, #tpu.memory_space<vmem>>) offsets(%dma_start3A_294 : memref<80xi32, #tpu.memory_space<vmem>>) semaphore(%arg12 : memref<!tpu.dma_semaphore, #tpu.memory_space<semaphore_mem>>)
      %mul3A_298 = arith.constant 3 : i32
      %mul3A_299 = arith.muli %mul3A_298, %scan3A_264 : i32
      %add3A_300 = arith.constant 1 : i32
      %add3A_301 = arith.addi %add3A_300, %mul3A_299 : i32
      %add3A_302 = arith.constant 1 : i32
      %add3A_303 = arith.addi %add3A_301, %add3A_302 : i32
      %dma_wait3A_304 = arith.constant 0 : i32
      %dma_wait3A_305 = tpu.memref_slice %arg6[%add3A_303, %dma_wait3A_304] : memref<64x80xi32, #tpu.memory_space<vmem>> -> memref<1x80xi32, #tpu.memory_space<vmem>>
      %dma_wait3A_306 = tpu.memref_squeeze %dma_wait3A_305 : memref<1x80xi32, #tpu.memory_space<vmem>> -> memref<80xi32, #tpu.memory_space<vmem>>
      %dma_wait3A_307 = arith.constant 0 : i32
      %dma_wait3A_308 = arith.constant 0 : i32
      %dma_wait3A_309 = tpu.memref_slice %arg2[%dma_wait3A_307, %dma_wait3A_308] : memref<10000x128xf32, #tpu.memory_space<hbm>> -> memref<10000x128xf32, #tpu.memory_space<hbm>>
      tpu.wait_indirect_dma semaphore(%arg14 : memref<!tpu.dma_semaphore, #tpu.memory_space<semaphore_mem>>) src(%dma_wait3A_309 : memref<10000x128xf32, #tpu.memory_space<hbm>>) dst(%arg10 : memref<80x128xf32, #tpu.memory_space<vmem>>)
      %dma_start3A_310 = arith.constant 0 : i32
      %dma_start3A_311 = tpu.memref_slice %arg7[%add3A_303, %dma_start3A_310] : memref<64x80xi32, #tpu.memory_space<vmem>> -> memref<1x80xi32, #tpu.memory_space<vmem>>
      %dma_start3A_312 = tpu.memref_squeeze %dma_start3A_311 : memref<1x80xi32, #tpu.memory_space<vmem>> -> memref<80xi32, #tpu.memory_space<vmem>>
      %dma_start3A_313 = arith.constant 0 : i32
      %dma_start3A_314 = arith.constant 0 : i32
      %dma_start3A_315 = tpu.memref_slice %arg11[%dma_start3A_313, %dma_start3A_314] : memref<10000x128xf32, #tpu.memory_space<vmem_shared>> -> memref<10000x128xf32, #tpu.memory_space<vmem_shared>>
      tpu.enqueue_indirect_dma source(%arg10 : memref<80x128xf32, #tpu.memory_space<vmem>>) target(%dma_start3A_315 : memref<10000x128xf32, #tpu.memory_space<vmem_shared>>) offsets(%dma_start3A_312 : memref<80xi32, #tpu.memory_space<vmem>>) semaphore(%arg17 : memref<!tpu.dma_semaphore, #tpu.memory_space<semaphore_mem>>) {add = true}
      %sub3A_316 = arith.constant 1 : i32
      %sub3A_317 = arith.subi %add3A_303, %sub3A_316 : i32
      %dma_wait3A_318 = arith.constant 0 : i32
      %dma_wait3A_319 = tpu.memref_slice %arg7[%sub3A_317, %dma_wait3A_318] : memref<64x80xi32, #tpu.memory_space<vmem>> -> memref<1x80xi32, #tpu.memory_space<vmem>>
      %dma_wait3A_320 = tpu.memref_squeeze %dma_wait3A_319 : memref<1x80xi32, #tpu.memory_space<vmem>> -> memref<80xi32, #tpu.memory_space<vmem>>
      %dma_wait3A_321 = arith.constant 0 : i32
      %dma_wait3A_322 = arith.constant 0 : i32
      %dma_wait3A_323 = tpu.memref_slice %arg11[%dma_wait3A_321, %dma_wait3A_322] : memref<10000x128xf32, #tpu.memory_space<vmem_shared>> -> memref<10000x128xf32, #tpu.memory_space<vmem_shared>>
      tpu.wait_indirect_dma semaphore(%arg16 : memref<!tpu.dma_semaphore, #tpu.memory_space<semaphore_mem>>) src(%arg9 : memref<80x128xf32, #tpu.memory_space<vmem>>) dst(%dma_wait3A_323 : memref<10000x128xf32, #tpu.memory_space<vmem_shared>>)
      %add3A_324 = arith.constant 2 : i32
      %add3A_325 = arith.addi %add3A_303, %add3A_324 : i32
      %dma_start3A_326 = arith.constant 0 : i32
      %dma_start3A_327 = tpu.memref_slice %arg6[%add3A_325, %dma_start3A_326] : memref<64x80xi32, #tpu.memory_space<vmem>> -> memref<1x80xi32, #tpu.memory_space<vmem>>
      %dma_start3A_328 = tpu.memref_squeeze %dma_start3A_327 : memref<1x80xi32, #tpu.memory_space<vmem>> -> memref<80xi32, #tpu.memory_space<vmem>>
      %dma_start3A_329 = arith.constant 0 : i32
      %dma_start3A_330 = arith.constant 0 : i32
      %dma_start3A_331 = tpu.memref_slice %arg2[%dma_start3A_329, %dma_start3A_330] : memref<10000x128xf32, #tpu.memory_space<hbm>> -> memref<10000x128xf32, #tpu.memory_space<hbm>>
      tpu.enqueue_indirect_dma source(%dma_start3A_331 : memref<10000x128xf32, #tpu.memory_space<hbm>>) target(%arg9 : memref<80x128xf32, #tpu.memory_space<vmem>>) offsets(%dma_start3A_328 : memref<80xi32, #tpu.memory_space<vmem>>) semaphore(%arg13 : memref<!tpu.dma_semaphore, #tpu.memory_space<semaphore_mem>>)
      %mul3A_332 = arith.constant 3 : i32
      %mul3A_333 = arith.muli %mul3A_332, %scan3A_264 : i32
      %add3A_334 = arith.constant 1 : i32
      %add3A_335 = arith.addi %add3A_334, %mul3A_333 : i32
      %add3A_336 = arith.constant 2 : i32
      %add3A_337 = arith.addi %add3A_335, %add3A_336 : i32
      %dma_wait3A_338 = arith.constant 0 : i32
      %dma_wait3A_339 = tpu.memref_slice %arg6[%add3A_337, %dma_wait3A_338] : memref<64x80xi32, #tpu.memory_space<vmem>> -> memref<1x80xi32, #tpu.memory_space<vmem>>
      %dma_wait3A_340 = tpu.memref_squeeze %dma_wait3A_339 : memref<1x80xi32, #tpu.memory_space<vmem>> -> memref<80xi32, #tpu.memory_space<vmem>>
      %dma_wait3A_341 = arith.constant 0 : i32
      %dma_wait3A_342 = arith.constant 0 : i32
      %dma_wait3A_343 = tpu.memref_slice %arg2[%dma_wait3A_341, %dma_wait3A_342] : memref<10000x128xf32, #tpu.memory_space<hbm>> -> memref<10000x128xf32, #tpu.memory_space<hbm>>
      tpu.wait_indirect_dma semaphore(%arg12 : memref<!tpu.dma_semaphore, #tpu.memory_space<semaphore_mem>>) src(%dma_wait3A_343 : memref<10000x128xf32, #tpu.memory_space<hbm>>) dst(%arg8 : memref<80x128xf32, #tpu.memory_space<vmem>>)
      %dma_start3A_344 = arith.constant 0 : i32
      %dma_start3A_345 = tpu.memref_slice %arg7[%add3A_337, %dma_start3A_344] : memref<64x80xi32, #tpu.memory_space<vmem>> -> memref<1x80xi32, #tpu.memory_space<vmem>>
      %dma_start3A_346 = tpu.memref_squeeze %dma_start3A_345 : memref<1x80xi32, #tpu.memory_space<vmem>> -> memref<80xi32, #tpu.memory_space<vmem>>
      %dma_start3A_347 = arith.constant 0 : i32
      %dma_start3A_348 = arith.constant 0 : i32
      %dma_start3A_349 = tpu.memref_slice %arg11[%dma_start3A_347, %dma_start3A_348] : memref<10000x128xf32, #tpu.memory_space<vmem_shared>> -> memref<10000x128xf32, #tpu.memory_space<vmem_shared>>
      tpu.enqueue_indirect_dma source(%arg8 : memref<80x128xf32, #tpu.memory_space<vmem>>) target(%dma_start3A_349 : memref<10000x128xf32, #tpu.memory_space<vmem_shared>>) offsets(%dma_start3A_346 : memref<80xi32, #tpu.memory_space<vmem>>) semaphore(%arg15 : memref<!tpu.dma_semaphore, #tpu.memory_space<semaphore_mem>>) {add = true}
      %sub3A_350 = arith.constant 1 : i32
      %sub3A_351 = arith.subi %add3A_337, %sub3A_350 : i32
      %dma_wait3A_352 = arith.constant 0 : i32
      %dma_wait3A_353 = tpu.memref_slice %arg7[%sub3A_351, %dma_wait3A_352] : memref<64x80xi32, #tpu.memory_space<vmem>> -> memref<1x80xi32, #tpu.memory_space<vmem>>
      %dma_wait3A_354 = tpu.memref_squeeze %dma_wait3A_353 : memref<1x80xi32, #tpu.memory_space<vmem>> -> memref<80xi32, #tpu.memory_space<vmem>>
      %dma_wait3A_355 = arith.constant 0 : i32
      %dma_wait3A_356 = arith.constant 0 : i32
      %dma_wait3A_357 = tpu.memref_slice %arg11[%dma_wait3A_355, %dma_wait3A_356] : memref<10000x128xf32, #tpu.memory_space<vmem_shared>> -> memref<10000x128xf32, #tpu.memory_space<vmem_shared>>
      tpu.wait_indirect_dma semaphore(%arg17 : memref<!tpu.dma_semaphore, #tpu.memory_space<semaphore_mem>>) src(%arg10 : memref<80x128xf32, #tpu.memory_space<vmem>>) dst(%dma_wait3A_357 : memref<10000x128xf32, #tpu.memory_space<vmem_shared>>)
      %add3A_358 = arith.constant 2 : i32
      %add3A_359 = arith.addi %add3A_337, %add3A_358 : i32
      %dma_start3A_360 = arith.constant 0 : i32
      %dma_start3A_361 = tpu.memref_slice %arg6[%add3A_359, %dma_start3A_360] : memref<64x80xi32, #tpu.memory_space<vmem>> -> memref<1x80xi32, #tpu.memory_space<vmem>>
      %dma_start3A_362 = tpu.memref_squeeze %dma_start3A_361 : memref<1x80xi32, #tpu.memory_space<vmem>> -> memref<80xi32, #tpu.memory_space<vmem>>
      %dma_start3A_363 = arith.constant 0 : i32
      %dma_start3A_364 = arith.constant 0 : i32
      %dma_start3A_365 = tpu.memref_slice %arg2[%dma_start3A_363, %dma_start3A_364] : memref<10000x128xf32, #tpu.memory_space<hbm>> -> memref<10000x128xf32, #tpu.memory_space<hbm>>
      tpu.enqueue_indirect_dma source(%dma_start3A_365 : memref<10000x128xf32, #tpu.memory_space<hbm>>) target(%arg10 : memref<80x128xf32, #tpu.memory_space<vmem>>) offsets(%dma_start3A_362 : memref<80xi32, #tpu.memory_space<vmem>>) semaphore(%arg14 : memref<!tpu.dma_semaphore, #tpu.memory_space<semaphore_mem>>)
    }
    %scan3A_57 = arith.constant 20 : i32
    %dma_wait3A_58 = arith.constant 61 : i32
    %dma_wait3A_59 = arith.constant 0 : i32
    %dma_wait3A_60 = tpu.memref_slice %arg6[%dma_wait3A_58, %dma_wait3A_59] : memref<64x80xi32, #tpu.memory_space<vmem>> -> memref<1x80xi32, #tpu.memory_space<vmem>>
    %dma_wait3A_61 = tpu.memref_squeeze %dma_wait3A_60 : memref<1x80xi32, #tpu.memory_space<vmem>> -> memref<80xi32, #tpu.memory_space<vmem>>
    %dma_wait3A_62 = arith.constant 0 : i32
    %dma_wait3A_63 = arith.constant 0 : i32
    %dma_wait3A_64 = tpu.memref_slice %arg2[%dma_wait3A_62, %dma_wait3A_63] : memref<10000x128xf32, #tpu.memory_space<hbm>> -> memref<10000x128xf32, #tpu.memory_space<hbm>>
    tpu.wait_indirect_dma semaphore(%arg13 : memref<!tpu.dma_semaphore, #tpu.memory_space<semaphore_mem>>) src(%dma_wait3A_64 : memref<10000x128xf32, #tpu.memory_space<hbm>>) dst(%arg9 : memref<80x128xf32, #tpu.memory_space<vmem>>)
    %dma_start3A_65 = arith.constant 61 : i32
    %dma_start3A_66 = arith.constant 0 : i32
    %dma_start3A_67 = tpu.memref_slice %arg7[%dma_start3A_65, %dma_start3A_66] : memref<64x80xi32, #tpu.memory_space<vmem>> -> memref<1x80xi32, #tpu.memory_space<vmem>>
    %dma_start3A_68 = tpu.memref_squeeze %dma_start3A_67 : memref<1x80xi32, #tpu.memory_space<vmem>> -> memref<80xi32, #tpu.memory_space<vmem>>
    %dma_start3A_69 = arith.constant 0 : i32
    %dma_start3A_70 = arith.constant 0 : i32
    %dma_start3A_71 = tpu.memref_slice %arg11[%dma_start3A_69, %dma_start3A_70] : memref<10000x128xf32, #tpu.memory_space<vmem_shared>> -> memref<10000x128xf32, #tpu.memory_space<vmem_shared>>
    tpu.enqueue_indirect_dma source(%arg9 : memref<80x128xf32, #tpu.memory_space<vmem>>) target(%dma_start3A_71 : memref<10000x128xf32, #tpu.memory_space<vmem_shared>>) offsets(%dma_start3A_68 : memref<80xi32, #tpu.memory_space<vmem>>) semaphore(%arg16 : memref<!tpu.dma_semaphore, #tpu.memory_space<semaphore_mem>>) {add = true}
    %dma_wait3A_72 = arith.constant 60 : i32
    %dma_wait3A_73 = arith.constant 0 : i32
    %dma_wait3A_74 = tpu.memref_slice %arg7[%dma_wait3A_72, %dma_wait3A_73] : memref<64x80xi32, #tpu.memory_space<vmem>> -> memref<1x80xi32, #tpu.memory_space<vmem>>
    %dma_wait3A_75 = tpu.memref_squeeze %dma_wait3A_74 : memref<1x80xi32, #tpu.memory_space<vmem>> -> memref<80xi32, #tpu.memory_space<vmem>>
    %dma_wait3A_76 = arith.constant 0 : i32
    %dma_wait3A_77 = arith.constant 0 : i32
    %dma_wait3A_78 = tpu.memref_slice %arg11[%dma_wait3A_76, %dma_wait3A_77] : memref<10000x128xf32, #tpu.memory_space<vmem_shared>> -> memref<10000x128xf32, #tpu.memory_space<vmem_shared>>
    tpu.wait_indirect_dma semaphore(%arg15 : memref<!tpu.dma_semaphore, #tpu.memory_space<semaphore_mem>>) src(%arg8 : memref<80x128xf32, #tpu.memory_space<vmem>>) dst(%dma_wait3A_78 : memref<10000x128xf32, #tpu.memory_space<vmem_shared>>)
    %dma_start3A_79 = arith.constant 63 : i32
    %dma_start3A_80 = arith.constant 0 : i32
    %dma_start3A_81 = tpu.memref_slice %arg6[%dma_start3A_79, %dma_start3A_80] : memref<64x80xi32, #tpu.memory_space<vmem>> -> memref<1x80xi32, #tpu.memory_space<vmem>>
    %dma_start3A_82 = tpu.memref_squeeze %dma_start3A_81 : memref<1x80xi32, #tpu.memory_space<vmem>> -> memref<80xi32, #tpu.memory_space<vmem>>
    %dma_start3A_83 = arith.constant 0 : i32
    %dma_start3A_84 = arith.constant 0 : i32
    %dma_start3A_85 = tpu.memref_slice %arg2[%dma_start3A_83, %dma_start3A_84] : memref<10000x128xf32, #tpu.memory_space<hbm>> -> memref<10000x128xf32, #tpu.memory_space<hbm>>
    tpu.enqueue_indirect_dma source(%dma_start3A_85 : memref<10000x128xf32, #tpu.memory_space<hbm>>) target(%arg8 : memref<80x128xf32, #tpu.memory_space<vmem>>) offsets(%dma_start3A_82 : memref<80xi32, #tpu.memory_space<vmem>>) semaphore(%arg12 : memref<!tpu.dma_semaphore, #tpu.memory_space<semaphore_mem>>)
    %dma_wait3A_86 = arith.constant 62 : i32
    %dma_wait3A_87 = arith.constant 0 : i32
    %dma_wait3A_88 = tpu.memref_slice %arg6[%dma_wait3A_86, %dma_wait3A_87] : memref<64x80xi32, #tpu.memory_space<vmem>> -> memref<1x80xi32, #tpu.memory_space<vmem>>
    %dma_wait3A_89 = tpu.memref_squeeze %dma_wait3A_88 : memref<1x80xi32, #tpu.memory_space<vmem>> -> memref<80xi32, #tpu.memory_space<vmem>>
    %dma_wait3A_90 = arith.constant 0 : i32
    %dma_wait3A_91 = arith.constant 0 : i32
    %dma_wait3A_92 = tpu.memref_slice %arg2[%dma_wait3A_90, %dma_wait3A_91] : memref<10000x128xf32, #tpu.memory_space<hbm>> -> memref<10000x128xf32, #tpu.memory_space<hbm>>
    tpu.wait_indirect_dma semaphore(%arg14 : memref<!tpu.dma_semaphore, #tpu.memory_space<semaphore_mem>>) src(%dma_wait3A_92 : memref<10000x128xf32, #tpu.memory_space<hbm>>) dst(%arg10 : memref<80x128xf32, #tpu.memory_space<vmem>>)
    %dma_start3A_93 = arith.constant 62 : i32
    %dma_start3A_94 = arith.constant 0 : i32
    %dma_start3A_95 = tpu.memref_slice %arg7[%dma_start3A_93, %dma_start3A_94] : memref<64x80xi32, #tpu.memory_space<vmem>> -> memref<1x80xi32, #tpu.memory_space<vmem>>
    %dma_start3A_96 = tpu.memref_squeeze %dma_start3A_95 : memref<1x80xi32, #tpu.memory_space<vmem>> -> memref<80xi32, #tpu.memory_space<vmem>>
    %dma_start3A_97 = arith.constant 0 : i32
    %dma_start3A_98 = arith.constant 0 : i32
    %dma_start3A_99 = tpu.memref_slice %arg11[%dma_start3A_97, %dma_start3A_98] : memref<10000x128xf32, #tpu.memory_space<vmem_shared>> -> memref<10000x128xf32, #tpu.memory_space<vmem_shared>>
    tpu.enqueue_indirect_dma source(%arg10 : memref<80x128xf32, #tpu.memory_space<vmem>>) target(%dma_start3A_99 : memref<10000x128xf32, #tpu.memory_space<vmem_shared>>) offsets(%dma_start3A_96 : memref<80xi32, #tpu.memory_space<vmem>>) semaphore(%arg17 : memref<!tpu.dma_semaphore, #tpu.memory_space<semaphore_mem>>) {add = true}
    %dma_wait3A_100 = arith.constant 61 : i32
    %dma_wait3A_101 = arith.constant 0 : i32
    %dma_wait3A_102 = tpu.memref_slice %arg7[%dma_wait3A_100, %dma_wait3A_101] : memref<64x80xi32, #tpu.memory_space<vmem>> -> memref<1x80xi32, #tpu.memory_space<vmem>>
    %dma_wait3A_103 = tpu.memref_squeeze %dma_wait3A_102 : memref<1x80xi32, #tpu.memory_space<vmem>> -> memref<80xi32, #tpu.memory_space<vmem>>
    %dma_wait3A_104 = arith.constant 0 : i32
    %dma_wait3A_105 = arith.constant 0 : i32
    %dma_wait3A_106 = tpu.memref_slice %arg11[%dma_wait3A_104, %dma_wait3A_105] : memref<10000x128xf32, #tpu.memory_space<vmem_shared>> -> memref<10000x128xf32, #tpu.memory_space<vmem_shared>>
    tpu.wait_indirect_dma semaphore(%arg16 : memref<!tpu.dma_semaphore, #tpu.memory_space<semaphore_mem>>) src(%arg9 : memref<80x128xf32, #tpu.memory_space<vmem>>) dst(%dma_wait3A_106 : memref<10000x128xf32, #tpu.memory_space<vmem_shared>>)
    %dma_wait3A_107 = arith.constant 63 : i32
    %dma_wait3A_108 = arith.constant 0 : i32
    %dma_wait3A_109 = tpu.memref_slice %arg6[%dma_wait3A_107, %dma_wait3A_108] : memref<64x80xi32, #tpu.memory_space<vmem>> -> memref<1x80xi32, #tpu.memory_space<vmem>>
    %dma_wait3A_110 = tpu.memref_squeeze %dma_wait3A_109 : memref<1x80xi32, #tpu.memory_space<vmem>> -> memref<80xi32, #tpu.memory_space<vmem>>
    %dma_wait3A_111 = arith.constant 0 : i32
    %dma_wait3A_112 = arith.constant 0 : i32
    %dma_wait3A_113 = tpu.memref_slice %arg2[%dma_wait3A_111, %dma_wait3A_112] : memref<10000x128xf32, #tpu.memory_space<hbm>> -> memref<10000x128xf32, #tpu.memory_space<hbm>>
    tpu.wait_indirect_dma semaphore(%arg12 : memref<!tpu.dma_semaphore, #tpu.memory_space<semaphore_mem>>) src(%dma_wait3A_113 : memref<10000x128xf32, #tpu.memory_space<hbm>>) dst(%arg8 : memref<80x128xf32, #tpu.memory_space<vmem>>)
    %dma_start3A_114 = arith.constant 63 : i32
    %dma_start3A_115 = arith.constant 0 : i32
    %dma_start3A_116 = tpu.memref_slice %arg7[%dma_start3A_114, %dma_start3A_115] : memref<64x80xi32, #tpu.memory_space<vmem>> -> memref<1x80xi32, #tpu.memory_space<vmem>>
    %dma_start3A_117 = tpu.memref_squeeze %dma_start3A_116 : memref<1x80xi32, #tpu.memory_space<vmem>> -> memref<80xi32, #tpu.memory_space<vmem>>
    %dma_start3A_118 = arith.constant 0 : i32
    %dma_start3A_119 = arith.constant 0 : i32
    %dma_start3A_120 = tpu.memref_slice %arg11[%dma_start3A_118, %dma_start3A_119] : memref<10000x128xf32, #tpu.memory_space<vmem_shared>> -> memref<10000x128xf32, #tpu.memory_space<vmem_shared>>
    tpu.enqueue_indirect_dma source(%arg8 : memref<80x128xf32, #tpu.memory_space<vmem>>) target(%dma_start3A_120 : memref<10000x128xf32, #tpu.memory_space<vmem_shared>>) offsets(%dma_start3A_117 : memref<80xi32, #tpu.memory_space<vmem>>) semaphore(%arg15 : memref<!tpu.dma_semaphore, #tpu.memory_space<semaphore_mem>>) {add = true}
    %dma_wait3A_121 = arith.constant 62 : i32
    %dma_wait3A_122 = arith.constant 0 : i32
    %dma_wait3A_123 = tpu.memref_slice %arg7[%dma_wait3A_121, %dma_wait3A_122] : memref<64x80xi32, #tpu.memory_space<vmem>> -> memref<1x80xi32, #tpu.memory_space<vmem>>
    %dma_wait3A_124 = tpu.memref_squeeze %dma_wait3A_123 : memref<1x80xi32, #tpu.memory_space<vmem>> -> memref<80xi32, #tpu.memory_space<vmem>>
    %dma_wait3A_125 = arith.constant 0 : i32
    %dma_wait3A_126 = arith.constant 0 : i32
    %dma_wait3A_127 = tpu.memref_slice %arg11[%dma_wait3A_125, %dma_wait3A_126] : memref<10000x128xf32, #tpu.memory_space<vmem_shared>> -> memref<10000x128xf32, #tpu.memory_space<vmem_shared>>
    tpu.wait_indirect_dma semaphore(%arg17 : memref<!tpu.dma_semaphore, #tpu.memory_space<semaphore_mem>>) src(%arg10 : memref<80x128xf32, #tpu.memory_space<vmem>>) dst(%dma_wait3A_127 : memref<10000x128xf32, #tpu.memory_space<vmem_shared>>)
    %dma_wait3A_128 = arith.constant 63 : i32
    %dma_wait3A_129 = arith.constant 0 : i32
    %dma_wait3A_130 = tpu.memref_slice %arg7[%dma_wait3A_128, %dma_wait3A_129] : memref<64x80xi32, #tpu.memory_space<vmem>> -> memref<1x80xi32, #tpu.memory_space<vmem>>
    %dma_wait3A_131 = tpu.memref_squeeze %dma_wait3A_130 : memref<1x80xi32, #tpu.memory_space<vmem>> -> memref<80xi32, #tpu.memory_space<vmem>>
    %dma_wait3A_132 = arith.constant 0 : i32
    %dma_wait3A_133 = arith.constant 0 : i32
    %dma_wait3A_134 = tpu.memref_slice %arg11[%dma_wait3A_132, %dma_wait3A_133] : memref<10000x128xf32, #tpu.memory_space<vmem_shared>> -> memref<10000x128xf32, #tpu.memory_space<vmem_shared>>
    tpu.wait_indirect_dma semaphore(%arg15 : memref<!tpu.dma_semaphore, #tpu.memory_space<semaphore_mem>>) src(%arg8 : memref<80x128xf32, #tpu.memory_space<vmem>>) dst(%dma_wait3A_134 : memref<10000x128xf32, #tpu.memory_space<vmem_shared>>)
    "tpu.region"() ({
      %run_scoped3A = tpu.sem_alloc : memref<!tpu.dma_semaphore, #tpu.memory_space<semaphore_mem>>
      %dma_start3A_264 = arith.constant 0 : i32
      %dma_start3A_265 = arith.constant 0 : i32
      %dma_start3A_266 = tpu.memref_slice %arg6[%dma_start3A_264, %dma_start3A_265] : memref<64x80xi32, #tpu.memory_space<vmem>> -> memref<61x80xi32, #tpu.memory_space<vmem>>
      %dma_start3A_267 = arith.constant 64 : i32
      %dma_start3A_268 = arith.constant 0 : i32
      %dma_start3A_269 = tpu.memref_slice %arg3[%add3A, %dma_start3A_267, %dma_start3A_268] : memref<32x125x80xi32, #tpu.memory_space<hbm>> -> memref<1x61x80xi32, #tpu.memory_space<hbm>>
      %dma_start3A_270 = tpu.memref_squeeze %dma_start3A_269 : memref<1x61x80xi32, #tpu.memory_space<hbm>> -> memref<61x80xi32, #tpu.memory_space<hbm>>
      %dma_start3A_271 = arith.constant 0 : i32
      %dma_start3A_272 = arith.constant 0 : i32
      %dma_start3A_273 = tpu.memref_slice %arg6[%dma_start3A_271, %dma_start3A_272] : memref<64x80xi32, #tpu.memory_space<vmem>> -> memref<61x80xi32, #tpu.memory_space<vmem>>
      %dma_start3A_274 = arith.constant 64 : i32
      %dma_start3A_275 = arith.constant 0 : i32
      %dma_start3A_276 = tpu.memref_slice %arg3[%add3A, %dma_start3A_274, %dma_start3A_275] : memref<32x125x80xi32, #tpu.memory_space<hbm>> -> memref<1x61x80xi32, #tpu.memory_space<hbm>>
      %dma_start3A_277 = tpu.memref_squeeze %dma_start3A_276 : memref<1x61x80xi32, #tpu.memory_space<hbm>> -> memref<61x80xi32, #tpu.memory_space<hbm>>
      tpu.enqueue_dma source(%dma_start3A_277 : memref<61x80xi32, #tpu.memory_space<hbm>>) target(%dma_start3A_273 : memref<61x80xi32, #tpu.memory_space<vmem>>) target_semaphore(%run_scoped3A : memref<!tpu.dma_semaphore, #tpu.memory_space<semaphore_mem>>)
      %dma_wait3A_278 = arith.constant 0 : i32
      %dma_wait3A_279 = arith.constant 0 : i32
      %dma_wait3A_280 = tpu.memref_slice %arg6[%dma_wait3A_278, %dma_wait3A_279] : memref<64x80xi32, #tpu.memory_space<vmem>> -> memref<61x80xi32, #tpu.memory_space<vmem>>
      %dma_wait3A_281 = arith.constant 64 : i32
      %dma_wait3A_282 = arith.constant 0 : i32
      %dma_wait3A_283 = tpu.memref_slice %arg3[%add3A, %dma_wait3A_281, %dma_wait3A_282] : memref<32x125x80xi32, #tpu.memory_space<hbm>> -> memref<1x61x80xi32, #tpu.memory_space<hbm>>
      %dma_wait3A_284 = tpu.memref_squeeze %dma_wait3A_283 : memref<1x61x80xi32, #tpu.memory_space<hbm>> -> memref<61x80xi32, #tpu.memory_space<hbm>>
      %dma_wait3A_285 = arith.constant 0 : i32
      %dma_wait3A_286 = arith.constant 0 : i32
      %dma_wait3A_287 = tpu.memref_slice %arg6[%dma_wait3A_285, %dma_wait3A_286] : memref<64x80xi32, #tpu.memory_space<vmem>> -> memref<61x80xi32, #tpu.memory_space<vmem>>
      %dma_wait3A_288 = arith.constant 64 : i32
      %dma_wait3A_289 = arith.constant 0 : i32
      %dma_wait3A_290 = tpu.memref_slice %arg3[%add3A, %dma_wait3A_288, %dma_wait3A_289] : memref<32x125x80xi32, #tpu.memory_space<hbm>> -> memref<1x61x80xi32, #tpu.memory_space<hbm>>
      %dma_wait3A_291 = tpu.memref_squeeze %dma_wait3A_290 : memref<1x61x80xi32, #tpu.memory_space<hbm>> -> memref<61x80xi32, #tpu.memory_space<hbm>>
      tpu.wait_dma2 semaphore(%run_scoped3A : memref<!tpu.dma_semaphore, #tpu.memory_space<semaphore_mem>>) src(%dma_wait3A_291 : memref<61x80xi32, #tpu.memory_space<hbm>>) dst(%dma_wait3A_287 : memref<61x80xi32, #tpu.memory_space<vmem>>)
      tpu.yield
    }) : () -> ()
    "tpu.region"() ({
      %run_scoped3A = tpu.sem_alloc : memref<!tpu.dma_semaphore, #tpu.memory_space<semaphore_mem>>
      %dma_start3A_264 = arith.constant 0 : i32
      %dma_start3A_265 = arith.constant 0 : i32
      %dma_start3A_266 = tpu.memref_slice %arg7[%dma_start3A_264, %dma_start3A_265] : memref<64x80xi32, #tpu.memory_space<vmem>> -> memref<61x80xi32, #tpu.memory_space<vmem>>
      %dma_start3A_267 = arith.constant 64 : i32
      %dma_start3A_268 = arith.constant 0 : i32
      %dma_start3A_269 = tpu.memref_slice %arg4[%add3A, %dma_start3A_267, %dma_start3A_268] : memref<32x125x80xi32, #tpu.memory_space<hbm>> -> memref<1x61x80xi32, #tpu.memory_space<hbm>>
      %dma_start3A_270 = tpu.memref_squeeze %dma_start3A_269 : memref<1x61x80xi32, #tpu.memory_space<hbm>> -> memref<61x80xi32, #tpu.memory_space<hbm>>
      %dma_start3A_271 = arith.constant 0 : i32
      %dma_start3A_272 = arith.constant 0 : i32
      %dma_start3A_273 = tpu.memref_slice %arg7[%dma_start3A_271, %dma_start3A_272] : memref<64x80xi32, #tpu.memory_space<vmem>> -> memref<61x80xi32, #tpu.memory_space<vmem>>
      %dma_start3A_274 = arith.constant 64 : i32
      %dma_start3A_275 = arith.constant 0 : i32
      %dma_start3A_276 = tpu.memref_slice %arg4[%add3A, %dma_start3A_274, %dma_start3A_275] : memref<32x125x80xi32, #tpu.memory_space<hbm>> -> memref<1x61x80xi32, #tpu.memory_space<hbm>>
      %dma_start3A_277 = tpu.memref_squeeze %dma_start3A_276 : memref<1x61x80xi32, #tpu.memory_space<hbm>> -> memref<61x80xi32, #tpu.memory_space<hbm>>
      tpu.enqueue_dma source(%dma_start3A_277 : memref<61x80xi32, #tpu.memory_space<hbm>>) target(%dma_start3A_273 : memref<61x80xi32, #tpu.memory_space<vmem>>) target_semaphore(%run_scoped3A : memref<!tpu.dma_semaphore, #tpu.memory_space<semaphore_mem>>)
      %dma_wait3A_278 = arith.constant 0 : i32
      %dma_wait3A_279 = arith.constant 0 : i32
      %dma_wait3A_280 = tpu.memref_slice %arg7[%dma_wait3A_278, %dma_wait3A_279] : memref<64x80xi32, #tpu.memory_space<vmem>> -> memref<61x80xi32, #tpu.memory_space<vmem>>
      %dma_wait3A_281 = arith.constant 64 : i32
      %dma_wait3A_282 = arith.constant 0 : i32
      %dma_wait3A_283 = tpu.memref_slice %arg4[%add3A, %dma_wait3A_281, %dma_wait3A_282] : memref<32x125x80xi32, #tpu.memory_space<hbm>> -> memref<1x61x80xi32, #tpu.memory_space<hbm>>
      %dma_wait3A_284 = tpu.memref_squeeze %dma_wait3A_283 : memref<1x61x80xi32, #tpu.memory_space<hbm>> -> memref<61x80xi32, #tpu.memory_space<hbm>>
      %dma_wait3A_285 = arith.constant 0 : i32
      %dma_wait3A_286 = arith.constant 0 : i32
      %dma_wait3A_287 = tpu.memref_slice %arg7[%dma_wait3A_285, %dma_wait3A_286] : memref<64x80xi32, #tpu.memory_space<vmem>> -> memref<61x80xi32, #tpu.memory_space<vmem>>
      %dma_wait3A_288 = arith.constant 64 : i32
      %dma_wait3A_289 = arith.constant 0 : i32
      %dma_wait3A_290 = tpu.memref_slice %arg4[%add3A, %dma_wait3A_288, %dma_wait3A_289] : memref<32x125x80xi32, #tpu.memory_space<hbm>> -> memref<1x61x80xi32, #tpu.memory_space<hbm>>
      %dma_wait3A_291 = tpu.memref_squeeze %dma_wait3A_290 : memref<1x61x80xi32, #tpu.memory_space<hbm>> -> memref<61x80xi32, #tpu.memory_space<hbm>>
      tpu.wait_dma2 semaphore(%run_scoped3A : memref<!tpu.dma_semaphore, #tpu.memory_space<semaphore_mem>>) src(%dma_wait3A_291 : memref<61x80xi32, #tpu.memory_space<hbm>>) dst(%dma_wait3A_287 : memref<61x80xi32, #tpu.memory_space<vmem>>)
      tpu.yield
    }) : () -> ()
    %dma_start3A_135 = arith.constant 0 : i32
    %dma_start3A_136 = arith.constant 0 : i32
    %dma_start3A_137 = tpu.memref_slice %arg6[%dma_start3A_135, %dma_start3A_136] : memref<64x80xi32, #tpu.memory_space<vmem>> -> memref<1x80xi32, #tpu.memory_space<vmem>>
    %dma_start3A_138 = tpu.memref_squeeze %dma_start3A_137 : memref<1x80xi32, #tpu.memory_space<vmem>> -> memref<80xi32, #tpu.memory_space<vmem>>
    %dma_start3A_139 = arith.constant 0 : i32
    %dma_start3A_140 = arith.constant 0 : i32
    %dma_start3A_141 = tpu.memref_slice %arg2[%dma_start3A_139, %dma_start3A_140] : memref<10000x128xf32, #tpu.memory_space<hbm>> -> memref<10000x128xf32, #tpu.memory_space<hbm>>
    tpu.enqueue_indirect_dma source(%dma_start3A_141 : memref<10000x128xf32, #tpu.memory_space<hbm>>) target(%arg8 : memref<80x128xf32, #tpu.memory_space<vmem>>) offsets(%dma_start3A_138 : memref<80xi32, #tpu.memory_space<vmem>>) semaphore(%arg12 : memref<!tpu.dma_semaphore, #tpu.memory_space<semaphore_mem>>)
    %dma_start3A_142 = arith.constant 1 : i32
    %dma_start3A_143 = arith.constant 0 : i32
    %dma_start3A_144 = tpu.memref_slice %arg6[%dma_start3A_142, %dma_start3A_143] : memref<64x80xi32, #tpu.memory_space<vmem>> -> memref<1x80xi32, #tpu.memory_space<vmem>>
    %dma_start3A_145 = tpu.memref_squeeze %dma_start3A_144 : memref<1x80xi32, #tpu.memory_space<vmem>> -> memref<80xi32, #tpu.memory_space<vmem>>
    %dma_start3A_146 = arith.constant 0 : i32
    %dma_start3A_147 = arith.constant 0 : i32
    %dma_start3A_148 = tpu.memref_slice %arg2[%dma_start3A_146, %dma_start3A_147] : memref<10000x128xf32, #tpu.memory_space<hbm>> -> memref<10000x128xf32, #tpu.memory_space<hbm>>
    tpu.enqueue_indirect_dma source(%dma_start3A_148 : memref<10000x128xf32, #tpu.memory_space<hbm>>) target(%arg9 : memref<80x128xf32, #tpu.memory_space<vmem>>) offsets(%dma_start3A_145 : memref<80xi32, #tpu.memory_space<vmem>>) semaphore(%arg13 : memref<!tpu.dma_semaphore, #tpu.memory_space<semaphore_mem>>)
    %dma_wait3A_149 = arith.constant 0 : i32
    %dma_wait3A_150 = arith.constant 0 : i32
    %dma_wait3A_151 = tpu.memref_slice %arg6[%dma_wait3A_149, %dma_wait3A_150] : memref<64x80xi32, #tpu.memory_space<vmem>> -> memref<1x80xi32, #tpu.memory_space<vmem>>
    %dma_wait3A_152 = tpu.memref_squeeze %dma_wait3A_151 : memref<1x80xi32, #tpu.memory_space<vmem>> -> memref<80xi32, #tpu.memory_space<vmem>>
    %dma_wait3A_153 = arith.constant 0 : i32
    %dma_wait3A_154 = arith.constant 0 : i32
    %dma_wait3A_155 = tpu.memref_slice %arg2[%dma_wait3A_153, %dma_wait3A_154] : memref<10000x128xf32, #tpu.memory_space<hbm>> -> memref<10000x128xf32, #tpu.memory_space<hbm>>
    tpu.wait_indirect_dma semaphore(%arg12 : memref<!tpu.dma_semaphore, #tpu.memory_space<semaphore_mem>>) src(%dma_wait3A_155 : memref<10000x128xf32, #tpu.memory_space<hbm>>) dst(%arg8 : memref<80x128xf32, #tpu.memory_space<vmem>>)
    %dma_start3A_156 = arith.constant 0 : i32
    %dma_start3A_157 = arith.constant 0 : i32
    %dma_start3A_158 = tpu.memref_slice %arg7[%dma_start3A_156, %dma_start3A_157] : memref<64x80xi32, #tpu.memory_space<vmem>> -> memref<1x80xi32, #tpu.memory_space<vmem>>
    %dma_start3A_159 = tpu.memref_squeeze %dma_start3A_158 : memref<1x80xi32, #tpu.memory_space<vmem>> -> memref<80xi32, #tpu.memory_space<vmem>>
    %dma_start3A_160 = arith.constant 0 : i32
    %dma_start3A_161 = arith.constant 0 : i32
    %dma_start3A_162 = tpu.memref_slice %arg11[%dma_start3A_160, %dma_start3A_161] : memref<10000x128xf32, #tpu.memory_space<vmem_shared>> -> memref<10000x128xf32, #tpu.memory_space<vmem_shared>>
    tpu.enqueue_indirect_dma source(%arg8 : memref<80x128xf32, #tpu.memory_space<vmem>>) target(%dma_start3A_162 : memref<10000x128xf32, #tpu.memory_space<vmem_shared>>) offsets(%dma_start3A_159 : memref<80xi32, #tpu.memory_space<vmem>>) semaphore(%arg15 : memref<!tpu.dma_semaphore, #tpu.memory_space<semaphore_mem>>) {add = true}
    %dma_start3A_163 = arith.constant 2 : i32
    %dma_start3A_164 = arith.constant 0 : i32
    %dma_start3A_165 = tpu.memref_slice %arg6[%dma_start3A_163, %dma_start3A_164] : memref<64x80xi32, #tpu.memory_space<vmem>> -> memref<1x80xi32, #tpu.memory_space<vmem>>
    %dma_start3A_166 = tpu.memref_squeeze %dma_start3A_165 : memref<1x80xi32, #tpu.memory_space<vmem>> -> memref<80xi32, #tpu.memory_space<vmem>>
    %dma_start3A_167 = arith.constant 0 : i32
    %dma_start3A_168 = arith.constant 0 : i32
    %dma_start3A_169 = tpu.memref_slice %arg2[%dma_start3A_167, %dma_start3A_168] : memref<10000x128xf32, #tpu.memory_space<hbm>> -> memref<10000x128xf32, #tpu.memory_space<hbm>>
    tpu.enqueue_indirect_dma source(%dma_start3A_169 : memref<10000x128xf32, #tpu.memory_space<hbm>>) target(%arg10 : memref<80x128xf32, #tpu.memory_space<vmem>>) offsets(%dma_start3A_166 : memref<80xi32, #tpu.memory_space<vmem>>) semaphore(%arg14 : memref<!tpu.dma_semaphore, #tpu.memory_space<semaphore_mem>>)
    %scan3A_170 = arith.constant 0 : i32
    %scan3A_171 = arith.constant 0 : i32
    %scan3A_172 = arith.constant 19 : i32
    %scan3A_173 = arith.addi %scan3A_171, %scan3A_172 : i32
    %scan3A_174 = arith.constant 1 : i32
    scf.for %scan3A_264 = %scan3A_171 to %scan3A_173 step %scan3A_174  : i32 {
      %mul3A_265 = arith.constant 3 : i32
      %mul3A_266 = arith.muli %mul3A_265, %scan3A_264 : i32
      %add3A_267 = arith.constant 1 : i32
      %add3A_268 = arith.addi %add3A_267, %mul3A_266 : i32
      %add3A_269 = arith.constant 0 : i32
      %add3A_270 = arith.addi %add3A_268, %add3A_269 : i32
      %dma_wait3A_271 = arith.constant 0 : i32
      %dma_wait3A_272 = tpu.memref_slice %arg6[%add3A_270, %dma_wait3A_271] : memref<64x80xi32, #tpu.memory_space<vmem>> -> memref<1x80xi32, #tpu.memory_space<vmem>>
      %dma_wait3A_273 = tpu.memref_squeeze %dma_wait3A_272 : memref<1x80xi32, #tpu.memory_space<vmem>> -> memref<80xi32, #tpu.memory_space<vmem>>
      %dma_wait3A_274 = arith.constant 0 : i32
      %dma_wait3A_275 = arith.constant 0 : i32
      %dma_wait3A_276 = tpu.memref_slice %arg2[%dma_wait3A_274, %dma_wait3A_275] : memref<10000x128xf32, #tpu.memory_space<hbm>> -> memref<10000x128xf32, #tpu.memory_space<hbm>>
      tpu.wait_indirect_dma semaphore(%arg13 : memref<!tpu.dma_semaphore, #tpu.memory_space<semaphore_mem>>) src(%dma_wait3A_276 : memref<10000x128xf32, #tpu.memory_space<hbm>>) dst(%arg9 : memref<80x128xf32, #tpu.memory_space<vmem>>)
      %dma_start3A_277 = arith.constant 0 : i32
      %dma_start3A_278 = tpu.memref_slice %arg7[%add3A_270, %dma_start3A_277] : memref<64x80xi32, #tpu.memory_space<vmem>> -> memref<1x80xi32, #tpu.memory_space<vmem>>
      %dma_start3A_279 = tpu.memref_squeeze %dma_start3A_278 : memref<1x80xi32, #tpu.memory_space<vmem>> -> memref<80xi32, #tpu.memory_space<vmem>>
      %dma_start3A_280 = arith.constant 0 : i32
      %dma_start3A_281 = arith.constant 0 : i32
      %dma_start3A_282 = tpu.memref_slice %arg11[%dma_start3A_280, %dma_start3A_281] : memref<10000x128xf32, #tpu.memory_space<vmem_shared>> -> memref<10000x128xf32, #tpu.memory_space<vmem_shared>>
      tpu.enqueue_indirect_dma source(%arg9 : memref<80x128xf32, #tpu.memory_space<vmem>>) target(%dma_start3A_282 : memref<10000x128xf32, #tpu.memory_space<vmem_shared>>) offsets(%dma_start3A_279 : memref<80xi32, #tpu.memory_space<vmem>>) semaphore(%arg16 : memref<!tpu.dma_semaphore, #tpu.memory_space<semaphore_mem>>) {add = true}
      %sub3A = arith.constant 1 : i32
      %sub3A_283 = arith.subi %add3A_270, %sub3A : i32
      %dma_wait3A_284 = arith.constant 0 : i32
      %dma_wait3A_285 = tpu.memref_slice %arg7[%sub3A_283, %dma_wait3A_284] : memref<64x80xi32, #tpu.memory_space<vmem>> -> memref<1x80xi32, #tpu.memory_space<vmem>>
      %dma_wait3A_286 = tpu.memref_squeeze %dma_wait3A_285 : memref<1x80xi32, #tpu.memory_space<vmem>> -> memref<80xi32, #tpu.memory_space<vmem>>
      %dma_wait3A_287 = arith.constant 0 : i32
      %dma_wait3A_288 = arith.constant 0 : i32
      %dma_wait3A_289 = tpu.memref_slice %arg11[%dma_wait3A_287, %dma_wait3A_288] : memref<10000x128xf32, #tpu.memory_space<vmem_shared>> -> memref<10000x128xf32, #tpu.memory_space<vmem_shared>>
      tpu.wait_indirect_dma semaphore(%arg15 : memref<!tpu.dma_semaphore, #tpu.memory_space<semaphore_mem>>) src(%arg8 : memref<80x128xf32, #tpu.memory_space<vmem>>) dst(%dma_wait3A_289 : memref<10000x128xf32, #tpu.memory_space<vmem_shared>>)
      %add3A_290 = arith.constant 2 : i32
      %add3A_291 = arith.addi %add3A_270, %add3A_290 : i32
      %dma_start3A_292 = arith.constant 0 : i32
      %dma_start3A_293 = tpu.memref_slice %arg6[%add3A_291, %dma_start3A_292] : memref<64x80xi32, #tpu.memory_space<vmem>> -> memref<1x80xi32, #tpu.memory_space<vmem>>
      %dma_start3A_294 = tpu.memref_squeeze %dma_start3A_293 : memref<1x80xi32, #tpu.memory_space<vmem>> -> memref<80xi32, #tpu.memory_space<vmem>>
      %dma_start3A_295 = arith.constant 0 : i32
      %dma_start3A_296 = arith.constant 0 : i32
      %dma_start3A_297 = tpu.memref_slice %arg2[%dma_start3A_295, %dma_start3A_296] : memref<10000x128xf32, #tpu.memory_space<hbm>> -> memref<10000x128xf32, #tpu.memory_space<hbm>>
      tpu.enqueue_indirect_dma source(%dma_start3A_297 : memref<10000x128xf32, #tpu.memory_space<hbm>>) target(%arg8 : memref<80x128xf32, #tpu.memory_space<vmem>>) offsets(%dma_start3A_294 : memref<80xi32, #tpu.memory_space<vmem>>) semaphore(%arg12 : memref<!tpu.dma_semaphore, #tpu.memory_space<semaphore_mem>>)
      %mul3A_298 = arith.constant 3 : i32
      %mul3A_299 = arith.muli %mul3A_298, %scan3A_264 : i32
      %add3A_300 = arith.constant 1 : i32
      %add3A_301 = arith.addi %add3A_300, %mul3A_299 : i32
      %add3A_302 = arith.constant 1 : i32
      %add3A_303 = arith.addi %add3A_301, %add3A_302 : i32
      %dma_wait3A_304 = arith.constant 0 : i32
      %dma_wait3A_305 = tpu.memref_slice %arg6[%add3A_303, %dma_wait3A_304] : memref<64x80xi32, #tpu.memory_space<vmem>> -> memref<1x80xi32, #tpu.memory_space<vmem>>
      %dma_wait3A_306 = tpu.memref_squeeze %dma_wait3A_305 : memref<1x80xi32, #tpu.memory_space<vmem>> -> memref<80xi32, #tpu.memory_space<vmem>>
      %dma_wait3A_307 = arith.constant 0 : i32
      %dma_wait3A_308 = arith.constant 0 : i32
      %dma_wait3A_309 = tpu.memref_slice %arg2[%dma_wait3A_307, %dma_wait3A_308] : memref<10000x128xf32, #tpu.memory_space<hbm>> -> memref<10000x128xf32, #tpu.memory_space<hbm>>
      tpu.wait_indirect_dma semaphore(%arg14 : memref<!tpu.dma_semaphore, #tpu.memory_space<semaphore_mem>>) src(%dma_wait3A_309 : memref<10000x128xf32, #tpu.memory_space<hbm>>) dst(%arg10 : memref<80x128xf32, #tpu.memory_space<vmem>>)
      %dma_start3A_310 = arith.constant 0 : i32
      %dma_start3A_311 = tpu.memref_slice %arg7[%add3A_303, %dma_start3A_310] : memref<64x80xi32, #tpu.memory_space<vmem>> -> memref<1x80xi32, #tpu.memory_space<vmem>>
      %dma_start3A_312 = tpu.memref_squeeze %dma_start3A_311 : memref<1x80xi32, #tpu.memory_space<vmem>> -> memref<80xi32, #tpu.memory_space<vmem>>
      %dma_start3A_313 = arith.constant 0 : i32
      %dma_start3A_314 = arith.constant 0 : i32
      %dma_start3A_315 = tpu.memref_slice %arg11[%dma_start3A_313, %dma_start3A_314] : memref<10000x128xf32, #tpu.memory_space<vmem_shared>> -> memref<10000x128xf32, #tpu.memory_space<vmem_shared>>
      tpu.enqueue_indirect_dma source(%arg10 : memref<80x128xf32, #tpu.memory_space<vmem>>) target(%dma_start3A_315 : memref<10000x128xf32, #tpu.memory_space<vmem_shared>>) offsets(%dma_start3A_312 : memref<80xi32, #tpu.memory_space<vmem>>) semaphore(%arg17 : memref<!tpu.dma_semaphore, #tpu.memory_space<semaphore_mem>>) {add = true}
      %sub3A_316 = arith.constant 1 : i32
      %sub3A_317 = arith.subi %add3A_303, %sub3A_316 : i32
      %dma_wait3A_318 = arith.constant 0 : i32
      %dma_wait3A_319 = tpu.memref_slice %arg7[%sub3A_317, %dma_wait3A_318] : memref<64x80xi32, #tpu.memory_space<vmem>> -> memref<1x80xi32, #tpu.memory_space<vmem>>
      %dma_wait3A_320 = tpu.memref_squeeze %dma_wait3A_319 : memref<1x80xi32, #tpu.memory_space<vmem>> -> memref<80xi32, #tpu.memory_space<vmem>>
      %dma_wait3A_321 = arith.constant 0 : i32
      %dma_wait3A_322 = arith.constant 0 : i32
      %dma_wait3A_323 = tpu.memref_slice %arg11[%dma_wait3A_321, %dma_wait3A_322] : memref<10000x128xf32, #tpu.memory_space<vmem_shared>> -> memref<10000x128xf32, #tpu.memory_space<vmem_shared>>
      tpu.wait_indirect_dma semaphore(%arg16 : memref<!tpu.dma_semaphore, #tpu.memory_space<semaphore_mem>>) src(%arg9 : memref<80x128xf32, #tpu.memory_space<vmem>>) dst(%dma_wait3A_323 : memref<10000x128xf32, #tpu.memory_space<vmem_shared>>)
      %add3A_324 = arith.constant 2 : i32
      %add3A_325 = arith.addi %add3A_303, %add3A_324 : i32
      %dma_start3A_326 = arith.constant 0 : i32
      %dma_start3A_327 = tpu.memref_slice %arg6[%add3A_325, %dma_start3A_326] : memref<64x80xi32, #tpu.memory_space<vmem>> -> memref<1x80xi32, #tpu.memory_space<vmem>>
      %dma_start3A_328 = tpu.memref_squeeze %dma_start3A_327 : memref<1x80xi32, #tpu.memory_space<vmem>> -> memref<80xi32, #tpu.memory_space<vmem>>
      %dma_start3A_329 = arith.constant 0 : i32
      %dma_start3A_330 = arith.constant 0 : i32
      %dma_start3A_331 = tpu.memref_slice %arg2[%dma_start3A_329, %dma_start3A_330] : memref<10000x128xf32, #tpu.memory_space<hbm>> -> memref<10000x128xf32, #tpu.memory_space<hbm>>
      tpu.enqueue_indirect_dma source(%dma_start3A_331 : memref<10000x128xf32, #tpu.memory_space<hbm>>) target(%arg9 : memref<80x128xf32, #tpu.memory_space<vmem>>) offsets(%dma_start3A_328 : memref<80xi32, #tpu.memory_space<vmem>>) semaphore(%arg13 : memref<!tpu.dma_semaphore, #tpu.memory_space<semaphore_mem>>)
      %mul3A_332 = arith.constant 3 : i32
      %mul3A_333 = arith.muli %mul3A_332, %scan3A_264 : i32
      %add3A_334 = arith.constant 1 : i32
      %add3A_335 = arith.addi %add3A_334, %mul3A_333 : i32
      %add3A_336 = arith.constant 2 : i32
      %add3A_337 = arith.addi %add3A_335, %add3A_336 : i32
      %dma_wait3A_338 = arith.constant 0 : i32
      %dma_wait3A_339 = tpu.memref_slice %arg6[%add3A_337, %dma_wait3A_338] : memref<64x80xi32, #tpu.memory_space<vmem>> -> memref<1x80xi32, #tpu.memory_space<vmem>>
      %dma_wait3A_340 = tpu.memref_squeeze %dma_wait3A_339 : memref<1x80xi32, #tpu.memory_space<vmem>> -> memref<80xi32, #tpu.memory_space<vmem>>
      %dma_wait3A_341 = arith.constant 0 : i32
      %dma_wait3A_342 = arith.constant 0 : i32
      %dma_wait3A_343 = tpu.memref_slice %arg2[%dma_wait3A_341, %dma_wait3A_342] : memref<10000x128xf32, #tpu.memory_space<hbm>> -> memref<10000x128xf32, #tpu.memory_space<hbm>>
      tpu.wait_indirect_dma semaphore(%arg12 : memref<!tpu.dma_semaphore, #tpu.memory_space<semaphore_mem>>) src(%dma_wait3A_343 : memref<10000x128xf32, #tpu.memory_space<hbm>>) dst(%arg8 : memref<80x128xf32, #tpu.memory_space<vmem>>)
      %dma_start3A_344 = arith.constant 0 : i32
      %dma_start3A_345 = tpu.memref_slice %arg7[%add3A_337, %dma_start3A_344] : memref<64x80xi32, #tpu.memory_space<vmem>> -> memref<1x80xi32, #tpu.memory_space<vmem>>
      %dma_start3A_346 = tpu.memref_squeeze %dma_start3A_345 : memref<1x80xi32, #tpu.memory_space<vmem>> -> memref<80xi32, #tpu.memory_space<vmem>>
      %dma_start3A_347 = arith.constant 0 : i32
      %dma_start3A_348 = arith.constant 0 : i32
      %dma_start3A_349 = tpu.memref_slice %arg11[%dma_start3A_347, %dma_start3A_348] : memref<10000x128xf32, #tpu.memory_space<vmem_shared>> -> memref<10000x128xf32, #tpu.memory_space<vmem_shared>>
      tpu.enqueue_indirect_dma source(%arg8 : memref<80x128xf32, #tpu.memory_space<vmem>>) target(%dma_start3A_349 : memref<10000x128xf32, #tpu.memory_space<vmem_shared>>) offsets(%dma_start3A_346 : memref<80xi32, #tpu.memory_space<vmem>>) semaphore(%arg15 : memref<!tpu.dma_semaphore, #tpu.memory_space<semaphore_mem>>) {add = true}
      %sub3A_350 = arith.constant 1 : i32
      %sub3A_351 = arith.subi %add3A_337, %sub3A_350 : i32
      %dma_wait3A_352 = arith.constant 0 : i32
      %dma_wait3A_353 = tpu.memref_slice %arg7[%sub3A_351, %dma_wait3A_352] : memref<64x80xi32, #tpu.memory_space<vmem>> -> memref<1x80xi32, #tpu.memory_space<vmem>>
      %dma_wait3A_354 = tpu.memref_squeeze %dma_wait3A_353 : memref<1x80xi32, #tpu.memory_space<vmem>> -> memref<80xi32, #tpu.memory_space<vmem>>
      %dma_wait3A_355 = arith.constant 0 : i32
      %dma_wait3A_356 = arith.constant 0 : i32
      %dma_wait3A_357 = tpu.memref_slice %arg11[%dma_wait3A_355, %dma_wait3A_356] : memref<10000x128xf32, #tpu.memory_space<vmem_shared>> -> memref<10000x128xf32, #tpu.memory_space<vmem_shared>>
      tpu.wait_indirect_dma semaphore(%arg17 : memref<!tpu.dma_semaphore, #tpu.memory_space<semaphore_mem>>) src(%arg10 : memref<80x128xf32, #tpu.memory_space<vmem>>) dst(%dma_wait3A_357 : memref<10000x128xf32, #tpu.memory_space<vmem_shared>>)
      %add3A_358 = arith.constant 2 : i32
      %add3A_359 = arith.addi %add3A_337, %add3A_358 : i32
      %dma_start3A_360 = arith.constant 0 : i32
      %dma_start3A_361 = tpu.memref_slice %arg6[%add3A_359, %dma_start3A_360] : memref<64x80xi32, #tpu.memory_space<vmem>> -> memref<1x80xi32, #tpu.memory_space<vmem>>
      %dma_start3A_362 = tpu.memref_squeeze %dma_start3A_361 : memref<1x80xi32, #tpu.memory_space<vmem>> -> memref<80xi32, #tpu.memory_space<vmem>>
      %dma_start3A_363 = arith.constant 0 : i32
      %dma_start3A_364 = arith.constant 0 : i32
      %dma_start3A_365 = tpu.memref_slice %arg2[%dma_start3A_363, %dma_start3A_364] : memref<10000x128xf32, #tpu.memory_space<hbm>> -> memref<10000x128xf32, #tpu.memory_space<hbm>>
      tpu.enqueue_indirect_dma source(%dma_start3A_365 : memref<10000x128xf32, #tpu.memory_space<hbm>>) target(%arg10 : memref<80x128xf32, #tpu.memory_space<vmem>>) offsets(%dma_start3A_362 : memref<80xi32, #tpu.memory_space<vmem>>) semaphore(%arg14 : memref<!tpu.dma_semaphore, #tpu.memory_space<semaphore_mem>>)
    }
    %scan3A_175 = arith.constant 19 : i32
    %dma_wait3A_176 = arith.constant 58 : i32
    %dma_wait3A_177 = arith.constant 0 : i32
    %dma_wait3A_178 = tpu.memref_slice %arg6[%dma_wait3A_176, %dma_wait3A_177] : memref<64x80xi32, #tpu.memory_space<vmem>> -> memref<1x80xi32, #tpu.memory_space<vmem>>
    %dma_wait3A_179 = tpu.memref_squeeze %dma_wait3A_178 : memref<1x80xi32, #tpu.memory_space<vmem>> -> memref<80xi32, #tpu.memory_space<vmem>>
    %dma_wait3A_180 = arith.constant 0 : i32
    %dma_wait3A_181 = arith.constant 0 : i32
    %dma_wait3A_182 = tpu.memref_slice %arg2[%dma_wait3A_180, %dma_wait3A_181] : memref<10000x128xf32, #tpu.memory_space<hbm>> -> memref<10000x128xf32, #tpu.memory_space<hbm>>
    tpu.wait_indirect_dma semaphore(%arg13 : memref<!tpu.dma_semaphore, #tpu.memory_space<semaphore_mem>>) src(%dma_wait3A_182 : memref<10000x128xf32, #tpu.memory_space<hbm>>) dst(%arg9 : memref<80x128xf32, #tpu.memory_space<vmem>>)
    %dma_start3A_183 = arith.constant 58 : i32
    %dma_start3A_184 = arith.constant 0 : i32
    %dma_start3A_185 = tpu.memref_slice %arg7[%dma_start3A_183, %dma_start3A_184] : memref<64x80xi32, #tpu.memory_space<vmem>> -> memref<1x80xi32, #tpu.memory_space<vmem>>
    %dma_start3A_186 = tpu.memref_squeeze %dma_start3A_185 : memref<1x80xi32, #tpu.memory_space<vmem>> -> memref<80xi32, #tpu.memory_space<vmem>>
    %dma_start3A_187 = arith.constant 0 : i32
    %dma_start3A_188 = arith.constant 0 : i32
    %dma_start3A_189 = tpu.memref_slice %arg11[%dma_start3A_187, %dma_start3A_188] : memref<10000x128xf32, #tpu.memory_space<vmem_shared>> -> memref<10000x128xf32, #tpu.memory_space<vmem_shared>>
    tpu.enqueue_indirect_dma source(%arg9 : memref<80x128xf32, #tpu.memory_space<vmem>>) target(%dma_start3A_189 : memref<10000x128xf32, #tpu.memory_space<vmem_shared>>) offsets(%dma_start3A_186 : memref<80xi32, #tpu.memory_space<vmem>>) semaphore(%arg16 : memref<!tpu.dma_semaphore, #tpu.memory_space<semaphore_mem>>) {add = true}
    %dma_wait3A_190 = arith.constant 57 : i32
    %dma_wait3A_191 = arith.constant 0 : i32
    %dma_wait3A_192 = tpu.memref_slice %arg7[%dma_wait3A_190, %dma_wait3A_191] : memref<64x80xi32, #tpu.memory_space<vmem>> -> memref<1x80xi32, #tpu.memory_space<vmem>>
    %dma_wait3A_193 = tpu.memref_squeeze %dma_wait3A_192 : memref<1x80xi32, #tpu.memory_space<vmem>> -> memref<80xi32, #tpu.memory_space<vmem>>
    %dma_wait3A_194 = arith.constant 0 : i32
    %dma_wait3A_195 = arith.constant 0 : i32
    %dma_wait3A_196 = tpu.memref_slice %arg11[%dma_wait3A_194, %dma_wait3A_195] : memref<10000x128xf32, #tpu.memory_space<vmem_shared>> -> memref<10000x128xf32, #tpu.memory_space<vmem_shared>>
    tpu.wait_indirect_dma semaphore(%arg15 : memref<!tpu.dma_semaphore, #tpu.memory_space<semaphore_mem>>) src(%arg8 : memref<80x128xf32, #tpu.memory_space<vmem>>) dst(%dma_wait3A_196 : memref<10000x128xf32, #tpu.memory_space<vmem_shared>>)
    %dma_start3A_197 = arith.constant 60 : i32
    %dma_start3A_198 = arith.constant 0 : i32
    %dma_start3A_199 = tpu.memref_slice %arg6[%dma_start3A_197, %dma_start3A_198] : memref<64x80xi32, #tpu.memory_space<vmem>> -> memref<1x80xi32, #tpu.memory_space<vmem>>
    %dma_start3A_200 = tpu.memref_squeeze %dma_start3A_199 : memref<1x80xi32, #tpu.memory_space<vmem>> -> memref<80xi32, #tpu.memory_space<vmem>>
    %dma_start3A_201 = arith.constant 0 : i32
    %dma_start3A_202 = arith.constant 0 : i32
    %dma_start3A_203 = tpu.memref_slice %arg2[%dma_start3A_201, %dma_start3A_202] : memref<10000x128xf32, #tpu.memory_space<hbm>> -> memref<10000x128xf32, #tpu.memory_space<hbm>>
    tpu.enqueue_indirect_dma source(%dma_start3A_203 : memref<10000x128xf32, #tpu.memory_space<hbm>>) target(%arg8 : memref<80x128xf32, #tpu.memory_space<vmem>>) offsets(%dma_start3A_200 : memref<80xi32, #tpu.memory_space<vmem>>) semaphore(%arg12 : memref<!tpu.dma_semaphore, #tpu.memory_space<semaphore_mem>>)
    %dma_wait3A_204 = arith.constant 59 : i32
    %dma_wait3A_205 = arith.constant 0 : i32
    %dma_wait3A_206 = tpu.memref_slice %arg6[%dma_wait3A_204, %dma_wait3A_205] : memref<64x80xi32, #tpu.memory_space<vmem>> -> memref<1x80xi32, #tpu.memory_space<vmem>>
    %dma_wait3A_207 = tpu.memref_squeeze %dma_wait3A_206 : memref<1x80xi32, #tpu.memory_space<vmem>> -> memref<80xi32, #tpu.memory_space<vmem>>
    %dma_wait3A_208 = arith.constant 0 : i32
    %dma_wait3A_209 = arith.constant 0 : i32
    %dma_wait3A_210 = tpu.memref_slice %arg2[%dma_wait3A_208, %dma_wait3A_209] : memref<10000x128xf32, #tpu.memory_space<hbm>> -> memref<10000x128xf32, #tpu.memory_space<hbm>>
    tpu.wait_indirect_dma semaphore(%arg14 : memref<!tpu.dma_semaphore, #tpu.memory_space<semaphore_mem>>) src(%dma_wait3A_210 : memref<10000x128xf32, #tpu.memory_space<hbm>>) dst(%arg10 : memref<80x128xf32, #tpu.memory_space<vmem>>)
    %dma_start3A_211 = arith.constant 59 : i32
    %dma_start3A_212 = arith.constant 0 : i32
    %dma_start3A_213 = tpu.memref_slice %arg7[%dma_start3A_211, %dma_start3A_212] : memref<64x80xi32, #tpu.memory_space<vmem>> -> memref<1x80xi32, #tpu.memory_space<vmem>>
    %dma_start3A_214 = tpu.memref_squeeze %dma_start3A_213 : memref<1x80xi32, #tpu.memory_space<vmem>> -> memref<80xi32, #tpu.memory_space<vmem>>
    %dma_start3A_215 = arith.constant 0 : i32
    %dma_start3A_216 = arith.constant 0 : i32
    %dma_start3A_217 = tpu.memref_slice %arg11[%dma_start3A_215, %dma_start3A_216] : memref<10000x128xf32, #tpu.memory_space<vmem_shared>> -> memref<10000x128xf32, #tpu.memory_space<vmem_shared>>
    tpu.enqueue_indirect_dma source(%arg10 : memref<80x128xf32, #tpu.memory_space<vmem>>) target(%dma_start3A_217 : memref<10000x128xf32, #tpu.memory_space<vmem_shared>>) offsets(%dma_start3A_214 : memref<80xi32, #tpu.memory_space<vmem>>) semaphore(%arg17 : memref<!tpu.dma_semaphore, #tpu.memory_space<semaphore_mem>>) {add = true}
    %dma_wait3A_218 = arith.constant 58 : i32
    %dma_wait3A_219 = arith.constant 0 : i32
    %dma_wait3A_220 = tpu.memref_slice %arg7[%dma_wait3A_218, %dma_wait3A_219] : memref<64x80xi32, #tpu.memory_space<vmem>> -> memref<1x80xi32, #tpu.memory_space<vmem>>
    %dma_wait3A_221 = tpu.memref_squeeze %dma_wait3A_220 : memref<1x80xi32, #tpu.memory_space<vmem>> -> memref<80xi32, #tpu.memory_space<vmem>>
    %dma_wait3A_222 = arith.constant 0 : i32
    %dma_wait3A_223 = arith.constant 0 : i32
    %dma_wait3A_224 = tpu.memref_slice %arg11[%dma_wait3A_222, %dma_wait3A_223] : memref<10000x128xf32, #tpu.memory_space<vmem_shared>> -> memref<10000x128xf32, #tpu.memory_space<vmem_shared>>
    tpu.wait_indirect_dma semaphore(%arg16 : memref<!tpu.dma_semaphore, #tpu.memory_space<semaphore_mem>>) src(%arg9 : memref<80x128xf32, #tpu.memory_space<vmem>>) dst(%dma_wait3A_224 : memref<10000x128xf32, #tpu.memory_space<vmem_shared>>)
    %dma_wait3A_225 = arith.constant 60 : i32
    %dma_wait3A_226 = arith.constant 0 : i32
    %dma_wait3A_227 = tpu.memref_slice %arg6[%dma_wait3A_225, %dma_wait3A_226] : memref<64x80xi32, #tpu.memory_space<vmem>> -> memref<1x80xi32, #tpu.memory_space<vmem>>
    %dma_wait3A_228 = tpu.memref_squeeze %dma_wait3A_227 : memref<1x80xi32, #tpu.memory_space<vmem>> -> memref<80xi32, #tpu.memory_space<vmem>>
    %dma_wait3A_229 = arith.constant 0 : i32
    %dma_wait3A_230 = arith.constant 0 : i32
    %dma_wait3A_231 = tpu.memref_slice %arg2[%dma_wait3A_229, %dma_wait3A_230] : memref<10000x128xf32, #tpu.memory_space<hbm>> -> memref<10000x128xf32, #tpu.memory_space<hbm>>
    tpu.wait_indirect_dma semaphore(%arg12 : memref<!tpu.dma_semaphore, #tpu.memory_space<semaphore_mem>>) src(%dma_wait3A_231 : memref<10000x128xf32, #tpu.memory_space<hbm>>) dst(%arg8 : memref<80x128xf32, #tpu.memory_space<vmem>>)
    %dma_start3A_232 = arith.constant 60 : i32
    %dma_start3A_233 = arith.constant 0 : i32
    %dma_start3A_234 = tpu.memref_slice %arg7[%dma_start3A_232, %dma_start3A_233] : memref<64x80xi32, #tpu.memory_space<vmem>> -> memref<1x80xi32, #tpu.memory_space<vmem>>
    %dma_start3A_235 = tpu.memref_squeeze %dma_start3A_234 : memref<1x80xi32, #tpu.memory_space<vmem>> -> memref<80xi32, #tpu.memory_space<vmem>>
    %dma_start3A_236 = arith.constant 0 : i32
    %dma_start3A_237 = arith.constant 0 : i32
    %dma_start3A_238 = tpu.memref_slice %arg11[%dma_start3A_236, %dma_start3A_237] : memref<10000x128xf32, #tpu.memory_space<vmem_shared>> -> memref<10000x128xf32, #tpu.memory_space<vmem_shared>>
    tpu.enqueue_indirect_dma source(%arg8 : memref<80x128xf32, #tpu.memory_space<vmem>>) target(%dma_start3A_238 : memref<10000x128xf32, #tpu.memory_space<vmem_shared>>) offsets(%dma_start3A_235 : memref<80xi32, #tpu.memory_space<vmem>>) semaphore(%arg15 : memref<!tpu.dma_semaphore, #tpu.memory_space<semaphore_mem>>) {add = true}
    %dma_wait3A_239 = arith.constant 59 : i32
    %dma_wait3A_240 = arith.constant 0 : i32
    %dma_wait3A_241 = tpu.memref_slice %arg7[%dma_wait3A_239, %dma_wait3A_240] : memref<64x80xi32, #tpu.memory_space<vmem>> -> memref<1x80xi32, #tpu.memory_space<vmem>>
    %dma_wait3A_242 = tpu.memref_squeeze %dma_wait3A_241 : memref<1x80xi32, #tpu.memory_space<vmem>> -> memref<80xi32, #tpu.memory_space<vmem>>
    %dma_wait3A_243 = arith.constant 0 : i32
    %dma_wait3A_244 = arith.constant 0 : i32
    %dma_wait3A_245 = tpu.memref_slice %arg11[%dma_wait3A_243, %dma_wait3A_244] : memref<10000x128xf32, #tpu.memory_space<vmem_shared>> -> memref<10000x128xf32, #tpu.memory_space<vmem_shared>>
    tpu.wait_indirect_dma semaphore(%arg17 : memref<!tpu.dma_semaphore, #tpu.memory_space<semaphore_mem>>) src(%arg10 : memref<80x128xf32, #tpu.memory_space<vmem>>) dst(%dma_wait3A_245 : memref<10000x128xf32, #tpu.memory_space<vmem_shared>>)
    %dma_wait3A_246 = arith.constant 60 : i32
    %dma_wait3A_247 = arith.constant 0 : i32
    %dma_wait3A_248 = tpu.memref_slice %arg7[%dma_wait3A_246, %dma_wait3A_247] : memref<64x80xi32, #tpu.memory_space<vmem>> -> memref<1x80xi32, #tpu.memory_space<vmem>>
    %dma_wait3A_249 = tpu.memref_squeeze %dma_wait3A_248 : memref<1x80xi32, #tpu.memory_space<vmem>> -> memref<80xi32, #tpu.memory_space<vmem>>
    %dma_wait3A_250 = arith.constant 0 : i32
    %dma_wait3A_251 = arith.constant 0 : i32
    %dma_wait3A_252 = tpu.memref_slice %arg11[%dma_wait3A_250, %dma_wait3A_251] : memref<10000x128xf32, #tpu.memory_space<vmem_shared>> -> memref<10000x128xf32, #tpu.memory_space<vmem_shared>>
    tpu.wait_indirect_dma semaphore(%arg15 : memref<!tpu.dma_semaphore, #tpu.memory_space<semaphore_mem>>) src(%arg8 : memref<80x128xf32, #tpu.memory_space<vmem>>) dst(%dma_wait3A_252 : memref<10000x128xf32, #tpu.memory_space<vmem_shared>>)
    %barrier3A_253 = arith.constant 0 : index
    tpu.barrier barrier_id(%barrier3A_253)
    %while3A_254 = arith.constant 0 : i32
    %while3A_255 = arith.constant 0 : i32
    %while3A_256 = arith.subi %select_n3A, %while3A_255 : i32
    %while3A_257 = arith.addi %while3A_255, %while3A_256 : i32
    %while3A_258 = arith.constant 1 : i32
    %while3A_259 = arith.divsi %while3A_256, %while3A_258 : i32
    %while3A_260 = arith.muli %while3A_259, %while3A_258 : i32
    %while3A_261 = arith.addi %while3A_255, %while3A_260 : i32
    %while3A_262 = arith.constant 1 : i32
    scf.for %while3A_264 = %while3A_255 to %while3A_261 step %while3A_262  : i32 {
      %mul3A_265 = arith.constant 80 : i32
      %mul3A_266 = arith.muli %while3A_264, %mul3A_265 : i32
      %add3A_267 = arith.addi %mul3A_7, %mul3A_266 : i32
      "tpu.region"() ({
        %run_scoped3A = tpu.sem_alloc : memref<!tpu.dma_semaphore, #tpu.memory_space<semaphore_mem>>
        %dma_start3A_271 = arith.constant 0 : i32
        %dma_start3A_272 = tpu.memref_slice %arg11[%add3A_267, %dma_start3A_271] : memref<10000x128xf32, #tpu.memory_space<vmem_shared>> -> memref<80x128xf32, #tpu.memory_space<vmem_shared>>
        %dma_start3A_273 = arith.constant 0 : i32
        %dma_start3A_274 = tpu.memref_slice %arg11[%add3A_267, %dma_start3A_273] : memref<10000x128xf32, #tpu.memory_space<vmem_shared>> -> memref<80x128xf32, #tpu.memory_space<vmem_shared>>
        tpu.enqueue_dma source(%dma_start3A_274 : memref<80x128xf32, #tpu.memory_space<vmem_shared>>) target(%arg8 : memref<80x128xf32, #tpu.memory_space<vmem>>) target_semaphore(%run_scoped3A : memref<!tpu.dma_semaphore, #tpu.memory_space<semaphore_mem>>)
        %dma_wait3A_275 = arith.constant 0 : i32
        %dma_wait3A_276 = tpu.memref_slice %arg11[%add3A_267, %dma_wait3A_275] : memref<10000x128xf32, #tpu.memory_space<vmem_shared>> -> memref<80x128xf32, #tpu.memory_space<vmem_shared>>
        %dma_wait3A_277 = arith.constant 0 : i32
        %dma_wait3A_278 = tpu.memref_slice %arg11[%add3A_267, %dma_wait3A_277] : memref<10000x128xf32, #tpu.memory_space<vmem_shared>> -> memref<80x128xf32, #tpu.memory_space<vmem_shared>>
        tpu.wait_dma2 semaphore(%run_scoped3A : memref<!tpu.dma_semaphore, #tpu.memory_space<semaphore_mem>>) src(%dma_wait3A_278 : memref<80x128xf32, #tpu.memory_space<vmem_shared>>) dst(%arg8 : memref<80x128xf32, #tpu.memory_space<vmem>>)
        tpu.yield
      }) : () -> ()
      %mul3A_268 = arith.constant 80 : i32
      %mul3A_269 = arith.muli %while3A_264, %mul3A_268 : i32
      %add3A_270 = arith.addi %mul3A_7, %mul3A_269 : i32
      "tpu.region"() ({
        %run_scoped3A = tpu.sem_alloc : memref<!tpu.dma_semaphore, #tpu.memory_space<semaphore_mem>>
        %dma_start3A_271 = arith.constant 0 : i32
        %dma_start3A_272 = tpu.memref_slice %arg5[%arg0, %add3A_270, %dma_start3A_271] : memref<2x10000x128xf32, #tpu.memory_space<hbm>> -> memref<1x80x128xf32, #tpu.memory_space<hbm>>
        %dma_start3A_273 = tpu.memref_squeeze %dma_start3A_272 : memref<1x80x128xf32, #tpu.memory_space<hbm>> -> memref<80x128xf32, #tpu.memory_space<hbm>>
        %dma_start3A_274 = arith.constant 0 : i32
        %dma_start3A_275 = tpu.memref_slice %arg5[%arg0, %add3A_270, %dma_start3A_274] : memref<2x10000x128xf32, #tpu.memory_space<hbm>> -> memref<1x80x128xf32, #tpu.memory_space<hbm>>
        %dma_start3A_276 = tpu.memref_squeeze %dma_start3A_275 : memref<1x80x128xf32, #tpu.memory_space<hbm>> -> memref<80x128xf32, #tpu.memory_space<hbm>>
        tpu.enqueue_dma source(%arg8 : memref<80x128xf32, #tpu.memory_space<vmem>>) target(%dma_start3A_276 : memref<80x128xf32, #tpu.memory_space<hbm>>) target_semaphore(%run_scoped3A : memref<!tpu.dma_semaphore, #tpu.memory_space<semaphore_mem>>)
        %dma_wait3A_277 = arith.constant 0 : i32
        %dma_wait3A_278 = tpu.memref_slice %arg5[%arg0, %add3A_270, %dma_wait3A_277] : memref<2x10000x128xf32, #tpu.memory_space<hbm>> -> memref<1x80x128xf32, #tpu.memory_space<hbm>>
        %dma_wait3A_279 = tpu.memref_squeeze %dma_wait3A_278 : memref<1x80x128xf32, #tpu.memory_space<hbm>> -> memref<80x128xf32, #tpu.memory_space<hbm>>
        %dma_wait3A_280 = arith.constant 0 : i32
        %dma_wait3A_281 = tpu.memref_slice %arg5[%arg0, %add3A_270, %dma_wait3A_280] : memref<2x10000x128xf32, #tpu.memory_space<hbm>> -> memref<1x80x128xf32, #tpu.memory_space<hbm>>
        %dma_wait3A_282 = tpu.memref_squeeze %dma_wait3A_281 : memref<1x80x128xf32, #tpu.memory_space<hbm>> -> memref<80x128xf32, #tpu.memory_space<hbm>>
        tpu.wait_dma2 semaphore(%run_scoped3A : memref<!tpu.dma_semaphore, #tpu.memory_space<semaphore_mem>>) src(%arg8 : memref<80x128xf32, #tpu.memory_space<vmem>>) dst(%dma_wait3A_282 : memref<80x128xf32, #tpu.memory_space<hbm>>)
        tpu.yield
      }) : () -> ()
    }
    %while3A_263 = arith.constant 1 : i32
    scf.for %while3A_264 = %while3A_261 to %while3A_257 step %while3A_263  : i32 {
      %mul3A_265 = arith.constant 80 : i32
      %mul3A_266 = arith.muli %while3A_264, %mul3A_265 : i32
      %add3A_267 = arith.addi %mul3A_7, %mul3A_266 : i32
      "tpu.region"() ({
        %run_scoped3A = tpu.sem_alloc : memref<!tpu.dma_semaphore, #tpu.memory_space<semaphore_mem>>
        %dma_start3A_271 = arith.constant 0 : i32
        %dma_start3A_272 = tpu.memref_slice %arg11[%add3A_267, %dma_start3A_271] : memref<10000x128xf32, #tpu.memory_space<vmem_shared>> -> memref<80x128xf32, #tpu.memory_space<vmem_shared>>
        %dma_start3A_273 = arith.constant 0 : i32
        %dma_start3A_274 = tpu.memref_slice %arg11[%add3A_267, %dma_start3A_273] : memref<10000x128xf32, #tpu.memory_space<vmem_shared>> -> memref<80x128xf32, #tpu.memory_space<vmem_shared>>
        tpu.enqueue_dma source(%dma_start3A_274 : memref<80x128xf32, #tpu.memory_space<vmem_shared>>) target(%arg8 : memref<80x128xf32, #tpu.memory_space<vmem>>) target_semaphore(%run_scoped3A : memref<!tpu.dma_semaphore, #tpu.memory_space<semaphore_mem>>)
        %dma_wait3A_275 = arith.constant 0 : i32
        %dma_wait3A_276 = tpu.memref_slice %arg11[%add3A_267, %dma_wait3A_275] : memref<10000x128xf32, #tpu.memory_space<vmem_shared>> -> memref<80x128xf32, #tpu.memory_space<vmem_shared>>
        %dma_wait3A_277 = arith.constant 0 : i32
        %dma_wait3A_278 = tpu.memref_slice %arg11[%add3A_267, %dma_wait3A_277] : memref<10000x128xf32, #tpu.memory_space<vmem_shared>> -> memref<80x128xf32, #tpu.memory_space<vmem_shared>>
        tpu.wait_dma2 semaphore(%run_scoped3A : memref<!tpu.dma_semaphore, #tpu.memory_space<semaphore_mem>>) src(%dma_wait3A_278 : memref<80x128xf32, #tpu.memory_space<vmem_shared>>) dst(%arg8 : memref<80x128xf32, #tpu.memory_space<vmem>>)
        tpu.yield
      }) : () -> ()
      %mul3A_268 = arith.constant 80 : i32
      %mul3A_269 = arith.muli %while3A_264, %mul3A_268 : i32
      %add3A_270 = arith.addi %mul3A_7, %mul3A_269 : i32
      "tpu.region"() ({
        %run_scoped3A = tpu.sem_alloc : memref<!tpu.dma_semaphore, #tpu.memory_space<semaphore_mem>>
        %dma_start3A_271 = arith.constant 0 : i32
        %dma_start3A_272 = tpu.memref_slice %arg5[%arg0, %add3A_270, %dma_start3A_271] : memref<2x10000x128xf32, #tpu.memory_space<hbm>> -> memref<1x80x128xf32, #tpu.memory_space<hbm>>
        %dma_start3A_273 = tpu.memref_squeeze %dma_start3A_272 : memref<1x80x128xf32, #tpu.memory_space<hbm>> -> memref<80x128xf32, #tpu.memory_space<hbm>>
        %dma_start3A_274 = arith.constant 0 : i32
        %dma_start3A_275 = tpu.memref_slice %arg5[%arg0, %add3A_270, %dma_start3A_274] : memref<2x10000x128xf32, #tpu.memory_space<hbm>> -> memref<1x80x128xf32, #tpu.memory_space<hbm>>
        %dma_start3A_276 = tpu.memref_squeeze %dma_start3A_275 : memref<1x80x128xf32, #tpu.memory_space<hbm>> -> memref<80x128xf32, #tpu.memory_space<hbm>>
        tpu.enqueue_dma source(%arg8 : memref<80x128xf32, #tpu.memory_space<vmem>>) target(%dma_start3A_276 : memref<80x128xf32, #tpu.memory_space<hbm>>) target_semaphore(%run_scoped3A : memref<!tpu.dma_semaphore, #tpu.memory_space<semaphore_mem>>)
        %dma_wait3A_277 = arith.constant 0 : i32
        %dma_wait3A_278 = tpu.memref_slice %arg5[%arg0, %add3A_270, %dma_wait3A_277] : memref<2x10000x128xf32, #tpu.memory_space<hbm>> -> memref<1x80x128xf32, #tpu.memory_space<hbm>>
        %dma_wait3A_279 = tpu.memref_squeeze %dma_wait3A_278 : memref<1x80x128xf32, #tpu.memory_space<hbm>> -> memref<80x128xf32, #tpu.memory_space<hbm>>
        %dma_wait3A_280 = arith.constant 0 : i32
        %dma_wait3A_281 = tpu.memref_slice %arg5[%arg0, %add3A_270, %dma_wait3A_280] : memref<2x10000x128xf32, #tpu.memory_space<hbm>> -> memref<1x80x128xf32, #tpu.memory_space<hbm>>
        %dma_wait3A_282 = tpu.memref_squeeze %dma_wait3A_281 : memref<1x80x128xf32, #tpu.memory_space<hbm>> -> memref<80x128xf32, #tpu.memory_space<hbm>>
        tpu.wait_dma2 semaphore(%run_scoped3A : memref<!tpu.dma_semaphore, #tpu.memory_space<semaphore_mem>>) src(%arg8 : memref<80x128xf32, #tpu.memory_space<vmem>>) dst(%dma_wait3A_282 : memref<80x128xf32, #tpu.memory_space<hbm>>)
        tpu.yield
      }) : () -> ()
    }
    return
  }
}

#map = affine_map<(d0, d1) -> (0, 0, 0)>
module attributes {stable_mosaic.version = 14 : i64} {
  func.func @_sc_deg(%arg0: i32, %arg1: i32, %arg2: memref<32x125x80xi32, #tpu.memory_space<hbm>>, %arg3: memref<2x1x10240xf32, #tpu.memory_space<hbm>>, %arg4: memref<125x80xi32, #tpu.memory_space<vmem>>, %arg5: memref<80xf32, #tpu.memory_space<vmem>>, %arg6: memref<640xf32, #tpu.memory_space<vmem>>, %arg7: memref<10240xf32, #tpu.memory_space<vmem_shared>>, %arg8: memref<!tpu.dma_semaphore, #tpu.memory_space<semaphore_mem>>) attributes {dimension_semantics = [#tpu.dimension_semantics<core_parallel>, #tpu.dimension_semantics<subcore_parallel>], iteration_bounds = array<i64: 2, 16>, scalar_prefetch = 0 : i64, scratch_operands = 5 : i64, tpu.core_type = #tpu.core_type<sc_vector_subcore>, window_params = [{transform_indices = #map}, {transform_indices = #map}]} {
    %mul3A = arith.constant 2 : i32
    %mul3A_0 = arith.muli %arg1, %mul3A : i32
    %add3A = arith.addi %mul3A_0, %arg0 : i32
    %scan3A = arith.constant 0 : i32
    %scan3A_1 = arith.constant 0 : i32
    %scan3A_2 = arith.constant 5 : i32
    %scan3A_3 = arith.addi %scan3A_1, %scan3A_2 : i32
    %scan3A_4 = arith.constant 1 : i32
    scf.for %scan3A_25 = %scan3A_1 to %scan3A_3 step %scan3A_4  : i32 {
      %broadcast_in_dim3A = arith.constant 1.000000e+00 : f32
      %broadcast_in_dim3A_26 = vector.broadcast %broadcast_in_dim3A : f32 to vector<16xf32>
      %mul3A_27 = arith.constant 16 : i32
      %mul3A_28 = arith.muli %scan3A_25, %mul3A_27 : i32
      %swap3A = arith.index_cast %mul3A_28 : i32 to index
      %swap3A_29 = tpu.vector_load %arg5[%swap3A] {strides = array<i32>} : memref<80xf32, #tpu.memory_space<vmem>>, vector<16xf32>,
      %swap3A_30 = vector.shape_cast %swap3A_29 : vector<16xf32> to vector<16xf32>
      %swap3A_31 = vector.shape_cast %broadcast_in_dim3A_26 : vector<16xf32> to vector<16xf32>
      tpu.vector_store %arg5[%swap3A], %swap3A_31 {strides = array<i32>} : memref<80xf32, #tpu.memory_space<vmem>>, vector<16xf32>,
    }
    %scan3A_5 = arith.constant 5 : i32
    %scan3A_6 = arith.constant 0 : i32
    %scan3A_7 = arith.constant 0 : i32
    %scan3A_8 = arith.constant 40 : i32
    %scan3A_9 = arith.addi %scan3A_7, %scan3A_8 : i32
    %scan3A_10 = arith.constant 1 : i32
    scf.for %scan3A_25 = %scan3A_7 to %scan3A_9 step %scan3A_10  : i32 {
      %broadcast_in_dim3A = arith.constant 0.000000e+00 : f32
      %broadcast_in_dim3A_26 = vector.broadcast %broadcast_in_dim3A : f32 to vector<16xf32>
      %mul3A_27 = arith.constant 16 : i32
      %mul3A_28 = arith.muli %scan3A_25, %mul3A_27 : i32
      %swap3A = arith.index_cast %mul3A_28 : i32 to index
      %swap3A_29 = tpu.vector_load %arg6[%swap3A] {strides = array<i32>} : memref<640xf32, #tpu.memory_space<vmem>>, vector<16xf32>,
      %swap3A_30 = vector.shape_cast %swap3A_29 : vector<16xf32> to vector<16xf32>
      %swap3A_31 = vector.shape_cast %broadcast_in_dim3A_26 : vector<16xf32> to vector<16xf32>
      tpu.vector_store %arg6[%swap3A], %swap3A_31 {strides = array<i32>} : memref<640xf32, #tpu.memory_space<vmem>>, vector<16xf32>,
    }
    %scan3A_11 = arith.constant 40 : i32
    %mul3A_12 = arith.constant 640 : i32
    %mul3A_13 = arith.muli %arg1, %mul3A_12 : i32
    "tpu.region"() ({
      %run_scoped3A_25 = tpu.sem_alloc : memref<!tpu.dma_semaphore, #tpu.memory_space<semaphore_mem>>
      %dma_start3A = tpu.memref_slice %arg7[%mul3A_13] : memref<10240xf32, #tpu.memory_space<vmem_shared>> -> memref<640xf32, #tpu.memory_space<vmem_shared>>
      %dma_start3A_26 = tpu.memref_slice %arg7[%mul3A_13] : memref<10240xf32, #tpu.memory_space<vmem_shared>> -> memref<640xf32, #tpu.memory_space<vmem_shared>>
      tpu.enqueue_dma source(%arg6 : memref<640xf32, #tpu.memory_space<vmem>>) target(%dma_start3A_26 : memref<640xf32, #tpu.memory_space<vmem_shared>>) target_semaphore(%run_scoped3A_25 : memref<!tpu.dma_semaphore, #tpu.memory_space<semaphore_mem>>)
      %dma_wait3A = tpu.memref_slice %arg7[%mul3A_13] : memref<10240xf32, #tpu.memory_space<vmem_shared>> -> memref<640xf32, #tpu.memory_space<vmem_shared>>
      %dma_wait3A_27 = tpu.memref_slice %arg7[%mul3A_13] : memref<10240xf32, #tpu.memory_space<vmem_shared>> -> memref<640xf32, #tpu.memory_space<vmem_shared>>
      tpu.wait_dma2 semaphore(%run_scoped3A_25 : memref<!tpu.dma_semaphore, #tpu.memory_space<semaphore_mem>>) src(%arg6 : memref<640xf32, #tpu.memory_space<vmem>>) dst(%dma_wait3A_27 : memref<640xf32, #tpu.memory_space<vmem_shared>>)
      tpu.yield
    }) : () -> ()
    "tpu.region"() ({
      %run_scoped3A_25 = tpu.sem_alloc : memref<!tpu.dma_semaphore, #tpu.memory_space<semaphore_mem>>
      %dma_start3A = arith.constant 0 : i32
      %dma_start3A_26 = arith.constant 0 : i32
      %dma_start3A_27 = tpu.memref_slice %arg2[%add3A, %dma_start3A, %dma_start3A_26] : memref<32x125x80xi32, #tpu.memory_space<hbm>> -> memref<1x125x80xi32, #tpu.memory_space<hbm>>
      %dma_start3A_28 = tpu.memref_squeeze %dma_start3A_27 : memref<1x125x80xi32, #tpu.memory_space<hbm>> -> memref<125x80xi32, #tpu.memory_space<hbm>>
      %dma_start3A_29 = arith.constant 0 : i32
      %dma_start3A_30 = arith.constant 0 : i32
      %dma_start3A_31 = tpu.memref_slice %arg2[%add3A, %dma_start3A_29, %dma_start3A_30] : memref<32x125x80xi32, #tpu.memory_space<hbm>> -> memref<1x125x80xi32, #tpu.memory_space<hbm>>
      %dma_start3A_32 = tpu.memref_squeeze %dma_start3A_31 : memref<1x125x80xi32, #tpu.memory_space<hbm>> -> memref<125x80xi32, #tpu.memory_space<hbm>>
      tpu.enqueue_dma source(%dma_start3A_32 : memref<125x80xi32, #tpu.memory_space<hbm>>) target(%arg4 : memref<125x80xi32, #tpu.memory_space<vmem>>) target_semaphore(%run_scoped3A_25 : memref<!tpu.dma_semaphore, #tpu.memory_space<semaphore_mem>>)
      %dma_wait3A = arith.constant 0 : i32
      %dma_wait3A_33 = arith.constant 0 : i32
      %dma_wait3A_34 = tpu.memref_slice %arg2[%add3A, %dma_wait3A, %dma_wait3A_33] : memref<32x125x80xi32, #tpu.memory_space<hbm>> -> memref<1x125x80xi32, #tpu.memory_space<hbm>>
      %dma_wait3A_35 = tpu.memref_squeeze %dma_wait3A_34 : memref<1x125x80xi32, #tpu.memory_space<hbm>> -> memref<125x80xi32, #tpu.memory_space<hbm>>
      %dma_wait3A_36 = arith.constant 0 : i32
      %dma_wait3A_37 = arith.constant 0 : i32
      %dma_wait3A_38 = tpu.memref_slice %arg2[%add3A, %dma_wait3A_36, %dma_wait3A_37] : memref<32x125x80xi32, #tpu.memory_space<hbm>> -> memref<1x125x80xi32, #tpu.memory_space<hbm>>
      %dma_wait3A_39 = tpu.memref_squeeze %dma_wait3A_38 : memref<1x125x80xi32, #tpu.memory_space<hbm>> -> memref<125x80xi32, #tpu.memory_space<hbm>>
      tpu.wait_dma2 semaphore(%run_scoped3A_25 : memref<!tpu.dma_semaphore, #tpu.memory_space<semaphore_mem>>) src(%dma_wait3A_39 : memref<125x80xi32, #tpu.memory_space<hbm>>) dst(%arg4 : memref<125x80xi32, #tpu.memory_space<vmem>>)
      tpu.yield
    }) : () -> ()
    %barrier3A = arith.constant 0 : index
    tpu.barrier barrier_id(%barrier3A)
    %scan3A_14 = arith.constant 0 : i32
    %scan3A_15 = arith.constant 0 : i32
    %scan3A_16 = arith.constant 25 : i32
    %scan3A_17 = arith.addi %scan3A_15, %scan3A_16 : i32
    %scan3A_18 = arith.constant 1 : i32
    scf.for %scan3A_25 = %scan3A_15 to %scan3A_17 step %scan3A_18  : i32 {
      %mul3A_26 = arith.constant 5 : i32
      %mul3A_27 = arith.muli %scan3A_25, %mul3A_26 : i32
      %add3A_28 = arith.constant 0 : i32
      %add3A_29 = arith.addi %mul3A_27, %add3A_28 : i32
      %dma_start3A = arith.constant 0 : i32
      %dma_start3A_30 = tpu.memref_slice %arg4[%add3A_29, %dma_start3A] : memref<125x80xi32, #tpu.memory_space<vmem>> -> memref<1x80xi32, #tpu.memory_space<vmem>>
      %dma_start3A_31 = tpu.memref_squeeze %dma_start3A_30 : memref<1x80xi32, #tpu.memory_space<vmem>> -> memref<80xi32, #tpu.memory_space<vmem>>
      %dma_start3A_32 = arith.constant 0 : i32
      %dma_start3A_33 = tpu.memref_slice %arg7[%dma_start3A_32] : memref<10240xf32, #tpu.memory_space<vmem_shared>> -> memref<10240xf32, #tpu.memory_space<vmem_shared>>
      tpu.enqueue_indirect_dma source(%arg5 : memref<80xf32, #tpu.memory_space<vmem>>) target(%dma_start3A_33 : memref<10240xf32, #tpu.memory_space<vmem_shared>>) offsets(%dma_start3A_31 : memref<80xi32, #tpu.memory_space<vmem>>) semaphore(%arg8 : memref<!tpu.dma_semaphore, #tpu.memory_space<semaphore_mem>>) {add = true}
      %add3A_34 = arith.constant 1 : i32
      %add3A_35 = arith.addi %mul3A_27, %add3A_34 : i32
      %dma_start3A_36 = arith.constant 0 : i32
      %dma_start3A_37 = tpu.memref_slice %arg4[%add3A_35, %dma_start3A_36] : memref<125x80xi32, #tpu.memory_space<vmem>> -> memref<1x80xi32, #tpu.memory_space<vmem>>
      %dma_start3A_38 = tpu.memref_squeeze %dma_start3A_37 : memref<1x80xi32, #tpu.memory_space<vmem>> -> memref<80xi32, #tpu.memory_space<vmem>>
      %dma_start3A_39 = arith.constant 0 : i32
      %dma_start3A_40 = tpu.memref_slice %arg7[%dma_start3A_39] : memref<10240xf32, #tpu.memory_space<vmem_shared>> -> memref<10240xf32, #tpu.memory_space<vmem_shared>>
      tpu.enqueue_indirect_dma source(%arg5 : memref<80xf32, #tpu.memory_space<vmem>>) target(%dma_start3A_40 : memref<10240xf32, #tpu.memory_space<vmem_shared>>) offsets(%dma_start3A_38 : memref<80xi32, #tpu.memory_space<vmem>>) semaphore(%arg8 : memref<!tpu.dma_semaphore, #tpu.memory_space<semaphore_mem>>) {add = true}
      %add3A_41 = arith.constant 2 : i32
      %add3A_42 = arith.addi %mul3A_27, %add3A_41 : i32
      %dma_start3A_43 = arith.constant 0 : i32
      %dma_start3A_44 = tpu.memref_slice %arg4[%add3A_42, %dma_start3A_43] : memref<125x80xi32, #tpu.memory_space<vmem>> -> memref<1x80xi32, #tpu.memory_space<vmem>>
      %dma_start3A_45 = tpu.memref_squeeze %dma_start3A_44 : memref<1x80xi32, #tpu.memory_space<vmem>> -> memref<80xi32, #tpu.memory_space<vmem>>
      %dma_start3A_46 = arith.constant 0 : i32
      %dma_start3A_47 = tpu.memref_slice %arg7[%dma_start3A_46] : memref<10240xf32, #tpu.memory_space<vmem_shared>> -> memref<10240xf32, #tpu.memory_space<vmem_shared>>
      tpu.enqueue_indirect_dma source(%arg5 : memref<80xf32, #tpu.memory_space<vmem>>) target(%dma_start3A_47 : memref<10240xf32, #tpu.memory_space<vmem_shared>>) offsets(%dma_start3A_45 : memref<80xi32, #tpu.memory_space<vmem>>) semaphore(%arg8 : memref<!tpu.dma_semaphore, #tpu.memory_space<semaphore_mem>>) {add = true}
      %add3A_48 = arith.constant 3 : i32
      %add3A_49 = arith.addi %mul3A_27, %add3A_48 : i32
      %dma_start3A_50 = arith.constant 0 : i32
      %dma_start3A_51 = tpu.memref_slice %arg4[%add3A_49, %dma_start3A_50] : memref<125x80xi32, #tpu.memory_space<vmem>> -> memref<1x80xi32, #tpu.memory_space<vmem>>
      %dma_start3A_52 = tpu.memref_squeeze %dma_start3A_51 : memref<1x80xi32, #tpu.memory_space<vmem>> -> memref<80xi32, #tpu.memory_space<vmem>>
      %dma_start3A_53 = arith.constant 0 : i32
      %dma_start3A_54 = tpu.memref_slice %arg7[%dma_start3A_53] : memref<10240xf32, #tpu.memory_space<vmem_shared>> -> memref<10240xf32, #tpu.memory_space<vmem_shared>>
      tpu.enqueue_indirect_dma source(%arg5 : memref<80xf32, #tpu.memory_space<vmem>>) target(%dma_start3A_54 : memref<10240xf32, #tpu.memory_space<vmem_shared>>) offsets(%dma_start3A_52 : memref<80xi32, #tpu.memory_space<vmem>>) semaphore(%arg8 : memref<!tpu.dma_semaphore, #tpu.memory_space<semaphore_mem>>) {add = true}
      %add3A_55 = arith.constant 4 : i32
      %add3A_56 = arith.addi %mul3A_27, %add3A_55 : i32
      %dma_start3A_57 = arith.constant 0 : i32
      %dma_start3A_58 = tpu.memref_slice %arg4[%add3A_56, %dma_start3A_57] : memref<125x80xi32, #tpu.memory_space<vmem>> -> memref<1x80xi32, #tpu.memory_space<vmem>>
      %dma_start3A_59 = tpu.memref_squeeze %dma_start3A_58 : memref<1x80xi32, #tpu.memory_space<vmem>> -> memref<80xi32, #tpu.memory_space<vmem>>
      %dma_start3A_60 = arith.constant 0 : i32
      %dma_start3A_61 = tpu.memref_slice %arg7[%dma_start3A_60] : memref<10240xf32, #tpu.memory_space<vmem_shared>> -> memref<10240xf32, #tpu.memory_space<vmem_shared>>
      tpu.enqueue_indirect_dma source(%arg5 : memref<80xf32, #tpu.memory_space<vmem>>) target(%dma_start3A_61 : memref<10240xf32, #tpu.memory_space<vmem_shared>>) offsets(%dma_start3A_59 : memref<80xi32, #tpu.memory_space<vmem>>) semaphore(%arg8 : memref<!tpu.dma_semaphore, #tpu.memory_space<semaphore_mem>>) {add = true}
      %add3A_62 = arith.constant 0 : i32
      %add3A_63 = arith.addi %mul3A_27, %add3A_62 : i32
      %dma_wait3A = arith.constant 0 : i32
      %dma_wait3A_64 = tpu.memref_slice %arg4[%add3A_63, %dma_wait3A] : memref<125x80xi32, #tpu.memory_space<vmem>> -> memref<1x80xi32, #tpu.memory_space<vmem>>
      %dma_wait3A_65 = tpu.memref_squeeze %dma_wait3A_64 : memref<1x80xi32, #tpu.memory_space<vmem>> -> memref<80xi32, #tpu.memory_space<vmem>>
      %dma_wait3A_66 = arith.constant 0 : i32
      %dma_wait3A_67 = tpu.memref_slice %arg7[%dma_wait3A_66] : memref<10240xf32, #tpu.memory_space<vmem_shared>> -> memref<10240xf32, #tpu.memory_space<vmem_shared>>
      tpu.wait_indirect_dma semaphore(%arg8 : memref<!tpu.dma_semaphore, #tpu.memory_space<semaphore_mem>>) src(%arg5 : memref<80xf32, #tpu.memory_space<vmem>>) dst(%dma_wait3A_67 : memref<10240xf32, #tpu.memory_space<vmem_shared>>)
      %add3A_68 = arith.constant 1 : i32
      %add3A_69 = arith.addi %mul3A_27, %add3A_68 : i32
      %dma_wait3A_70 = arith.constant 0 : i32
      %dma_wait3A_71 = tpu.memref_slice %arg4[%add3A_69, %dma_wait3A_70] : memref<125x80xi32, #tpu.memory_space<vmem>> -> memref<1x80xi32, #tpu.memory_space<vmem>>
      %dma_wait3A_72 = tpu.memref_squeeze %dma_wait3A_71 : memref<1x80xi32, #tpu.memory_space<vmem>> -> memref<80xi32, #tpu.memory_space<vmem>>
      %dma_wait3A_73 = arith.constant 0 : i32
      %dma_wait3A_74 = tpu.memref_slice %arg7[%dma_wait3A_73] : memref<10240xf32, #tpu.memory_space<vmem_shared>> -> memref<10240xf32, #tpu.memory_space<vmem_shared>>
      tpu.wait_indirect_dma semaphore(%arg8 : memref<!tpu.dma_semaphore, #tpu.memory_space<semaphore_mem>>) src(%arg5 : memref<80xf32, #tpu.memory_space<vmem>>) dst(%dma_wait3A_74 : memref<10240xf32, #tpu.memory_space<vmem_shared>>)
      %add3A_75 = arith.constant 2 : i32
      %add3A_76 = arith.addi %mul3A_27, %add3A_75 : i32
      %dma_wait3A_77 = arith.constant 0 : i32
      %dma_wait3A_78 = tpu.memref_slice %arg4[%add3A_76, %dma_wait3A_77] : memref<125x80xi32, #tpu.memory_space<vmem>> -> memref<1x80xi32, #tpu.memory_space<vmem>>
      %dma_wait3A_79 = tpu.memref_squeeze %dma_wait3A_78 : memref<1x80xi32, #tpu.memory_space<vmem>> -> memref<80xi32, #tpu.memory_space<vmem>>
      %dma_wait3A_80 = arith.constant 0 : i32
      %dma_wait3A_81 = tpu.memref_slice %arg7[%dma_wait3A_80] : memref<10240xf32, #tpu.memory_space<vmem_shared>> -> memref<10240xf32, #tpu.memory_space<vmem_shared>>
      tpu.wait_indirect_dma semaphore(%arg8 : memref<!tpu.dma_semaphore, #tpu.memory_space<semaphore_mem>>) src(%arg5 : memref<80xf32, #tpu.memory_space<vmem>>) dst(%dma_wait3A_81 : memref<10240xf32, #tpu.memory_space<vmem_shared>>)
      %add3A_82 = arith.constant 3 : i32
      %add3A_83 = arith.addi %mul3A_27, %add3A_82 : i32
      %dma_wait3A_84 = arith.constant 0 : i32
      %dma_wait3A_85 = tpu.memref_slice %arg4[%add3A_83, %dma_wait3A_84] : memref<125x80xi32, #tpu.memory_space<vmem>> -> memref<1x80xi32, #tpu.memory_space<vmem>>
      %dma_wait3A_86 = tpu.memref_squeeze %dma_wait3A_85 : memref<1x80xi32, #tpu.memory_space<vmem>> -> memref<80xi32, #tpu.memory_space<vmem>>
      %dma_wait3A_87 = arith.constant 0 : i32
      %dma_wait3A_88 = tpu.memref_slice %arg7[%dma_wait3A_87] : memref<10240xf32, #tpu.memory_space<vmem_shared>> -> memref<10240xf32, #tpu.memory_space<vmem_shared>>
      tpu.wait_indirect_dma semaphore(%arg8 : memref<!tpu.dma_semaphore, #tpu.memory_space<semaphore_mem>>) src(%arg5 : memref<80xf32, #tpu.memory_space<vmem>>) dst(%dma_wait3A_88 : memref<10240xf32, #tpu.memory_space<vmem_shared>>)
      %add3A_89 = arith.constant 4 : i32
      %add3A_90 = arith.addi %mul3A_27, %add3A_89 : i32
      %dma_wait3A_91 = arith.constant 0 : i32
      %dma_wait3A_92 = tpu.memref_slice %arg4[%add3A_90, %dma_wait3A_91] : memref<125x80xi32, #tpu.memory_space<vmem>> -> memref<1x80xi32, #tpu.memory_space<vmem>>
      %dma_wait3A_93 = tpu.memref_squeeze %dma_wait3A_92 : memref<1x80xi32, #tpu.memory_space<vmem>> -> memref<80xi32, #tpu.memory_space<vmem>>
      %dma_wait3A_94 = arith.constant 0 : i32
      %dma_wait3A_95 = tpu.memref_slice %arg7[%dma_wait3A_94] : memref<10240xf32, #tpu.memory_space<vmem_shared>> -> memref<10240xf32, #tpu.memory_space<vmem_shared>>
      tpu.wait_indirect_dma semaphore(%arg8 : memref<!tpu.dma_semaphore, #tpu.memory_space<semaphore_mem>>) src(%arg5 : memref<80xf32, #tpu.memory_space<vmem>>) dst(%dma_wait3A_95 : memref<10240xf32, #tpu.memory_space<vmem_shared>>)
    }
    %scan3A_19 = arith.constant 25 : i32
    %barrier3A_20 = arith.constant 0 : index
    tpu.barrier barrier_id(%barrier3A_20)
    %mul3A_21 = arith.constant 640 : i32
    %mul3A_22 = arith.muli %arg1, %mul3A_21 : i32
    "tpu.region"() ({
      %run_scoped3A_25 = tpu.sem_alloc : memref<!tpu.dma_semaphore, #tpu.memory_space<semaphore_mem>>
      %dma_start3A = tpu.memref_slice %arg7[%mul3A_22] : memref<10240xf32, #tpu.memory_space<vmem_shared>> -> memref<640xf32, #tpu.memory_space<vmem_shared>>
      %dma_start3A_26 = tpu.memref_slice %arg7[%mul3A_22] : memref<10240xf32, #tpu.memory_space<vmem_shared>> -> memref<640xf32, #tpu.memory_space<vmem_shared>>
      tpu.enqueue_dma source(%dma_start3A_26 : memref<640xf32, #tpu.memory_space<vmem_shared>>) target(%arg6 : memref<640xf32, #tpu.memory_space<vmem>>) target_semaphore(%run_scoped3A_25 : memref<!tpu.dma_semaphore, #tpu.memory_space<semaphore_mem>>)
      %dma_wait3A = tpu.memref_slice %arg7[%mul3A_22] : memref<10240xf32, #tpu.memory_space<vmem_shared>> -> memref<640xf32, #tpu.memory_space<vmem_shared>>
      %dma_wait3A_27 = tpu.memref_slice %arg7[%mul3A_22] : memref<10240xf32, #tpu.memory_space<vmem_shared>> -> memref<640xf32, #tpu.memory_space<vmem_shared>>
      tpu.wait_dma2 semaphore(%run_scoped3A_25 : memref<!tpu.dma_semaphore, #tpu.memory_space<semaphore_mem>>) src(%dma_wait3A_27 : memref<640xf32, #tpu.memory_space<vmem_shared>>) dst(%arg6 : memref<640xf32, #tpu.memory_space<vmem>>)
      tpu.yield
    }) : () -> ()
    %mul3A_23 = arith.constant 640 : i32
    %mul3A_24 = arith.muli %arg1, %mul3A_23 : i32
    %run_scoped3A = arith.constant 0 : i32
    "tpu.region"() ({
      %run_scoped3A_25 = tpu.sem_alloc : memref<!tpu.dma_semaphore, #tpu.memory_space<semaphore_mem>>
      %dma_start3A = tpu.memref_slice %arg3[%arg0, %run_scoped3A, %mul3A_24] : memref<2x1x10240xf32, #tpu.memory_space<hbm>> -> memref<1x1x640xf32, #tpu.memory_space<hbm>>
      %dma_start3A_26 = tpu.memref_squeeze %dma_start3A : memref<1x1x640xf32, #tpu.memory_space<hbm>> -> memref<640xf32, #tpu.memory_space<hbm>>
      %dma_start3A_27 = tpu.memref_slice %arg3[%arg0, %run_scoped3A, %mul3A_24] : memref<2x1x10240xf32, #tpu.memory_space<hbm>> -> memref<1x1x640xf32, #tpu.memory_space<hbm>>
      %dma_start3A_28 = tpu.memref_squeeze %dma_start3A_27 : memref<1x1x640xf32, #tpu.memory_space<hbm>> -> memref<640xf32, #tpu.memory_space<hbm>>
      tpu.enqueue_dma source(%arg6 : memref<640xf32, #tpu.memory_space<vmem>>) target(%dma_start3A_28 : memref<640xf32, #tpu.memory_space<hbm>>) target_semaphore(%run_scoped3A_25 : memref<!tpu.dma_semaphore, #tpu.memory_space<semaphore_mem>>)
      %dma_wait3A = tpu.memref_slice %arg3[%arg0, %run_scoped3A, %mul3A_24] : memref<2x1x10240xf32, #tpu.memory_space<hbm>> -> memref<1x1x640xf32, #tpu.memory_space<hbm>>
      %dma_wait3A_29 = tpu.memref_squeeze %dma_wait3A : memref<1x1x640xf32, #tpu.memory_space<hbm>> -> memref<640xf32, #tpu.memory_space<hbm>>
      %dma_wait3A_30 = tpu.memref_slice %arg3[%arg0, %run_scoped3A, %mul3A_24] : memref<2x1x10240xf32, #tpu.memory_space<hbm>> -> memref<1x1x640xf32, #tpu.memory_space<hbm>>
      %dma_wait3A_31 = tpu.memref_squeeze %dma_wait3A_30 : memref<1x1x640xf32, #tpu.memory_space<hbm>> -> memref<640xf32, #tpu.memory_space<hbm>>
      tpu.wait_dma2 semaphore(%run_scoped3A_25 : memref<!tpu.dma_semaphore, #tpu.memory_space<semaphore_mem>>) src(%arg6 : memref<640xf32, #tpu.memory_space<vmem>>) dst(%dma_wait3A_31 : memref<640xf32, #tpu.memory_space<hbm>>)
      tpu.yield
    }) : () -> ()
    return
  }
}

#map = affine_map<(d0, d1) -> (0, 0)>
#map1 = affine_map<(d0, d1) -> (0, 0, 0)>
module attributes {stable_mosaic.version = 14 : i64} {
  func.func @_sc_agg(%arg0: i32, %arg1: i32, %arg2: memref<10000x128xf32, #tpu.memory_space<hbm>>, %arg3: memref<32x125x80xi32, #tpu.memory_space<hbm>>, %arg4: memref<32x125x80xi32, #tpu.memory_space<hbm>>, %arg5: memref<2x10000x128xf32, #tpu.memory_space<hbm>>, %arg6: memref<64x80xi32, #tpu.memory_space<vmem>>, %arg7: memref<64x80xi32, #tpu.memory_space<vmem>>, %arg8: memref<80x128xf32, #tpu.memory_space<vmem>>, %arg9: memref<80x128xf32, #tpu.memory_space<vmem>>, %arg10: memref<80x128xf32, #tpu.memory_space<vmem>>, %arg11: memref<10000x128xf32, #tpu.memory_space<vmem_shared>>, %arg12: memref<!tpu.dma_semaphore, #tpu.memory_space<semaphore_mem>>, %arg13: memref<!tpu.dma_semaphore, #tpu.memory_space<semaphore_mem>>, %arg14: memref<!tpu.dma_semaphore, #tpu.memory_space<semaphore_mem>>, %arg15: memref<!tpu.dma_semaphore, #tpu.memory_space<semaphore_mem>>, %arg16: memref<!tpu.dma_semaphore, #tpu.memory_space<semaphore_mem>>, %arg17: memref<!tpu.dma_semaphore, #tpu.memory_space<semaphore_mem>>) attributes {dimension_semantics = [#tpu.dimension_semantics<core_parallel>, #tpu.dimension_semantics<subcore_parallel>], iteration_bounds = array<i64: 2, 16>, scalar_prefetch = 0 : i64, scratch_operands = 12 : i64, tpu.core_type = #tpu.core_type<sc_vector_subcore>, window_params = [{transform_indices = #map}, {transform_indices = #map1}, {transform_indices = #map1}, {transform_indices = #map1}]} {
    %mul3A = arith.constant 2 : i32
    %mul3A_0 = arith.muli %arg1, %mul3A : i32
    %add3A = arith.addi %mul3A_0, %arg0 : i32
    %scan3A = arith.constant 0 : i32
    %scan3A_1 = arith.constant 0 : i32
    %scan3A_2 = arith.constant 80 : i32
    %scan3A_3 = arith.addi %scan3A_1, %scan3A_2 : i32
    %scan3A_4 = arith.constant 1 : i32
    scf.for %scan3A_264 = %scan3A_1 to %scan3A_3 step %scan3A_4  : i32 {
      %scan3A_265 = arith.constant 0 : i32
      %scan3A_266 = arith.constant 8 : i32
      %scan3A_267 = arith.addi %scan3A_265, %scan3A_266 : i32
      %scan3A_268 = arith.constant 1 : i32
      scf.for %scan3A_270 = %scan3A_265 to %scan3A_267 step %scan3A_268  : i32 {
        %broadcast_in_dim3A = arith.constant 0.000000e+00 : f32
        %broadcast_in_dim3A_271 = vector.broadcast %broadcast_in_dim3A : f32 to vector<16xf32>
        %mul3A_272 = arith.constant 16 : i32
        %mul3A_273 = arith.muli %scan3A_270, %mul3A_272 : i32
        %swap3A = arith.index_cast %scan3A_264 : i32 to index
        %swap3A_274 = arith.index_cast %mul3A_273 : i32 to index
        %swap3A_275 = tpu.vector_load %arg8[%swap3A, %swap3A_274] {strides = array<i32>} : memref<80x128xf32, #tpu.memory_space<vmem>>, vector<1x16xf32>,
        %swap3A_276 = vector.shape_cast %swap3A_275 : vector<1x16xf32> to vector<16xf32>
        %swap3A_277 = vector.shape_cast %broadcast_in_dim3A_271 : vector<16xf32> to vector<1x16xf32>
        tpu.vector_store %arg8[%swap3A, %swap3A_274], %swap3A_277 {strides = array<i32>} : memref<80x128xf32, #tpu.memory_space<vmem>>, vector<1x16xf32>,
      }
      %scan3A_269 = arith.constant 8 : i32
    }
    %scan3A_5 = arith.constant 80 : i32
    %mul3A_6 = arith.constant 640 : i32
    %mul3A_7 = arith.muli %arg1, %mul3A_6 : i32
    %eq3A = arith.constant 15 : i32
    %eq3A_8 = arith.cmpi eq, %arg1, %eq3A : i32
    %jit3A = arith.constant 5 : i32
    %jit3A_9 = arith.constant 8 : i32
    %select_n3A = arith.select %eq3A_8, %jit3A, %jit3A_9 : i32
    %while3A = arith.constant 0 : i32
    %while3A_10 = arith.constant 0 : i32
    %while3A_11 = arith.subi %select_n3A, %while3A_10 : i32
    %while3A_12 = arith.addi %while3A_10, %while3A_11 : i32
    %while3A_13 = arith.constant 1 : i32
    %while3A_14 = arith.divsi %while3A_11, %while3A_13 : i32
    %while3A_15 = arith.muli %while3A_14, %while3A_13 : i32
    %while3A_16 = arith.addi %while3A_10, %while3A_15 : i32
    %while3A_17 = arith.constant 1 : i32
    scf.for %while3A_264 = %while3A_10 to %while3A_16 step %while3A_17  : i32 {
      %mul3A_265 = arith.constant 80 : i32
      %mul3A_266 = arith.muli %while3A_264, %mul3A_265 : i32
      %add3A_267 = arith.addi %mul3A_7, %mul3A_266 : i32
      "tpu.region"() ({
        %run_scoped3A = tpu.sem_alloc : memref<!tpu.dma_semaphore, #tpu.memory_space<semaphore_mem>>
        %dma_start3A_268 = arith.constant 0 : i32
        %dma_start3A_269 = tpu.memref_slice %arg11[%add3A_267, %dma_start3A_268] : memref<10000x128xf32, #tpu.memory_space<vmem_shared>> -> memref<80x128xf32, #tpu.memory_space<vmem_shared>>
        %dma_start3A_270 = arith.constant 0 : i32
        %dma_start3A_271 = tpu.memref_slice %arg11[%add3A_267, %dma_start3A_270] : memref<10000x128xf32, #tpu.memory_space<vmem_shared>> -> memref<80x128xf32, #tpu.memory_space<vmem_shared>>
        tpu.enqueue_dma source(%arg8 : memref<80x128xf32, #tpu.memory_space<vmem>>) target(%dma_start3A_271 : memref<80x128xf32, #tpu.memory_space<vmem_shared>>) target_semaphore(%run_scoped3A : memref<!tpu.dma_semaphore, #tpu.memory_space<semaphore_mem>>)
        %dma_wait3A_272 = arith.constant 0 : i32
        %dma_wait3A_273 = tpu.memref_slice %arg11[%add3A_267, %dma_wait3A_272] : memref<10000x128xf32, #tpu.memory_space<vmem_shared>> -> memref<80x128xf32, #tpu.memory_space<vmem_shared>>
        %dma_wait3A_274 = arith.constant 0 : i32
        %dma_wait3A_275 = tpu.memref_slice %arg11[%add3A_267, %dma_wait3A_274] : memref<10000x128xf32, #tpu.memory_space<vmem_shared>> -> memref<80x128xf32, #tpu.memory_space<vmem_shared>>
        tpu.wait_dma2 semaphore(%run_scoped3A : memref<!tpu.dma_semaphore, #tpu.memory_space<semaphore_mem>>) src(%arg8 : memref<80x128xf32, #tpu.memory_space<vmem>>) dst(%dma_wait3A_275 : memref<80x128xf32, #tpu.memory_space<vmem_shared>>)
        tpu.yield
      }) : () -> ()
    }
    %while3A_18 = arith.constant 1 : i32
    scf.for %while3A_264 = %while3A_16 to %while3A_12 step %while3A_18  : i32 {
      %mul3A_265 = arith.constant 80 : i32
      %mul3A_266 = arith.muli %while3A_264, %mul3A_265 : i32
      %add3A_267 = arith.addi %mul3A_7, %mul3A_266 : i32
      "tpu.region"() ({
        %run_scoped3A = tpu.sem_alloc : memref<!tpu.dma_semaphore, #tpu.memory_space<semaphore_mem>>
        %dma_start3A_268 = arith.constant 0 : i32
        %dma_start3A_269 = tpu.memref_slice %arg11[%add3A_267, %dma_start3A_268] : memref<10000x128xf32, #tpu.memory_space<vmem_shared>> -> memref<80x128xf32, #tpu.memory_space<vmem_shared>>
        %dma_start3A_270 = arith.constant 0 : i32
        %dma_start3A_271 = tpu.memref_slice %arg11[%add3A_267, %dma_start3A_270] : memref<10000x128xf32, #tpu.memory_space<vmem_shared>> -> memref<80x128xf32, #tpu.memory_space<vmem_shared>>
        tpu.enqueue_dma source(%arg8 : memref<80x128xf32, #tpu.memory_space<vmem>>) target(%dma_start3A_271 : memref<80x128xf32, #tpu.memory_space<vmem_shared>>) target_semaphore(%run_scoped3A : memref<!tpu.dma_semaphore, #tpu.memory_space<semaphore_mem>>)
        %dma_wait3A_272 = arith.constant 0 : i32
        %dma_wait3A_273 = tpu.memref_slice %arg11[%add3A_267, %dma_wait3A_272] : memref<10000x128xf32, #tpu.memory_space<vmem_shared>> -> memref<80x128xf32, #tpu.memory_space<vmem_shared>>
        %dma_wait3A_274 = arith.constant 0 : i32
        %dma_wait3A_275 = tpu.memref_slice %arg11[%add3A_267, %dma_wait3A_274] : memref<10000x128xf32, #tpu.memory_space<vmem_shared>> -> memref<80x128xf32, #tpu.memory_space<vmem_shared>>
        tpu.wait_dma2 semaphore(%run_scoped3A : memref<!tpu.dma_semaphore, #tpu.memory_space<semaphore_mem>>) src(%arg8 : memref<80x128xf32, #tpu.memory_space<vmem>>) dst(%dma_wait3A_275 : memref<80x128xf32, #tpu.memory_space<vmem_shared>>)
        tpu.yield
      }) : () -> ()
    }
    "tpu.region"() ({
      %run_scoped3A = tpu.sem_alloc : memref<!tpu.dma_semaphore, #tpu.memory_space<semaphore_mem>>
      %dma_start3A_264 = arith.constant 0 : i32
      %dma_start3A_265 = arith.constant 0 : i32
      %dma_start3A_266 = tpu.memref_slice %arg6[%dma_start3A_264, %dma_start3A_265] : memref<64x80xi32, #tpu.memory_space<vmem>> -> memref<64x80xi32, #tpu.memory_space<vmem>>
      %dma_start3A_267 = arith.constant 0 : i32
      %dma_start3A_268 = arith.constant 0 : i32
      %dma_start3A_269 = tpu.memref_slice %arg3[%add3A, %dma_start3A_267, %dma_start3A_268] : memref<32x125x80xi32, #tpu.memory_space<hbm>> -> memref<1x64x80xi32, #tpu.memory_space<hbm>>
      %dma_start3A_270 = tpu.memref_squeeze %dma_start3A_269 : memref<1x64x80xi32, #tpu.memory_space<hbm>> -> memref<64x80xi32, #tpu.memory_space<hbm>>
      %dma_start3A_271 = arith.constant 0 : i32
      %dma_start3A_272 = arith.constant 0 : i32
      %dma_start3A_273 = tpu.memref_slice %arg6[%dma_start3A_271, %dma_start3A_272] : memref<64x80xi32, #tpu.memory_space<vmem>> -> memref<64x80xi32, #tpu.memory_space<vmem>>
      %dma_start3A_274 = arith.constant 0 : i32
      %dma_start3A_275 = arith.constant 0 : i32
      %dma_start3A_276 = tpu.memref_slice %arg3[%add3A, %dma_start3A_274, %dma_start3A_275] : memref<32x125x80xi32, #tpu.memory_space<hbm>> -> memref<1x64x80xi32, #tpu.memory_space<hbm>>
      %dma_start3A_277 = tpu.memref_squeeze %dma_start3A_276 : memref<1x64x80xi32, #tpu.memory_space<hbm>> -> memref<64x80xi32, #tpu.memory_space<hbm>>
      tpu.enqueue_dma source(%dma_start3A_277 : memref<64x80xi32, #tpu.memory_space<hbm>>) target(%dma_start3A_273 : memref<64x80xi32, #tpu.memory_space<vmem>>) target_semaphore(%run_scoped3A : memref<!tpu.dma_semaphore, #tpu.memory_space<semaphore_mem>>)
      %dma_wait3A_278 = arith.constant 0 : i32
      %dma_wait3A_279 = arith.constant 0 : i32
      %dma_wait3A_280 = tpu.memref_slice %arg6[%dma_wait3A_278, %dma_wait3A_279] : memref<64x80xi32, #tpu.memory_space<vmem>> -> memref<64x80xi32, #tpu.memory_space<vmem>>
      %dma_wait3A_281 = arith.constant 0 : i32
      %dma_wait3A_282 = arith.constant 0 : i32
      %dma_wait3A_283 = tpu.memref_slice %arg3[%add3A, %dma_wait3A_281, %dma_wait3A_282] : memref<32x125x80xi32, #tpu.memory_space<hbm>> -> memref<1x64x80xi32, #tpu.memory_space<hbm>>
      %dma_wait3A_284 = tpu.memref_squeeze %dma_wait3A_283 : memref<1x64x80xi32, #tpu.memory_space<hbm>> -> memref<64x80xi32, #tpu.memory_space<hbm>>
      %dma_wait3A_285 = arith.constant 0 : i32
      %dma_wait3A_286 = arith.constant 0 : i32
      %dma_wait3A_287 = tpu.memref_slice %arg6[%dma_wait3A_285, %dma_wait3A_286] : memref<64x80xi32, #tpu.memory_space<vmem>> -> memref<64x80xi32, #tpu.memory_space<vmem>>
      %dma_wait3A_288 = arith.constant 0 : i32
      %dma_wait3A_289 = arith.constant 0 : i32
      %dma_wait3A_290 = tpu.memref_slice %arg3[%add3A, %dma_wait3A_288, %dma_wait3A_289] : memref<32x125x80xi32, #tpu.memory_space<hbm>> -> memref<1x64x80xi32, #tpu.memory_space<hbm>>
      %dma_wait3A_291 = tpu.memref_squeeze %dma_wait3A_290 : memref<1x64x80xi32, #tpu.memory_space<hbm>> -> memref<64x80xi32, #tpu.memory_space<hbm>>
      tpu.wait_dma2 semaphore(%run_scoped3A : memref<!tpu.dma_semaphore, #tpu.memory_space<semaphore_mem>>) src(%dma_wait3A_291 : memref<64x80xi32, #tpu.memory_space<hbm>>) dst(%dma_wait3A_287 : memref<64x80xi32, #tpu.memory_space<vmem>>)
      tpu.yield
    }) : () -> ()
    "tpu.region"() ({
      %run_scoped3A = tpu.sem_alloc : memref<!tpu.dma_semaphore, #tpu.memory_space<semaphore_mem>>
      %dma_start3A_264 = arith.constant 0 : i32
      %dma_start3A_265 = arith.constant 0 : i32
      %dma_start3A_266 = tpu.memref_slice %arg7[%dma_start3A_264, %dma_start3A_265] : memref<64x80xi32, #tpu.memory_space<vmem>> -> memref<64x80xi32, #tpu.memory_space<vmem>>
      %dma_start3A_267 = arith.constant 0 : i32
      %dma_start3A_268 = arith.constant 0 : i32
      %dma_start3A_269 = tpu.memref_slice %arg4[%add3A, %dma_start3A_267, %dma_start3A_268] : memref<32x125x80xi32, #tpu.memory_space<hbm>> -> memref<1x64x80xi32, #tpu.memory_space<hbm>>
      %dma_start3A_270 = tpu.memref_squeeze %dma_start3A_269 : memref<1x64x80xi32, #tpu.memory_space<hbm>> -> memref<64x80xi32, #tpu.memory_space<hbm>>
      %dma_start3A_271 = arith.constant 0 : i32
      %dma_start3A_272 = arith.constant 0 : i32
      %dma_start3A_273 = tpu.memref_slice %arg7[%dma_start3A_271, %dma_start3A_272] : memref<64x80xi32, #tpu.memory_space<vmem>> -> memref<64x80xi32, #tpu.memory_space<vmem>>
      %dma_start3A_274 = arith.constant 0 : i32
      %dma_start3A_275 = arith.constant 0 : i32
      %dma_start3A_276 = tpu.memref_slice %arg4[%add3A, %dma_start3A_274, %dma_start3A_275] : memref<32x125x80xi32, #tpu.memory_space<hbm>> -> memref<1x64x80xi32, #tpu.memory_space<hbm>>
      %dma_start3A_277 = tpu.memref_squeeze %dma_start3A_276 : memref<1x64x80xi32, #tpu.memory_space<hbm>> -> memref<64x80xi32, #tpu.memory_space<hbm>>
      tpu.enqueue_dma source(%dma_start3A_277 : memref<64x80xi32, #tpu.memory_space<hbm>>) target(%dma_start3A_273 : memref<64x80xi32, #tpu.memory_space<vmem>>) target_semaphore(%run_scoped3A : memref<!tpu.dma_semaphore, #tpu.memory_space<semaphore_mem>>)
      %dma_wait3A_278 = arith.constant 0 : i32
      %dma_wait3A_279 = arith.constant 0 : i32
      %dma_wait3A_280 = tpu.memref_slice %arg7[%dma_wait3A_278, %dma_wait3A_279] : memref<64x80xi32, #tpu.memory_space<vmem>> -> memref<64x80xi32, #tpu.memory_space<vmem>>
      %dma_wait3A_281 = arith.constant 0 : i32
      %dma_wait3A_282 = arith.constant 0 : i32
      %dma_wait3A_283 = tpu.memref_slice %arg4[%add3A, %dma_wait3A_281, %dma_wait3A_282] : memref<32x125x80xi32, #tpu.memory_space<hbm>> -> memref<1x64x80xi32, #tpu.memory_space<hbm>>
      %dma_wait3A_284 = tpu.memref_squeeze %dma_wait3A_283 : memref<1x64x80xi32, #tpu.memory_space<hbm>> -> memref<64x80xi32, #tpu.memory_space<hbm>>
      %dma_wait3A_285 = arith.constant 0 : i32
      %dma_wait3A_286 = arith.constant 0 : i32
      %dma_wait3A_287 = tpu.memref_slice %arg7[%dma_wait3A_285, %dma_wait3A_286] : memref<64x80xi32, #tpu.memory_space<vmem>> -> memref<64x80xi32, #tpu.memory_space<vmem>>
      %dma_wait3A_288 = arith.constant 0 : i32
      %dma_wait3A_289 = arith.constant 0 : i32
      %dma_wait3A_290 = tpu.memref_slice %arg4[%add3A, %dma_wait3A_288, %dma_wait3A_289] : memref<32x125x80xi32, #tpu.memory_space<hbm>> -> memref<1x64x80xi32, #tpu.memory_space<hbm>>
      %dma_wait3A_291 = tpu.memref_squeeze %dma_wait3A_290 : memref<1x64x80xi32, #tpu.memory_space<hbm>> -> memref<64x80xi32, #tpu.memory_space<hbm>>
      tpu.wait_dma2 semaphore(%run_scoped3A : memref<!tpu.dma_semaphore, #tpu.memory_space<semaphore_mem>>) src(%dma_wait3A_291 : memref<64x80xi32, #tpu.memory_space<hbm>>) dst(%dma_wait3A_287 : memref<64x80xi32, #tpu.memory_space<vmem>>)
      tpu.yield
    }) : () -> ()
    %barrier3A = arith.constant 0 : index
    tpu.barrier barrier_id(%barrier3A)
    %dma_start3A = arith.constant 0 : i32
    %dma_start3A_19 = arith.constant 0 : i32
    %dma_start3A_20 = tpu.memref_slice %arg6[%dma_start3A, %dma_start3A_19] : memref<64x80xi32, #tpu.memory_space<vmem>> -> memref<1x80xi32, #tpu.memory_space<vmem>>
    %dma_start3A_21 = tpu.memref_squeeze %dma_start3A_20 : memref<1x80xi32, #tpu.memory_space<vmem>> -> memref<80xi32, #tpu.memory_space<vmem>>
    %dma_start3A_22 = arith.constant 0 : i32
    %dma_start3A_23 = arith.constant 0 : i32
    %dma_start3A_24 = tpu.memref_slice %arg2[%dma_start3A_22, %dma_start3A_23] : memref<10000x128xf32, #tpu.memory_space<hbm>> -> memref<10000x128xf32, #tpu.memory_space<hbm>>
    tpu.enqueue_indirect_dma source(%dma_start3A_24 : memref<10000x128xf32, #tpu.memory_space<hbm>>) target(%arg8 : memref<80x128xf32, #tpu.memory_space<vmem>>) offsets(%dma_start3A_21 : memref<80xi32, #tpu.memory_space<vmem>>) semaphore(%arg12 : memref<!tpu.dma_semaphore, #tpu.memory_space<semaphore_mem>>)
    %dma_start3A_25 = arith.constant 1 : i32
    %dma_start3A_26 = arith.constant 0 : i32
    %dma_start3A_27 = tpu.memref_slice %arg6[%dma_start3A_25, %dma_start3A_26] : memref<64x80xi32, #tpu.memory_space<vmem>> -> memref<1x80xi32, #tpu.memory_space<vmem>>
    %dma_start3A_28 = tpu.memref_squeeze %dma_start3A_27 : memref<1x80xi32, #tpu.memory_space<vmem>> -> memref<80xi32, #tpu.memory_space<vmem>>
    %dma_start3A_29 = arith.constant 0 : i32
    %dma_start3A_30 = arith.constant 0 : i32
    %dma_start3A_31 = tpu.memref_slice %arg2[%dma_start3A_29, %dma_start3A_30] : memref<10000x128xf32, #tpu.memory_space<hbm>> -> memref<10000x128xf32, #tpu.memory_space<hbm>>
    tpu.enqueue_indirect_dma source(%dma_start3A_31 : memref<10000x128xf32, #tpu.memory_space<hbm>>) target(%arg9 : memref<80x128xf32, #tpu.memory_space<vmem>>) offsets(%dma_start3A_28 : memref<80xi32, #tpu.memory_space<vmem>>) semaphore(%arg13 : memref<!tpu.dma_semaphore, #tpu.memory_space<semaphore_mem>>)
    %dma_wait3A = arith.constant 0 : i32
    %dma_wait3A_32 = arith.constant 0 : i32
    %dma_wait3A_33 = tpu.memref_slice %arg6[%dma_wait3A, %dma_wait3A_32] : memref<64x80xi32, #tpu.memory_space<vmem>> -> memref<1x80xi32, #tpu.memory_space<vmem>>
    %dma_wait3A_34 = tpu.memref_squeeze %dma_wait3A_33 : memref<1x80xi32, #tpu.memory_space<vmem>> -> memref<80xi32, #tpu.memory_space<vmem>>
    %dma_wait3A_35 = arith.constant 0 : i32
    %dma_wait3A_36 = arith.constant 0 : i32
    %dma_wait3A_37 = tpu.memref_slice %arg2[%dma_wait3A_35, %dma_wait3A_36] : memref<10000x128xf32, #tpu.memory_space<hbm>> -> memref<10000x128xf32, #tpu.memory_space<hbm>>
    tpu.wait_indirect_dma semaphore(%arg12 : memref<!tpu.dma_semaphore, #tpu.memory_space<semaphore_mem>>) src(%dma_wait3A_37 : memref<10000x128xf32, #tpu.memory_space<hbm>>) dst(%arg8 : memref<80x128xf32, #tpu.memory_space<vmem>>)
    %dma_start3A_38 = arith.constant 0 : i32
    %dma_start3A_39 = arith.constant 0 : i32
    %dma_start3A_40 = tpu.memref_slice %arg7[%dma_start3A_38, %dma_start3A_39] : memref<64x80xi32, #tpu.memory_space<vmem>> -> memref<1x80xi32, #tpu.memory_space<vmem>>
    %dma_start3A_41 = tpu.memref_squeeze %dma_start3A_40 : memref<1x80xi32, #tpu.memory_space<vmem>> -> memref<80xi32, #tpu.memory_space<vmem>>
    %dma_start3A_42 = arith.constant 0 : i32
    %dma_start3A_43 = arith.constant 0 : i32
    %dma_start3A_44 = tpu.memref_slice %arg11[%dma_start3A_42, %dma_start3A_43] : memref<10000x128xf32, #tpu.memory_space<vmem_shared>> -> memref<10000x128xf32, #tpu.memory_space<vmem_shared>>
    tpu.enqueue_indirect_dma source(%arg8 : memref<80x128xf32, #tpu.memory_space<vmem>>) target(%dma_start3A_44 : memref<10000x128xf32, #tpu.memory_space<vmem_shared>>) offsets(%dma_start3A_41 : memref<80xi32, #tpu.memory_space<vmem>>) semaphore(%arg15 : memref<!tpu.dma_semaphore, #tpu.memory_space<semaphore_mem>>) {add = true}
    %dma_start3A_45 = arith.constant 2 : i32
    %dma_start3A_46 = arith.constant 0 : i32
    %dma_start3A_47 = tpu.memref_slice %arg6[%dma_start3A_45, %dma_start3A_46] : memref<64x80xi32, #tpu.memory_space<vmem>> -> memref<1x80xi32, #tpu.memory_space<vmem>>
    %dma_start3A_48 = tpu.memref_squeeze %dma_start3A_47 : memref<1x80xi32, #tpu.memory_space<vmem>> -> memref<80xi32, #tpu.memory_space<vmem>>
    %dma_start3A_49 = arith.constant 0 : i32
    %dma_start3A_50 = arith.constant 0 : i32
    %dma_start3A_51 = tpu.memref_slice %arg2[%dma_start3A_49, %dma_start3A_50] : memref<10000x128xf32, #tpu.memory_space<hbm>> -> memref<10000x128xf32, #tpu.memory_space<hbm>>
    tpu.enqueue_indirect_dma source(%dma_start3A_51 : memref<10000x128xf32, #tpu.memory_space<hbm>>) target(%arg10 : memref<80x128xf32, #tpu.memory_space<vmem>>) offsets(%dma_start3A_48 : memref<80xi32, #tpu.memory_space<vmem>>) semaphore(%arg14 : memref<!tpu.dma_semaphore, #tpu.memory_space<semaphore_mem>>)
    %scan3A_52 = arith.constant 0 : i32
    %scan3A_53 = arith.constant 0 : i32
    %scan3A_54 = arith.constant 20 : i32
    %scan3A_55 = arith.addi %scan3A_53, %scan3A_54 : i32
    %scan3A_56 = arith.constant 1 : i32
    scf.for %scan3A_264 = %scan3A_53 to %scan3A_55 step %scan3A_56  : i32 {
      %mul3A_265 = arith.constant 3 : i32
      %mul3A_266 = arith.muli %mul3A_265, %scan3A_264 : i32
      %add3A_267 = arith.constant 1 : i32
      %add3A_268 = arith.addi %add3A_267, %mul3A_266 : i32
      %add3A_269 = arith.constant 0 : i32
      %add3A_270 = arith.addi %add3A_268, %add3A_269 : i32
      %dma_wait3A_271 = arith.constant 0 : i32
      %dma_wait3A_272 = tpu.memref_slice %arg6[%add3A_270, %dma_wait3A_271] : memref<64x80xi32, #tpu.memory_space<vmem>> -> memref<1x80xi32, #tpu.memory_space<vmem>>
      %dma_wait3A_273 = tpu.memref_squeeze %dma_wait3A_272 : memref<1x80xi32, #tpu.memory_space<vmem>> -> memref<80xi32, #tpu.memory_space<vmem>>
      %dma_wait3A_274 = arith.constant 0 : i32
      %dma_wait3A_275 = arith.constant 0 : i32
      %dma_wait3A_276 = tpu.memref_slice %arg2[%dma_wait3A_274, %dma_wait3A_275] : memref<10000x128xf32, #tpu.memory_space<hbm>> -> memref<10000x128xf32, #tpu.memory_space<hbm>>
      tpu.wait_indirect_dma semaphore(%arg13 : memref<!tpu.dma_semaphore, #tpu.memory_space<semaphore_mem>>) src(%dma_wait3A_276 : memref<10000x128xf32, #tpu.memory_space<hbm>>) dst(%arg9 : memref<80x128xf32, #tpu.memory_space<vmem>>)
      %dma_start3A_277 = arith.constant 0 : i32
      %dma_start3A_278 = tpu.memref_slice %arg7[%add3A_270, %dma_start3A_277] : memref<64x80xi32, #tpu.memory_space<vmem>> -> memref<1x80xi32, #tpu.memory_space<vmem>>
      %dma_start3A_279 = tpu.memref_squeeze %dma_start3A_278 : memref<1x80xi32, #tpu.memory_space<vmem>> -> memref<80xi32, #tpu.memory_space<vmem>>
      %dma_start3A_280 = arith.constant 0 : i32
      %dma_start3A_281 = arith.constant 0 : i32
      %dma_start3A_282 = tpu.memref_slice %arg11[%dma_start3A_280, %dma_start3A_281] : memref<10000x128xf32, #tpu.memory_space<vmem_shared>> -> memref<10000x128xf32, #tpu.memory_space<vmem_shared>>
      tpu.enqueue_indirect_dma source(%arg9 : memref<80x128xf32, #tpu.memory_space<vmem>>) target(%dma_start3A_282 : memref<10000x128xf32, #tpu.memory_space<vmem_shared>>) offsets(%dma_start3A_279 : memref<80xi32, #tpu.memory_space<vmem>>) semaphore(%arg16 : memref<!tpu.dma_semaphore, #tpu.memory_space<semaphore_mem>>) {add = true}
      %sub3A = arith.constant 1 : i32
      %sub3A_283 = arith.subi %add3A_270, %sub3A : i32
      %dma_wait3A_284 = arith.constant 0 : i32
      %dma_wait3A_285 = tpu.memref_slice %arg7[%sub3A_283, %dma_wait3A_284] : memref<64x80xi32, #tpu.memory_space<vmem>> -> memref<1x80xi32, #tpu.memory_space<vmem>>
      %dma_wait3A_286 = tpu.memref_squeeze %dma_wait3A_285 : memref<1x80xi32, #tpu.memory_space<vmem>> -> memref<80xi32, #tpu.memory_space<vmem>>
      %dma_wait3A_287 = arith.constant 0 : i32
      %dma_wait3A_288 = arith.constant 0 : i32
      %dma_wait3A_289 = tpu.memref_slice %arg11[%dma_wait3A_287, %dma_wait3A_288] : memref<10000x128xf32, #tpu.memory_space<vmem_shared>> -> memref<10000x128xf32, #tpu.memory_space<vmem_shared>>
      tpu.wait_indirect_dma semaphore(%arg15 : memref<!tpu.dma_semaphore, #tpu.memory_space<semaphore_mem>>) src(%arg8 : memref<80x128xf32, #tpu.memory_space<vmem>>) dst(%dma_wait3A_289 : memref<10000x128xf32, #tpu.memory_space<vmem_shared>>)
      %add3A_290 = arith.constant 2 : i32
      %add3A_291 = arith.addi %add3A_270, %add3A_290 : i32
      %dma_start3A_292 = arith.constant 0 : i32
      %dma_start3A_293 = tpu.memref_slice %arg6[%add3A_291, %dma_start3A_292] : memref<64x80xi32, #tpu.memory_space<vmem>> -> memref<1x80xi32, #tpu.memory_space<vmem>>
      %dma_start3A_294 = tpu.memref_squeeze %dma_start3A_293 : memref<1x80xi32, #tpu.memory_space<vmem>> -> memref<80xi32, #tpu.memory_space<vmem>>
      %dma_start3A_295 = arith.constant 0 : i32
      %dma_start3A_296 = arith.constant 0 : i32
      %dma_start3A_297 = tpu.memref_slice %arg2[%dma_start3A_295, %dma_start3A_296] : memref<10000x128xf32, #tpu.memory_space<hbm>> -> memref<10000x128xf32, #tpu.memory_space<hbm>>
      tpu.enqueue_indirect_dma source(%dma_start3A_297 : memref<10000x128xf32, #tpu.memory_space<hbm>>) target(%arg8 : memref<80x128xf32, #tpu.memory_space<vmem>>) offsets(%dma_start3A_294 : memref<80xi32, #tpu.memory_space<vmem>>) semaphore(%arg12 : memref<!tpu.dma_semaphore, #tpu.memory_space<semaphore_mem>>)
      %mul3A_298 = arith.constant 3 : i32
      %mul3A_299 = arith.muli %mul3A_298, %scan3A_264 : i32
      %add3A_300 = arith.constant 1 : i32
      %add3A_301 = arith.addi %add3A_300, %mul3A_299 : i32
      %add3A_302 = arith.constant 1 : i32
      %add3A_303 = arith.addi %add3A_301, %add3A_302 : i32
      %dma_wait3A_304 = arith.constant 0 : i32
      %dma_wait3A_305 = tpu.memref_slice %arg6[%add3A_303, %dma_wait3A_304] : memref<64x80xi32, #tpu.memory_space<vmem>> -> memref<1x80xi32, #tpu.memory_space<vmem>>
      %dma_wait3A_306 = tpu.memref_squeeze %dma_wait3A_305 : memref<1x80xi32, #tpu.memory_space<vmem>> -> memref<80xi32, #tpu.memory_space<vmem>>
      %dma_wait3A_307 = arith.constant 0 : i32
      %dma_wait3A_308 = arith.constant 0 : i32
      %dma_wait3A_309 = tpu.memref_slice %arg2[%dma_wait3A_307, %dma_wait3A_308] : memref<10000x128xf32, #tpu.memory_space<hbm>> -> memref<10000x128xf32, #tpu.memory_space<hbm>>
      tpu.wait_indirect_dma semaphore(%arg14 : memref<!tpu.dma_semaphore, #tpu.memory_space<semaphore_mem>>) src(%dma_wait3A_309 : memref<10000x128xf32, #tpu.memory_space<hbm>>) dst(%arg10 : memref<80x128xf32, #tpu.memory_space<vmem>>)
      %dma_start3A_310 = arith.constant 0 : i32
      %dma_start3A_311 = tpu.memref_slice %arg7[%add3A_303, %dma_start3A_310] : memref<64x80xi32, #tpu.memory_space<vmem>> -> memref<1x80xi32, #tpu.memory_space<vmem>>
      %dma_start3A_312 = tpu.memref_squeeze %dma_start3A_311 : memref<1x80xi32, #tpu.memory_space<vmem>> -> memref<80xi32, #tpu.memory_space<vmem>>
      %dma_start3A_313 = arith.constant 0 : i32
      %dma_start3A_314 = arith.constant 0 : i32
      %dma_start3A_315 = tpu.memref_slice %arg11[%dma_start3A_313, %dma_start3A_314] : memref<10000x128xf32, #tpu.memory_space<vmem_shared>> -> memref<10000x128xf32, #tpu.memory_space<vmem_shared>>
      tpu.enqueue_indirect_dma source(%arg10 : memref<80x128xf32, #tpu.memory_space<vmem>>) target(%dma_start3A_315 : memref<10000x128xf32, #tpu.memory_space<vmem_shared>>) offsets(%dma_start3A_312 : memref<80xi32, #tpu.memory_space<vmem>>) semaphore(%arg17 : memref<!tpu.dma_semaphore, #tpu.memory_space<semaphore_mem>>) {add = true}
      %sub3A_316 = arith.constant 1 : i32
      %sub3A_317 = arith.subi %add3A_303, %sub3A_316 : i32
      %dma_wait3A_318 = arith.constant 0 : i32
      %dma_wait3A_319 = tpu.memref_slice %arg7[%sub3A_317, %dma_wait3A_318] : memref<64x80xi32, #tpu.memory_space<vmem>> -> memref<1x80xi32, #tpu.memory_space<vmem>>
      %dma_wait3A_320 = tpu.memref_squeeze %dma_wait3A_319 : memref<1x80xi32, #tpu.memory_space<vmem>> -> memref<80xi32, #tpu.memory_space<vmem>>
      %dma_wait3A_321 = arith.constant 0 : i32
      %dma_wait3A_322 = arith.constant 0 : i32
      %dma_wait3A_323 = tpu.memref_slice %arg11[%dma_wait3A_321, %dma_wait3A_322] : memref<10000x128xf32, #tpu.memory_space<vmem_shared>> -> memref<10000x128xf32, #tpu.memory_space<vmem_shared>>
      tpu.wait_indirect_dma semaphore(%arg16 : memref<!tpu.dma_semaphore, #tpu.memory_space<semaphore_mem>>) src(%arg9 : memref<80x128xf32, #tpu.memory_space<vmem>>) dst(%dma_wait3A_323 : memref<10000x128xf32, #tpu.memory_space<vmem_shared>>)
      %add3A_324 = arith.constant 2 : i32
      %add3A_325 = arith.addi %add3A_303, %add3A_324 : i32
      %dma_start3A_326 = arith.constant 0 : i32
      %dma_start3A_327 = tpu.memref_slice %arg6[%add3A_325, %dma_start3A_326] : memref<64x80xi32, #tpu.memory_space<vmem>> -> memref<1x80xi32, #tpu.memory_space<vmem>>
      %dma_start3A_328 = tpu.memref_squeeze %dma_start3A_327 : memref<1x80xi32, #tpu.memory_space<vmem>> -> memref<80xi32, #tpu.memory_space<vmem>>
      %dma_start3A_329 = arith.constant 0 : i32
      %dma_start3A_330 = arith.constant 0 : i32
      %dma_start3A_331 = tpu.memref_slice %arg2[%dma_start3A_329, %dma_start3A_330] : memref<10000x128xf32, #tpu.memory_space<hbm>> -> memref<10000x128xf32, #tpu.memory_space<hbm>>
      tpu.enqueue_indirect_dma source(%dma_start3A_331 : memref<10000x128xf32, #tpu.memory_space<hbm>>) target(%arg9 : memref<80x128xf32, #tpu.memory_space<vmem>>) offsets(%dma_start3A_328 : memref<80xi32, #tpu.memory_space<vmem>>) semaphore(%arg13 : memref<!tpu.dma_semaphore, #tpu.memory_space<semaphore_mem>>)
      %mul3A_332 = arith.constant 3 : i32
      %mul3A_333 = arith.muli %mul3A_332, %scan3A_264 : i32
      %add3A_334 = arith.constant 1 : i32
      %add3A_335 = arith.addi %add3A_334, %mul3A_333 : i32
      %add3A_336 = arith.constant 2 : i32
      %add3A_337 = arith.addi %add3A_335, %add3A_336 : i32
      %dma_wait3A_338 = arith.constant 0 : i32
      %dma_wait3A_339 = tpu.memref_slice %arg6[%add3A_337, %dma_wait3A_338] : memref<64x80xi32, #tpu.memory_space<vmem>> -> memref<1x80xi32, #tpu.memory_space<vmem>>
      %dma_wait3A_340 = tpu.memref_squeeze %dma_wait3A_339 : memref<1x80xi32, #tpu.memory_space<vmem>> -> memref<80xi32, #tpu.memory_space<vmem>>
      %dma_wait3A_341 = arith.constant 0 : i32
      %dma_wait3A_342 = arith.constant 0 : i32
      %dma_wait3A_343 = tpu.memref_slice %arg2[%dma_wait3A_341, %dma_wait3A_342] : memref<10000x128xf32, #tpu.memory_space<hbm>> -> memref<10000x128xf32, #tpu.memory_space<hbm>>
      tpu.wait_indirect_dma semaphore(%arg12 : memref<!tpu.dma_semaphore, #tpu.memory_space<semaphore_mem>>) src(%dma_wait3A_343 : memref<10000x128xf32, #tpu.memory_space<hbm>>) dst(%arg8 : memref<80x128xf32, #tpu.memory_space<vmem>>)
      %dma_start3A_344 = arith.constant 0 : i32
      %dma_start3A_345 = tpu.memref_slice %arg7[%add3A_337, %dma_start3A_344] : memref<64x80xi32, #tpu.memory_space<vmem>> -> memref<1x80xi32, #tpu.memory_space<vmem>>
      %dma_start3A_346 = tpu.memref_squeeze %dma_start3A_345 : memref<1x80xi32, #tpu.memory_space<vmem>> -> memref<80xi32, #tpu.memory_space<vmem>>
      %dma_start3A_347 = arith.constant 0 : i32
      %dma_start3A_348 = arith.constant 0 : i32
      %dma_start3A_349 = tpu.memref_slice %arg11[%dma_start3A_347, %dma_start3A_348] : memref<10000x128xf32, #tpu.memory_space<vmem_shared>> -> memref<10000x128xf32, #tpu.memory_space<vmem_shared>>
      tpu.enqueue_indirect_dma source(%arg8 : memref<80x128xf32, #tpu.memory_space<vmem>>) target(%dma_start3A_349 : memref<10000x128xf32, #tpu.memory_space<vmem_shared>>) offsets(%dma_start3A_346 : memref<80xi32, #tpu.memory_space<vmem>>) semaphore(%arg15 : memref<!tpu.dma_semaphore, #tpu.memory_space<semaphore_mem>>) {add = true}
      %sub3A_350 = arith.constant 1 : i32
      %sub3A_351 = arith.subi %add3A_337, %sub3A_350 : i32
      %dma_wait3A_352 = arith.constant 0 : i32
      %dma_wait3A_353 = tpu.memref_slice %arg7[%sub3A_351, %dma_wait3A_352] : memref<64x80xi32, #tpu.memory_space<vmem>> -> memref<1x80xi32, #tpu.memory_space<vmem>>
      %dma_wait3A_354 = tpu.memref_squeeze %dma_wait3A_353 : memref<1x80xi32, #tpu.memory_space<vmem>> -> memref<80xi32, #tpu.memory_space<vmem>>
      %dma_wait3A_355 = arith.constant 0 : i32
      %dma_wait3A_356 = arith.constant 0 : i32
      %dma_wait3A_357 = tpu.memref_slice %arg11[%dma_wait3A_355, %dma_wait3A_356] : memref<10000x128xf32, #tpu.memory_space<vmem_shared>> -> memref<10000x128xf32, #tpu.memory_space<vmem_shared>>
      tpu.wait_indirect_dma semaphore(%arg17 : memref<!tpu.dma_semaphore, #tpu.memory_space<semaphore_mem>>) src(%arg10 : memref<80x128xf32, #tpu.memory_space<vmem>>) dst(%dma_wait3A_357 : memref<10000x128xf32, #tpu.memory_space<vmem_shared>>)
      %add3A_358 = arith.constant 2 : i32
      %add3A_359 = arith.addi %add3A_337, %add3A_358 : i32
      %dma_start3A_360 = arith.constant 0 : i32
      %dma_start3A_361 = tpu.memref_slice %arg6[%add3A_359, %dma_start3A_360] : memref<64x80xi32, #tpu.memory_space<vmem>> -> memref<1x80xi32, #tpu.memory_space<vmem>>
      %dma_start3A_362 = tpu.memref_squeeze %dma_start3A_361 : memref<1x80xi32, #tpu.memory_space<vmem>> -> memref<80xi32, #tpu.memory_space<vmem>>
      %dma_start3A_363 = arith.constant 0 : i32
      %dma_start3A_364 = arith.constant 0 : i32
      %dma_start3A_365 = tpu.memref_slice %arg2[%dma_start3A_363, %dma_start3A_364] : memref<10000x128xf32, #tpu.memory_space<hbm>> -> memref<10000x128xf32, #tpu.memory_space<hbm>>
      tpu.enqueue_indirect_dma source(%dma_start3A_365 : memref<10000x128xf32, #tpu.memory_space<hbm>>) target(%arg10 : memref<80x128xf32, #tpu.memory_space<vmem>>) offsets(%dma_start3A_362 : memref<80xi32, #tpu.memory_space<vmem>>) semaphore(%arg14 : memref<!tpu.dma_semaphore, #tpu.memory_space<semaphore_mem>>)
    }
    %scan3A_57 = arith.constant 20 : i32
    %dma_wait3A_58 = arith.constant 61 : i32
    %dma_wait3A_59 = arith.constant 0 : i32
    %dma_wait3A_60 = tpu.memref_slice %arg6[%dma_wait3A_58, %dma_wait3A_59] : memref<64x80xi32, #tpu.memory_space<vmem>> -> memref<1x80xi32, #tpu.memory_space<vmem>>
    %dma_wait3A_61 = tpu.memref_squeeze %dma_wait3A_60 : memref<1x80xi32, #tpu.memory_space<vmem>> -> memref<80xi32, #tpu.memory_space<vmem>>
    %dma_wait3A_62 = arith.constant 0 : i32
    %dma_wait3A_63 = arith.constant 0 : i32
    %dma_wait3A_64 = tpu.memref_slice %arg2[%dma_wait3A_62, %dma_wait3A_63] : memref<10000x128xf32, #tpu.memory_space<hbm>> -> memref<10000x128xf32, #tpu.memory_space<hbm>>
    tpu.wait_indirect_dma semaphore(%arg13 : memref<!tpu.dma_semaphore, #tpu.memory_space<semaphore_mem>>) src(%dma_wait3A_64 : memref<10000x128xf32, #tpu.memory_space<hbm>>) dst(%arg9 : memref<80x128xf32, #tpu.memory_space<vmem>>)
    %dma_start3A_65 = arith.constant 61 : i32
    %dma_start3A_66 = arith.constant 0 : i32
    %dma_start3A_67 = tpu.memref_slice %arg7[%dma_start3A_65, %dma_start3A_66] : memref<64x80xi32, #tpu.memory_space<vmem>> -> memref<1x80xi32, #tpu.memory_space<vmem>>
    %dma_start3A_68 = tpu.memref_squeeze %dma_start3A_67 : memref<1x80xi32, #tpu.memory_space<vmem>> -> memref<80xi32, #tpu.memory_space<vmem>>
    %dma_start3A_69 = arith.constant 0 : i32
    %dma_start3A_70 = arith.constant 0 : i32
    %dma_start3A_71 = tpu.memref_slice %arg11[%dma_start3A_69, %dma_start3A_70] : memref<10000x128xf32, #tpu.memory_space<vmem_shared>> -> memref<10000x128xf32, #tpu.memory_space<vmem_shared>>
    tpu.enqueue_indirect_dma source(%arg9 : memref<80x128xf32, #tpu.memory_space<vmem>>) target(%dma_start3A_71 : memref<10000x128xf32, #tpu.memory_space<vmem_shared>>) offsets(%dma_start3A_68 : memref<80xi32, #tpu.memory_space<vmem>>) semaphore(%arg16 : memref<!tpu.dma_semaphore, #tpu.memory_space<semaphore_mem>>) {add = true}
    %dma_wait3A_72 = arith.constant 60 : i32
    %dma_wait3A_73 = arith.constant 0 : i32
    %dma_wait3A_74 = tpu.memref_slice %arg7[%dma_wait3A_72, %dma_wait3A_73] : memref<64x80xi32, #tpu.memory_space<vmem>> -> memref<1x80xi32, #tpu.memory_space<vmem>>
    %dma_wait3A_75 = tpu.memref_squeeze %dma_wait3A_74 : memref<1x80xi32, #tpu.memory_space<vmem>> -> memref<80xi32, #tpu.memory_space<vmem>>
    %dma_wait3A_76 = arith.constant 0 : i32
    %dma_wait3A_77 = arith.constant 0 : i32
    %dma_wait3A_78 = tpu.memref_slice %arg11[%dma_wait3A_76, %dma_wait3A_77] : memref<10000x128xf32, #tpu.memory_space<vmem_shared>> -> memref<10000x128xf32, #tpu.memory_space<vmem_shared>>
    tpu.wait_indirect_dma semaphore(%arg15 : memref<!tpu.dma_semaphore, #tpu.memory_space<semaphore_mem>>) src(%arg8 : memref<80x128xf32, #tpu.memory_space<vmem>>) dst(%dma_wait3A_78 : memref<10000x128xf32, #tpu.memory_space<vmem_shared>>)
    %dma_start3A_79 = arith.constant 63 : i32
    %dma_start3A_80 = arith.constant 0 : i32
    %dma_start3A_81 = tpu.memref_slice %arg6[%dma_start3A_79, %dma_start3A_80] : memref<64x80xi32, #tpu.memory_space<vmem>> -> memref<1x80xi32, #tpu.memory_space<vmem>>
    %dma_start3A_82 = tpu.memref_squeeze %dma_start3A_81 : memref<1x80xi32, #tpu.memory_space<vmem>> -> memref<80xi32, #tpu.memory_space<vmem>>
    %dma_start3A_83 = arith.constant 0 : i32
    %dma_start3A_84 = arith.constant 0 : i32
    %dma_start3A_85 = tpu.memref_slice %arg2[%dma_start3A_83, %dma_start3A_84] : memref<10000x128xf32, #tpu.memory_space<hbm>> -> memref<10000x128xf32, #tpu.memory_space<hbm>>
    tpu.enqueue_indirect_dma source(%dma_start3A_85 : memref<10000x128xf32, #tpu.memory_space<hbm>>) target(%arg8 : memref<80x128xf32, #tpu.memory_space<vmem>>) offsets(%dma_start3A_82 : memref<80xi32, #tpu.memory_space<vmem>>) semaphore(%arg12 : memref<!tpu.dma_semaphore, #tpu.memory_space<semaphore_mem>>)
    %dma_wait3A_86 = arith.constant 62 : i32
    %dma_wait3A_87 = arith.constant 0 : i32
    %dma_wait3A_88 = tpu.memref_slice %arg6[%dma_wait3A_86, %dma_wait3A_87] : memref<64x80xi32, #tpu.memory_space<vmem>> -> memref<1x80xi32, #tpu.memory_space<vmem>>
    %dma_wait3A_89 = tpu.memref_squeeze %dma_wait3A_88 : memref<1x80xi32, #tpu.memory_space<vmem>> -> memref<80xi32, #tpu.memory_space<vmem>>
    %dma_wait3A_90 = arith.constant 0 : i32
    %dma_wait3A_91 = arith.constant 0 : i32
    %dma_wait3A_92 = tpu.memref_slice %arg2[%dma_wait3A_90, %dma_wait3A_91] : memref<10000x128xf32, #tpu.memory_space<hbm>> -> memref<10000x128xf32, #tpu.memory_space<hbm>>
    tpu.wait_indirect_dma semaphore(%arg14 : memref<!tpu.dma_semaphore, #tpu.memory_space<semaphore_mem>>) src(%dma_wait3A_92 : memref<10000x128xf32, #tpu.memory_space<hbm>>) dst(%arg10 : memref<80x128xf32, #tpu.memory_space<vmem>>)
    %dma_start3A_93 = arith.constant 62 : i32
    %dma_start3A_94 = arith.constant 0 : i32
    %dma_start3A_95 = tpu.memref_slice %arg7[%dma_start3A_93, %dma_start3A_94] : memref<64x80xi32, #tpu.memory_space<vmem>> -> memref<1x80xi32, #tpu.memory_space<vmem>>
    %dma_start3A_96 = tpu.memref_squeeze %dma_start3A_95 : memref<1x80xi32, #tpu.memory_space<vmem>> -> memref<80xi32, #tpu.memory_space<vmem>>
    %dma_start3A_97 = arith.constant 0 : i32
    %dma_start3A_98 = arith.constant 0 : i32
    %dma_start3A_99 = tpu.memref_slice %arg11[%dma_start3A_97, %dma_start3A_98] : memref<10000x128xf32, #tpu.memory_space<vmem_shared>> -> memref<10000x128xf32, #tpu.memory_space<vmem_shared>>
    tpu.enqueue_indirect_dma source(%arg10 : memref<80x128xf32, #tpu.memory_space<vmem>>) target(%dma_start3A_99 : memref<10000x128xf32, #tpu.memory_space<vmem_shared>>) offsets(%dma_start3A_96 : memref<80xi32, #tpu.memory_space<vmem>>) semaphore(%arg17 : memref<!tpu.dma_semaphore, #tpu.memory_space<semaphore_mem>>) {add = true}
    %dma_wait3A_100 = arith.constant 61 : i32
    %dma_wait3A_101 = arith.constant 0 : i32
    %dma_wait3A_102 = tpu.memref_slice %arg7[%dma_wait3A_100, %dma_wait3A_101] : memref<64x80xi32, #tpu.memory_space<vmem>> -> memref<1x80xi32, #tpu.memory_space<vmem>>
    %dma_wait3A_103 = tpu.memref_squeeze %dma_wait3A_102 : memref<1x80xi32, #tpu.memory_space<vmem>> -> memref<80xi32, #tpu.memory_space<vmem>>
    %dma_wait3A_104 = arith.constant 0 : i32
    %dma_wait3A_105 = arith.constant 0 : i32
    %dma_wait3A_106 = tpu.memref_slice %arg11[%dma_wait3A_104, %dma_wait3A_105] : memref<10000x128xf32, #tpu.memory_space<vmem_shared>> -> memref<10000x128xf32, #tpu.memory_space<vmem_shared>>
    tpu.wait_indirect_dma semaphore(%arg16 : memref<!tpu.dma_semaphore, #tpu.memory_space<semaphore_mem>>) src(%arg9 : memref<80x128xf32, #tpu.memory_space<vmem>>) dst(%dma_wait3A_106 : memref<10000x128xf32, #tpu.memory_space<vmem_shared>>)
    %dma_wait3A_107 = arith.constant 63 : i32
    %dma_wait3A_108 = arith.constant 0 : i32
    %dma_wait3A_109 = tpu.memref_slice %arg6[%dma_wait3A_107, %dma_wait3A_108] : memref<64x80xi32, #tpu.memory_space<vmem>> -> memref<1x80xi32, #tpu.memory_space<vmem>>
    %dma_wait3A_110 = tpu.memref_squeeze %dma_wait3A_109 : memref<1x80xi32, #tpu.memory_space<vmem>> -> memref<80xi32, #tpu.memory_space<vmem>>
    %dma_wait3A_111 = arith.constant 0 : i32
    %dma_wait3A_112 = arith.constant 0 : i32
    %dma_wait3A_113 = tpu.memref_slice %arg2[%dma_wait3A_111, %dma_wait3A_112] : memref<10000x128xf32, #tpu.memory_space<hbm>> -> memref<10000x128xf32, #tpu.memory_space<hbm>>
    tpu.wait_indirect_dma semaphore(%arg12 : memref<!tpu.dma_semaphore, #tpu.memory_space<semaphore_mem>>) src(%dma_wait3A_113 : memref<10000x128xf32, #tpu.memory_space<hbm>>) dst(%arg8 : memref<80x128xf32, #tpu.memory_space<vmem>>)
    %dma_start3A_114 = arith.constant 63 : i32
    %dma_start3A_115 = arith.constant 0 : i32
    %dma_start3A_116 = tpu.memref_slice %arg7[%dma_start3A_114, %dma_start3A_115] : memref<64x80xi32, #tpu.memory_space<vmem>> -> memref<1x80xi32, #tpu.memory_space<vmem>>
    %dma_start3A_117 = tpu.memref_squeeze %dma_start3A_116 : memref<1x80xi32, #tpu.memory_space<vmem>> -> memref<80xi32, #tpu.memory_space<vmem>>
    %dma_start3A_118 = arith.constant 0 : i32
    %dma_start3A_119 = arith.constant 0 : i32
    %dma_start3A_120 = tpu.memref_slice %arg11[%dma_start3A_118, %dma_start3A_119] : memref<10000x128xf32, #tpu.memory_space<vmem_shared>> -> memref<10000x128xf32, #tpu.memory_space<vmem_shared>>
    tpu.enqueue_indirect_dma source(%arg8 : memref<80x128xf32, #tpu.memory_space<vmem>>) target(%dma_start3A_120 : memref<10000x128xf32, #tpu.memory_space<vmem_shared>>) offsets(%dma_start3A_117 : memref<80xi32, #tpu.memory_space<vmem>>) semaphore(%arg15 : memref<!tpu.dma_semaphore, #tpu.memory_space<semaphore_mem>>) {add = true}
    %dma_wait3A_121 = arith.constant 62 : i32
    %dma_wait3A_122 = arith.constant 0 : i32
    %dma_wait3A_123 = tpu.memref_slice %arg7[%dma_wait3A_121, %dma_wait3A_122] : memref<64x80xi32, #tpu.memory_space<vmem>> -> memref<1x80xi32, #tpu.memory_space<vmem>>
    %dma_wait3A_124 = tpu.memref_squeeze %dma_wait3A_123 : memref<1x80xi32, #tpu.memory_space<vmem>> -> memref<80xi32, #tpu.memory_space<vmem>>
    %dma_wait3A_125 = arith.constant 0 : i32
    %dma_wait3A_126 = arith.constant 0 : i32
    %dma_wait3A_127 = tpu.memref_slice %arg11[%dma_wait3A_125, %dma_wait3A_126] : memref<10000x128xf32, #tpu.memory_space<vmem_shared>> -> memref<10000x128xf32, #tpu.memory_space<vmem_shared>>
    tpu.wait_indirect_dma semaphore(%arg17 : memref<!tpu.dma_semaphore, #tpu.memory_space<semaphore_mem>>) src(%arg10 : memref<80x128xf32, #tpu.memory_space<vmem>>) dst(%dma_wait3A_127 : memref<10000x128xf32, #tpu.memory_space<vmem_shared>>)
    %dma_wait3A_128 = arith.constant 63 : i32
    %dma_wait3A_129 = arith.constant 0 : i32
    %dma_wait3A_130 = tpu.memref_slice %arg7[%dma_wait3A_128, %dma_wait3A_129] : memref<64x80xi32, #tpu.memory_space<vmem>> -> memref<1x80xi32, #tpu.memory_space<vmem>>
    %dma_wait3A_131 = tpu.memref_squeeze %dma_wait3A_130 : memref<1x80xi32, #tpu.memory_space<vmem>> -> memref<80xi32, #tpu.memory_space<vmem>>
    %dma_wait3A_132 = arith.constant 0 : i32
    %dma_wait3A_133 = arith.constant 0 : i32
    %dma_wait3A_134 = tpu.memref_slice %arg11[%dma_wait3A_132, %dma_wait3A_133] : memref<10000x128xf32, #tpu.memory_space<vmem_shared>> -> memref<10000x128xf32, #tpu.memory_space<vmem_shared>>
    tpu.wait_indirect_dma semaphore(%arg15 : memref<!tpu.dma_semaphore, #tpu.memory_space<semaphore_mem>>) src(%arg8 : memref<80x128xf32, #tpu.memory_space<vmem>>) dst(%dma_wait3A_134 : memref<10000x128xf32, #tpu.memory_space<vmem_shared>>)
    "tpu.region"() ({
      %run_scoped3A = tpu.sem_alloc : memref<!tpu.dma_semaphore, #tpu.memory_space<semaphore_mem>>
      %dma_start3A_264 = arith.constant 0 : i32
      %dma_start3A_265 = arith.constant 0 : i32
      %dma_start3A_266 = tpu.memref_slice %arg6[%dma_start3A_264, %dma_start3A_265] : memref<64x80xi32, #tpu.memory_space<vmem>> -> memref<61x80xi32, #tpu.memory_space<vmem>>
      %dma_start3A_267 = arith.constant 64 : i32
      %dma_start3A_268 = arith.constant 0 : i32
      %dma_start3A_269 = tpu.memref_slice %arg3[%add3A, %dma_start3A_267, %dma_start3A_268] : memref<32x125x80xi32, #tpu.memory_space<hbm>> -> memref<1x61x80xi32, #tpu.memory_space<hbm>>
      %dma_start3A_270 = tpu.memref_squeeze %dma_start3A_269 : memref<1x61x80xi32, #tpu.memory_space<hbm>> -> memref<61x80xi32, #tpu.memory_space<hbm>>
      %dma_start3A_271 = arith.constant 0 : i32
      %dma_start3A_272 = arith.constant 0 : i32
      %dma_start3A_273 = tpu.memref_slice %arg6[%dma_start3A_271, %dma_start3A_272] : memref<64x80xi32, #tpu.memory_space<vmem>> -> memref<61x80xi32, #tpu.memory_space<vmem>>
      %dma_start3A_274 = arith.constant 64 : i32
      %dma_start3A_275 = arith.constant 0 : i32
      %dma_start3A_276 = tpu.memref_slice %arg3[%add3A, %dma_start3A_274, %dma_start3A_275] : memref<32x125x80xi32, #tpu.memory_space<hbm>> -> memref<1x61x80xi32, #tpu.memory_space<hbm>>
      %dma_start3A_277 = tpu.memref_squeeze %dma_start3A_276 : memref<1x61x80xi32, #tpu.memory_space<hbm>> -> memref<61x80xi32, #tpu.memory_space<hbm>>
      tpu.enqueue_dma source(%dma_start3A_277 : memref<61x80xi32, #tpu.memory_space<hbm>>) target(%dma_start3A_273 : memref<61x80xi32, #tpu.memory_space<vmem>>) target_semaphore(%run_scoped3A : memref<!tpu.dma_semaphore, #tpu.memory_space<semaphore_mem>>)
      %dma_wait3A_278 = arith.constant 0 : i32
      %dma_wait3A_279 = arith.constant 0 : i32
      %dma_wait3A_280 = tpu.memref_slice %arg6[%dma_wait3A_278, %dma_wait3A_279] : memref<64x80xi32, #tpu.memory_space<vmem>> -> memref<61x80xi32, #tpu.memory_space<vmem>>
      %dma_wait3A_281 = arith.constant 64 : i32
      %dma_wait3A_282 = arith.constant 0 : i32
      %dma_wait3A_283 = tpu.memref_slice %arg3[%add3A, %dma_wait3A_281, %dma_wait3A_282] : memref<32x125x80xi32, #tpu.memory_space<hbm>> -> memref<1x61x80xi32, #tpu.memory_space<hbm>>
      %dma_wait3A_284 = tpu.memref_squeeze %dma_wait3A_283 : memref<1x61x80xi32, #tpu.memory_space<hbm>> -> memref<61x80xi32, #tpu.memory_space<hbm>>
      %dma_wait3A_285 = arith.constant 0 : i32
      %dma_wait3A_286 = arith.constant 0 : i32
      %dma_wait3A_287 = tpu.memref_slice %arg6[%dma_wait3A_285, %dma_wait3A_286] : memref<64x80xi32, #tpu.memory_space<vmem>> -> memref<61x80xi32, #tpu.memory_space<vmem>>
      %dma_wait3A_288 = arith.constant 64 : i32
      %dma_wait3A_289 = arith.constant 0 : i32
      %dma_wait3A_290 = tpu.memref_slice %arg3[%add3A, %dma_wait3A_288, %dma_wait3A_289] : memref<32x125x80xi32, #tpu.memory_space<hbm>> -> memref<1x61x80xi32, #tpu.memory_space<hbm>>
      %dma_wait3A_291 = tpu.memref_squeeze %dma_wait3A_290 : memref<1x61x80xi32, #tpu.memory_space<hbm>> -> memref<61x80xi32, #tpu.memory_space<hbm>>
      tpu.wait_dma2 semaphore(%run_scoped3A : memref<!tpu.dma_semaphore, #tpu.memory_space<semaphore_mem>>) src(%dma_wait3A_291 : memref<61x80xi32, #tpu.memory_space<hbm>>) dst(%dma_wait3A_287 : memref<61x80xi32, #tpu.memory_space<vmem>>)
      tpu.yield
    }) : () -> ()
    "tpu.region"() ({
      %run_scoped3A = tpu.sem_alloc : memref<!tpu.dma_semaphore, #tpu.memory_space<semaphore_mem>>
      %dma_start3A_264 = arith.constant 0 : i32
      %dma_start3A_265 = arith.constant 0 : i32
      %dma_start3A_266 = tpu.memref_slice %arg7[%dma_start3A_264, %dma_start3A_265] : memref<64x80xi32, #tpu.memory_space<vmem>> -> memref<61x80xi32, #tpu.memory_space<vmem>>
      %dma_start3A_267 = arith.constant 64 : i32
      %dma_start3A_268 = arith.constant 0 : i32
      %dma_start3A_269 = tpu.memref_slice %arg4[%add3A, %dma_start3A_267, %dma_start3A_268] : memref<32x125x80xi32, #tpu.memory_space<hbm>> -> memref<1x61x80xi32, #tpu.memory_space<hbm>>
      %dma_start3A_270 = tpu.memref_squeeze %dma_start3A_269 : memref<1x61x80xi32, #tpu.memory_space<hbm>> -> memref<61x80xi32, #tpu.memory_space<hbm>>
      %dma_start3A_271 = arith.constant 0 : i32
      %dma_start3A_272 = arith.constant 0 : i32
      %dma_start3A_273 = tpu.memref_slice %arg7[%dma_start3A_271, %dma_start3A_272] : memref<64x80xi32, #tpu.memory_space<vmem>> -> memref<61x80xi32, #tpu.memory_space<vmem>>
      %dma_start3A_274 = arith.constant 64 : i32
      %dma_start3A_275 = arith.constant 0 : i32
      %dma_start3A_276 = tpu.memref_slice %arg4[%add3A, %dma_start3A_274, %dma_start3A_275] : memref<32x125x80xi32, #tpu.memory_space<hbm>> -> memref<1x61x80xi32, #tpu.memory_space<hbm>>
      %dma_start3A_277 = tpu.memref_squeeze %dma_start3A_276 : memref<1x61x80xi32, #tpu.memory_space<hbm>> -> memref<61x80xi32, #tpu.memory_space<hbm>>
      tpu.enqueue_dma source(%dma_start3A_277 : memref<61x80xi32, #tpu.memory_space<hbm>>) target(%dma_start3A_273 : memref<61x80xi32, #tpu.memory_space<vmem>>) target_semaphore(%run_scoped3A : memref<!tpu.dma_semaphore, #tpu.memory_space<semaphore_mem>>)
      %dma_wait3A_278 = arith.constant 0 : i32
      %dma_wait3A_279 = arith.constant 0 : i32
      %dma_wait3A_280 = tpu.memref_slice %arg7[%dma_wait3A_278, %dma_wait3A_279] : memref<64x80xi32, #tpu.memory_space<vmem>> -> memref<61x80xi32, #tpu.memory_space<vmem>>
      %dma_wait3A_281 = arith.constant 64 : i32
      %dma_wait3A_282 = arith.constant 0 : i32
      %dma_wait3A_283 = tpu.memref_slice %arg4[%add3A, %dma_wait3A_281, %dma_wait3A_282] : memref<32x125x80xi32, #tpu.memory_space<hbm>> -> memref<1x61x80xi32, #tpu.memory_space<hbm>>
      %dma_wait3A_284 = tpu.memref_squeeze %dma_wait3A_283 : memref<1x61x80xi32, #tpu.memory_space<hbm>> -> memref<61x80xi32, #tpu.memory_space<hbm>>
      %dma_wait3A_285 = arith.constant 0 : i32
      %dma_wait3A_286 = arith.constant 0 : i32
      %dma_wait3A_287 = tpu.memref_slice %arg7[%dma_wait3A_285, %dma_wait3A_286] : memref<64x80xi32, #tpu.memory_space<vmem>> -> memref<61x80xi32, #tpu.memory_space<vmem>>
      %dma_wait3A_288 = arith.constant 64 : i32
      %dma_wait3A_289 = arith.constant 0 : i32
      %dma_wait3A_290 = tpu.memref_slice %arg4[%add3A, %dma_wait3A_288, %dma_wait3A_289] : memref<32x125x80xi32, #tpu.memory_space<hbm>> -> memref<1x61x80xi32, #tpu.memory_space<hbm>>
      %dma_wait3A_291 = tpu.memref_squeeze %dma_wait3A_290 : memref<1x61x80xi32, #tpu.memory_space<hbm>> -> memref<61x80xi32, #tpu.memory_space<hbm>>
      tpu.wait_dma2 semaphore(%run_scoped3A : memref<!tpu.dma_semaphore, #tpu.memory_space<semaphore_mem>>) src(%dma_wait3A_291 : memref<61x80xi32, #tpu.memory_space<hbm>>) dst(%dma_wait3A_287 : memref<61x80xi32, #tpu.memory_space<vmem>>)
      tpu.yield
    }) : () -> ()
    %dma_start3A_135 = arith.constant 0 : i32
    %dma_start3A_136 = arith.constant 0 : i32
    %dma_start3A_137 = tpu.memref_slice %arg6[%dma_start3A_135, %dma_start3A_136] : memref<64x80xi32, #tpu.memory_space<vmem>> -> memref<1x80xi32, #tpu.memory_space<vmem>>
    %dma_start3A_138 = tpu.memref_squeeze %dma_start3A_137 : memref<1x80xi32, #tpu.memory_space<vmem>> -> memref<80xi32, #tpu.memory_space<vmem>>
    %dma_start3A_139 = arith.constant 0 : i32
    %dma_start3A_140 = arith.constant 0 : i32
    %dma_start3A_141 = tpu.memref_slice %arg2[%dma_start3A_139, %dma_start3A_140] : memref<10000x128xf32, #tpu.memory_space<hbm>> -> memref<10000x128xf32, #tpu.memory_space<hbm>>
    tpu.enqueue_indirect_dma source(%dma_start3A_141 : memref<10000x128xf32, #tpu.memory_space<hbm>>) target(%arg8 : memref<80x128xf32, #tpu.memory_space<vmem>>) offsets(%dma_start3A_138 : memref<80xi32, #tpu.memory_space<vmem>>) semaphore(%arg12 : memref<!tpu.dma_semaphore, #tpu.memory_space<semaphore_mem>>)
    %dma_start3A_142 = arith.constant 1 : i32
    %dma_start3A_143 = arith.constant 0 : i32
    %dma_start3A_144 = tpu.memref_slice %arg6[%dma_start3A_142, %dma_start3A_143] : memref<64x80xi32, #tpu.memory_space<vmem>> -> memref<1x80xi32, #tpu.memory_space<vmem>>
    %dma_start3A_145 = tpu.memref_squeeze %dma_start3A_144 : memref<1x80xi32, #tpu.memory_space<vmem>> -> memref<80xi32, #tpu.memory_space<vmem>>
    %dma_start3A_146 = arith.constant 0 : i32
    %dma_start3A_147 = arith.constant 0 : i32
    %dma_start3A_148 = tpu.memref_slice %arg2[%dma_start3A_146, %dma_start3A_147] : memref<10000x128xf32, #tpu.memory_space<hbm>> -> memref<10000x128xf32, #tpu.memory_space<hbm>>
    tpu.enqueue_indirect_dma source(%dma_start3A_148 : memref<10000x128xf32, #tpu.memory_space<hbm>>) target(%arg9 : memref<80x128xf32, #tpu.memory_space<vmem>>) offsets(%dma_start3A_145 : memref<80xi32, #tpu.memory_space<vmem>>) semaphore(%arg13 : memref<!tpu.dma_semaphore, #tpu.memory_space<semaphore_mem>>)
    %dma_wait3A_149 = arith.constant 0 : i32
    %dma_wait3A_150 = arith.constant 0 : i32
    %dma_wait3A_151 = tpu.memref_slice %arg6[%dma_wait3A_149, %dma_wait3A_150] : memref<64x80xi32, #tpu.memory_space<vmem>> -> memref<1x80xi32, #tpu.memory_space<vmem>>
    %dma_wait3A_152 = tpu.memref_squeeze %dma_wait3A_151 : memref<1x80xi32, #tpu.memory_space<vmem>> -> memref<80xi32, #tpu.memory_space<vmem>>
    %dma_wait3A_153 = arith.constant 0 : i32
    %dma_wait3A_154 = arith.constant 0 : i32
    %dma_wait3A_155 = tpu.memref_slice %arg2[%dma_wait3A_153, %dma_wait3A_154] : memref<10000x128xf32, #tpu.memory_space<hbm>> -> memref<10000x128xf32, #tpu.memory_space<hbm>>
    tpu.wait_indirect_dma semaphore(%arg12 : memref<!tpu.dma_semaphore, #tpu.memory_space<semaphore_mem>>) src(%dma_wait3A_155 : memref<10000x128xf32, #tpu.memory_space<hbm>>) dst(%arg8 : memref<80x128xf32, #tpu.memory_space<vmem>>)
    %dma_start3A_156 = arith.constant 0 : i32
    %dma_start3A_157 = arith.constant 0 : i32
    %dma_start3A_158 = tpu.memref_slice %arg7[%dma_start3A_156, %dma_start3A_157] : memref<64x80xi32, #tpu.memory_space<vmem>> -> memref<1x80xi32, #tpu.memory_space<vmem>>
    %dma_start3A_159 = tpu.memref_squeeze %dma_start3A_158 : memref<1x80xi32, #tpu.memory_space<vmem>> -> memref<80xi32, #tpu.memory_space<vmem>>
    %dma_start3A_160 = arith.constant 0 : i32
    %dma_start3A_161 = arith.constant 0 : i32
    %dma_start3A_162 = tpu.memref_slice %arg11[%dma_start3A_160, %dma_start3A_161] : memref<10000x128xf32, #tpu.memory_space<vmem_shared>> -> memref<10000x128xf32, #tpu.memory_space<vmem_shared>>
    tpu.enqueue_indirect_dma source(%arg8 : memref<80x128xf32, #tpu.memory_space<vmem>>) target(%dma_start3A_162 : memref<10000x128xf32, #tpu.memory_space<vmem_shared>>) offsets(%dma_start3A_159 : memref<80xi32, #tpu.memory_space<vmem>>) semaphore(%arg15 : memref<!tpu.dma_semaphore, #tpu.memory_space<semaphore_mem>>) {add = true}
    %dma_start3A_163 = arith.constant 2 : i32
    %dma_start3A_164 = arith.constant 0 : i32
    %dma_start3A_165 = tpu.memref_slice %arg6[%dma_start3A_163, %dma_start3A_164] : memref<64x80xi32, #tpu.memory_space<vmem>> -> memref<1x80xi32, #tpu.memory_space<vmem>>
    %dma_start3A_166 = tpu.memref_squeeze %dma_start3A_165 : memref<1x80xi32, #tpu.memory_space<vmem>> -> memref<80xi32, #tpu.memory_space<vmem>>
    %dma_start3A_167 = arith.constant 0 : i32
    %dma_start3A_168 = arith.constant 0 : i32
    %dma_start3A_169 = tpu.memref_slice %arg2[%dma_start3A_167, %dma_start3A_168] : memref<10000x128xf32, #tpu.memory_space<hbm>> -> memref<10000x128xf32, #tpu.memory_space<hbm>>
    tpu.enqueue_indirect_dma source(%dma_start3A_169 : memref<10000x128xf32, #tpu.memory_space<hbm>>) target(%arg10 : memref<80x128xf32, #tpu.memory_space<vmem>>) offsets(%dma_start3A_166 : memref<80xi32, #tpu.memory_space<vmem>>) semaphore(%arg14 : memref<!tpu.dma_semaphore, #tpu.memory_space<semaphore_mem>>)
    %scan3A_170 = arith.constant 0 : i32
    %scan3A_171 = arith.constant 0 : i32
    %scan3A_172 = arith.constant 19 : i32
    %scan3A_173 = arith.addi %scan3A_171, %scan3A_172 : i32
    %scan3A_174 = arith.constant 1 : i32
    scf.for %scan3A_264 = %scan3A_171 to %scan3A_173 step %scan3A_174  : i32 {
      %mul3A_265 = arith.constant 3 : i32
      %mul3A_266 = arith.muli %mul3A_265, %scan3A_264 : i32
      %add3A_267 = arith.constant 1 : i32
      %add3A_268 = arith.addi %add3A_267, %mul3A_266 : i32
      %add3A_269 = arith.constant 0 : i32
      %add3A_270 = arith.addi %add3A_268, %add3A_269 : i32
      %dma_wait3A_271 = arith.constant 0 : i32
      %dma_wait3A_272 = tpu.memref_slice %arg6[%add3A_270, %dma_wait3A_271] : memref<64x80xi32, #tpu.memory_space<vmem>> -> memref<1x80xi32, #tpu.memory_space<vmem>>
      %dma_wait3A_273 = tpu.memref_squeeze %dma_wait3A_272 : memref<1x80xi32, #tpu.memory_space<vmem>> -> memref<80xi32, #tpu.memory_space<vmem>>
      %dma_wait3A_274 = arith.constant 0 : i32
      %dma_wait3A_275 = arith.constant 0 : i32
      %dma_wait3A_276 = tpu.memref_slice %arg2[%dma_wait3A_274, %dma_wait3A_275] : memref<10000x128xf32, #tpu.memory_space<hbm>> -> memref<10000x128xf32, #tpu.memory_space<hbm>>
      tpu.wait_indirect_dma semaphore(%arg13 : memref<!tpu.dma_semaphore, #tpu.memory_space<semaphore_mem>>) src(%dma_wait3A_276 : memref<10000x128xf32, #tpu.memory_space<hbm>>) dst(%arg9 : memref<80x128xf32, #tpu.memory_space<vmem>>)
      %dma_start3A_277 = arith.constant 0 : i32
      %dma_start3A_278 = tpu.memref_slice %arg7[%add3A_270, %dma_start3A_277] : memref<64x80xi32, #tpu.memory_space<vmem>> -> memref<1x80xi32, #tpu.memory_space<vmem>>
      %dma_start3A_279 = tpu.memref_squeeze %dma_start3A_278 : memref<1x80xi32, #tpu.memory_space<vmem>> -> memref<80xi32, #tpu.memory_space<vmem>>
      %dma_start3A_280 = arith.constant 0 : i32
      %dma_start3A_281 = arith.constant 0 : i32
      %dma_start3A_282 = tpu.memref_slice %arg11[%dma_start3A_280, %dma_start3A_281] : memref<10000x128xf32, #tpu.memory_space<vmem_shared>> -> memref<10000x128xf32, #tpu.memory_space<vmem_shared>>
      tpu.enqueue_indirect_dma source(%arg9 : memref<80x128xf32, #tpu.memory_space<vmem>>) target(%dma_start3A_282 : memref<10000x128xf32, #tpu.memory_space<vmem_shared>>) offsets(%dma_start3A_279 : memref<80xi32, #tpu.memory_space<vmem>>) semaphore(%arg16 : memref<!tpu.dma_semaphore, #tpu.memory_space<semaphore_mem>>) {add = true}
      %sub3A = arith.constant 1 : i32
      %sub3A_283 = arith.subi %add3A_270, %sub3A : i32
      %dma_wait3A_284 = arith.constant 0 : i32
      %dma_wait3A_285 = tpu.memref_slice %arg7[%sub3A_283, %dma_wait3A_284] : memref<64x80xi32, #tpu.memory_space<vmem>> -> memref<1x80xi32, #tpu.memory_space<vmem>>
      %dma_wait3A_286 = tpu.memref_squeeze %dma_wait3A_285 : memref<1x80xi32, #tpu.memory_space<vmem>> -> memref<80xi32, #tpu.memory_space<vmem>>
      %dma_wait3A_287 = arith.constant 0 : i32
      %dma_wait3A_288 = arith.constant 0 : i32
      %dma_wait3A_289 = tpu.memref_slice %arg11[%dma_wait3A_287, %dma_wait3A_288] : memref<10000x128xf32, #tpu.memory_space<vmem_shared>> -> memref<10000x128xf32, #tpu.memory_space<vmem_shared>>
      tpu.wait_indirect_dma semaphore(%arg15 : memref<!tpu.dma_semaphore, #tpu.memory_space<semaphore_mem>>) src(%arg8 : memref<80x128xf32, #tpu.memory_space<vmem>>) dst(%dma_wait3A_289 : memref<10000x128xf32, #tpu.memory_space<vmem_shared>>)
      %add3A_290 = arith.constant 2 : i32
      %add3A_291 = arith.addi %add3A_270, %add3A_290 : i32
      %dma_start3A_292 = arith.constant 0 : i32
      %dma_start3A_293 = tpu.memref_slice %arg6[%add3A_291, %dma_start3A_292] : memref<64x80xi32, #tpu.memory_space<vmem>> -> memref<1x80xi32, #tpu.memory_space<vmem>>
      %dma_start3A_294 = tpu.memref_squeeze %dma_start3A_293 : memref<1x80xi32, #tpu.memory_space<vmem>> -> memref<80xi32, #tpu.memory_space<vmem>>
      %dma_start3A_295 = arith.constant 0 : i32
      %dma_start3A_296 = arith.constant 0 : i32
      %dma_start3A_297 = tpu.memref_slice %arg2[%dma_start3A_295, %dma_start3A_296] : memref<10000x128xf32, #tpu.memory_space<hbm>> -> memref<10000x128xf32, #tpu.memory_space<hbm>>
      tpu.enqueue_indirect_dma source(%dma_start3A_297 : memref<10000x128xf32, #tpu.memory_space<hbm>>) target(%arg8 : memref<80x128xf32, #tpu.memory_space<vmem>>) offsets(%dma_start3A_294 : memref<80xi32, #tpu.memory_space<vmem>>) semaphore(%arg12 : memref<!tpu.dma_semaphore, #tpu.memory_space<semaphore_mem>>)
      %mul3A_298 = arith.constant 3 : i32
      %mul3A_299 = arith.muli %mul3A_298, %scan3A_264 : i32
      %add3A_300 = arith.constant 1 : i32
      %add3A_301 = arith.addi %add3A_300, %mul3A_299 : i32
      %add3A_302 = arith.constant 1 : i32
      %add3A_303 = arith.addi %add3A_301, %add3A_302 : i32
      %dma_wait3A_304 = arith.constant 0 : i32
      %dma_wait3A_305 = tpu.memref_slice %arg6[%add3A_303, %dma_wait3A_304] : memref<64x80xi32, #tpu.memory_space<vmem>> -> memref<1x80xi32, #tpu.memory_space<vmem>>
      %dma_wait3A_306 = tpu.memref_squeeze %dma_wait3A_305 : memref<1x80xi32, #tpu.memory_space<vmem>> -> memref<80xi32, #tpu.memory_space<vmem>>
      %dma_wait3A_307 = arith.constant 0 : i32
      %dma_wait3A_308 = arith.constant 0 : i32
      %dma_wait3A_309 = tpu.memref_slice %arg2[%dma_wait3A_307, %dma_wait3A_308] : memref<10000x128xf32, #tpu.memory_space<hbm>> -> memref<10000x128xf32, #tpu.memory_space<hbm>>
      tpu.wait_indirect_dma semaphore(%arg14 : memref<!tpu.dma_semaphore, #tpu.memory_space<semaphore_mem>>) src(%dma_wait3A_309 : memref<10000x128xf32, #tpu.memory_space<hbm>>) dst(%arg10 : memref<80x128xf32, #tpu.memory_space<vmem>>)
      %dma_start3A_310 = arith.constant 0 : i32
      %dma_start3A_311 = tpu.memref_slice %arg7[%add3A_303, %dma_start3A_310] : memref<64x80xi32, #tpu.memory_space<vmem>> -> memref<1x80xi32, #tpu.memory_space<vmem>>
      %dma_start3A_312 = tpu.memref_squeeze %dma_start3A_311 : memref<1x80xi32, #tpu.memory_space<vmem>> -> memref<80xi32, #tpu.memory_space<vmem>>
      %dma_start3A_313 = arith.constant 0 : i32
      %dma_start3A_314 = arith.constant 0 : i32
      %dma_start3A_315 = tpu.memref_slice %arg11[%dma_start3A_313, %dma_start3A_314] : memref<10000x128xf32, #tpu.memory_space<vmem_shared>> -> memref<10000x128xf32, #tpu.memory_space<vmem_shared>>
      tpu.enqueue_indirect_dma source(%arg10 : memref<80x128xf32, #tpu.memory_space<vmem>>) target(%dma_start3A_315 : memref<10000x128xf32, #tpu.memory_space<vmem_shared>>) offsets(%dma_start3A_312 : memref<80xi32, #tpu.memory_space<vmem>>) semaphore(%arg17 : memref<!tpu.dma_semaphore, #tpu.memory_space<semaphore_mem>>) {add = true}
      %sub3A_316 = arith.constant 1 : i32
      %sub3A_317 = arith.subi %add3A_303, %sub3A_316 : i32
      %dma_wait3A_318 = arith.constant 0 : i32
      %dma_wait3A_319 = tpu.memref_slice %arg7[%sub3A_317, %dma_wait3A_318] : memref<64x80xi32, #tpu.memory_space<vmem>> -> memref<1x80xi32, #tpu.memory_space<vmem>>
      %dma_wait3A_320 = tpu.memref_squeeze %dma_wait3A_319 : memref<1x80xi32, #tpu.memory_space<vmem>> -> memref<80xi32, #tpu.memory_space<vmem>>
      %dma_wait3A_321 = arith.constant 0 : i32
      %dma_wait3A_322 = arith.constant 0 : i32
      %dma_wait3A_323 = tpu.memref_slice %arg11[%dma_wait3A_321, %dma_wait3A_322] : memref<10000x128xf32, #tpu.memory_space<vmem_shared>> -> memref<10000x128xf32, #tpu.memory_space<vmem_shared>>
      tpu.wait_indirect_dma semaphore(%arg16 : memref<!tpu.dma_semaphore, #tpu.memory_space<semaphore_mem>>) src(%arg9 : memref<80x128xf32, #tpu.memory_space<vmem>>) dst(%dma_wait3A_323 : memref<10000x128xf32, #tpu.memory_space<vmem_shared>>)
      %add3A_324 = arith.constant 2 : i32
      %add3A_325 = arith.addi %add3A_303, %add3A_324 : i32
      %dma_start3A_326 = arith.constant 0 : i32
      %dma_start3A_327 = tpu.memref_slice %arg6[%add3A_325, %dma_start3A_326] : memref<64x80xi32, #tpu.memory_space<vmem>> -> memref<1x80xi32, #tpu.memory_space<vmem>>
      %dma_start3A_328 = tpu.memref_squeeze %dma_start3A_327 : memref<1x80xi32, #tpu.memory_space<vmem>> -> memref<80xi32, #tpu.memory_space<vmem>>
      %dma_start3A_329 = arith.constant 0 : i32
      %dma_start3A_330 = arith.constant 0 : i32
      %dma_start3A_331 = tpu.memref_slice %arg2[%dma_start3A_329, %dma_start3A_330] : memref<10000x128xf32, #tpu.memory_space<hbm>> -> memref<10000x128xf32, #tpu.memory_space<hbm>>
      tpu.enqueue_indirect_dma source(%dma_start3A_331 : memref<10000x128xf32, #tpu.memory_space<hbm>>) target(%arg9 : memref<80x128xf32, #tpu.memory_space<vmem>>) offsets(%dma_start3A_328 : memref<80xi32, #tpu.memory_space<vmem>>) semaphore(%arg13 : memref<!tpu.dma_semaphore, #tpu.memory_space<semaphore_mem>>)
      %mul3A_332 = arith.constant 3 : i32
      %mul3A_333 = arith.muli %mul3A_332, %scan3A_264 : i32
      %add3A_334 = arith.constant 1 : i32
      %add3A_335 = arith.addi %add3A_334, %mul3A_333 : i32
      %add3A_336 = arith.constant 2 : i32
      %add3A_337 = arith.addi %add3A_335, %add3A_336 : i32
      %dma_wait3A_338 = arith.constant 0 : i32
      %dma_wait3A_339 = tpu.memref_slice %arg6[%add3A_337, %dma_wait3A_338] : memref<64x80xi32, #tpu.memory_space<vmem>> -> memref<1x80xi32, #tpu.memory_space<vmem>>
      %dma_wait3A_340 = tpu.memref_squeeze %dma_wait3A_339 : memref<1x80xi32, #tpu.memory_space<vmem>> -> memref<80xi32, #tpu.memory_space<vmem>>
      %dma_wait3A_341 = arith.constant 0 : i32
      %dma_wait3A_342 = arith.constant 0 : i32
      %dma_wait3A_343 = tpu.memref_slice %arg2[%dma_wait3A_341, %dma_wait3A_342] : memref<10000x128xf32, #tpu.memory_space<hbm>> -> memref<10000x128xf32, #tpu.memory_space<hbm>>
      tpu.wait_indirect_dma semaphore(%arg12 : memref<!tpu.dma_semaphore, #tpu.memory_space<semaphore_mem>>) src(%dma_wait3A_343 : memref<10000x128xf32, #tpu.memory_space<hbm>>) dst(%arg8 : memref<80x128xf32, #tpu.memory_space<vmem>>)
      %dma_start3A_344 = arith.constant 0 : i32
      %dma_start3A_345 = tpu.memref_slice %arg7[%add3A_337, %dma_start3A_344] : memref<64x80xi32, #tpu.memory_space<vmem>> -> memref<1x80xi32, #tpu.memory_space<vmem>>
      %dma_start3A_346 = tpu.memref_squeeze %dma_start3A_345 : memref<1x80xi32, #tpu.memory_space<vmem>> -> memref<80xi32, #tpu.memory_space<vmem>>
      %dma_start3A_347 = arith.constant 0 : i32
      %dma_start3A_348 = arith.constant 0 : i32
      %dma_start3A_349 = tpu.memref_slice %arg11[%dma_start3A_347, %dma_start3A_348] : memref<10000x128xf32, #tpu.memory_space<vmem_shared>> -> memref<10000x128xf32, #tpu.memory_space<vmem_shared>>
      tpu.enqueue_indirect_dma source(%arg8 : memref<80x128xf32, #tpu.memory_space<vmem>>) target(%dma_start3A_349 : memref<10000x128xf32, #tpu.memory_space<vmem_shared>>) offsets(%dma_start3A_346 : memref<80xi32, #tpu.memory_space<vmem>>) semaphore(%arg15 : memref<!tpu.dma_semaphore, #tpu.memory_space<semaphore_mem>>) {add = true}
      %sub3A_350 = arith.constant 1 : i32
      %sub3A_351 = arith.subi %add3A_337, %sub3A_350 : i32
      %dma_wait3A_352 = arith.constant 0 : i32
      %dma_wait3A_353 = tpu.memref_slice %arg7[%sub3A_351, %dma_wait3A_352] : memref<64x80xi32, #tpu.memory_space<vmem>> -> memref<1x80xi32, #tpu.memory_space<vmem>>
      %dma_wait3A_354 = tpu.memref_squeeze %dma_wait3A_353 : memref<1x80xi32, #tpu.memory_space<vmem>> -> memref<80xi32, #tpu.memory_space<vmem>>
      %dma_wait3A_355 = arith.constant 0 : i32
      %dma_wait3A_356 = arith.constant 0 : i32
      %dma_wait3A_357 = tpu.memref_slice %arg11[%dma_wait3A_355, %dma_wait3A_356] : memref<10000x128xf32, #tpu.memory_space<vmem_shared>> -> memref<10000x128xf32, #tpu.memory_space<vmem_shared>>
      tpu.wait_indirect_dma semaphore(%arg17 : memref<!tpu.dma_semaphore, #tpu.memory_space<semaphore_mem>>) src(%arg10 : memref<80x128xf32, #tpu.memory_space<vmem>>) dst(%dma_wait3A_357 : memref<10000x128xf32, #tpu.memory_space<vmem_shared>>)
      %add3A_358 = arith.constant 2 : i32
      %add3A_359 = arith.addi %add3A_337, %add3A_358 : i32
      %dma_start3A_360 = arith.constant 0 : i32
      %dma_start3A_361 = tpu.memref_slice %arg6[%add3A_359, %dma_start3A_360] : memref<64x80xi32, #tpu.memory_space<vmem>> -> memref<1x80xi32, #tpu.memory_space<vmem>>
      %dma_start3A_362 = tpu.memref_squeeze %dma_start3A_361 : memref<1x80xi32, #tpu.memory_space<vmem>> -> memref<80xi32, #tpu.memory_space<vmem>>
      %dma_start3A_363 = arith.constant 0 : i32
      %dma_start3A_364 = arith.constant 0 : i32
      %dma_start3A_365 = tpu.memref_slice %arg2[%dma_start3A_363, %dma_start3A_364] : memref<10000x128xf32, #tpu.memory_space<hbm>> -> memref<10000x128xf32, #tpu.memory_space<hbm>>
      tpu.enqueue_indirect_dma source(%dma_start3A_365 : memref<10000x128xf32, #tpu.memory_space<hbm>>) target(%arg10 : memref<80x128xf32, #tpu.memory_space<vmem>>) offsets(%dma_start3A_362 : memref<80xi32, #tpu.memory_space<vmem>>) semaphore(%arg14 : memref<!tpu.dma_semaphore, #tpu.memory_space<semaphore_mem>>)
    }
    %scan3A_175 = arith.constant 19 : i32
    %dma_wait3A_176 = arith.constant 58 : i32
    %dma_wait3A_177 = arith.constant 0 : i32
    %dma_wait3A_178 = tpu.memref_slice %arg6[%dma_wait3A_176, %dma_wait3A_177] : memref<64x80xi32, #tpu.memory_space<vmem>> -> memref<1x80xi32, #tpu.memory_space<vmem>>
    %dma_wait3A_179 = tpu.memref_squeeze %dma_wait3A_178 : memref<1x80xi32, #tpu.memory_space<vmem>> -> memref<80xi32, #tpu.memory_space<vmem>>
    %dma_wait3A_180 = arith.constant 0 : i32
    %dma_wait3A_181 = arith.constant 0 : i32
    %dma_wait3A_182 = tpu.memref_slice %arg2[%dma_wait3A_180, %dma_wait3A_181] : memref<10000x128xf32, #tpu.memory_space<hbm>> -> memref<10000x128xf32, #tpu.memory_space<hbm>>
    tpu.wait_indirect_dma semaphore(%arg13 : memref<!tpu.dma_semaphore, #tpu.memory_space<semaphore_mem>>) src(%dma_wait3A_182 : memref<10000x128xf32, #tpu.memory_space<hbm>>) dst(%arg9 : memref<80x128xf32, #tpu.memory_space<vmem>>)
    %dma_start3A_183 = arith.constant 58 : i32
    %dma_start3A_184 = arith.constant 0 : i32
    %dma_start3A_185 = tpu.memref_slice %arg7[%dma_start3A_183, %dma_start3A_184] : memref<64x80xi32, #tpu.memory_space<vmem>> -> memref<1x80xi32, #tpu.memory_space<vmem>>
    %dma_start3A_186 = tpu.memref_squeeze %dma_start3A_185 : memref<1x80xi32, #tpu.memory_space<vmem>> -> memref<80xi32, #tpu.memory_space<vmem>>
    %dma_start3A_187 = arith.constant 0 : i32
    %dma_start3A_188 = arith.constant 0 : i32
    %dma_start3A_189 = tpu.memref_slice %arg11[%dma_start3A_187, %dma_start3A_188] : memref<10000x128xf32, #tpu.memory_space<vmem_shared>> -> memref<10000x128xf32, #tpu.memory_space<vmem_shared>>
    tpu.enqueue_indirect_dma source(%arg9 : memref<80x128xf32, #tpu.memory_space<vmem>>) target(%dma_start3A_189 : memref<10000x128xf32, #tpu.memory_space<vmem_shared>>) offsets(%dma_start3A_186 : memref<80xi32, #tpu.memory_space<vmem>>) semaphore(%arg16 : memref<!tpu.dma_semaphore, #tpu.memory_space<semaphore_mem>>) {add = true}
    %dma_wait3A_190 = arith.constant 57 : i32
    %dma_wait3A_191 = arith.constant 0 : i32
    %dma_wait3A_192 = tpu.memref_slice %arg7[%dma_wait3A_190, %dma_wait3A_191] : memref<64x80xi32, #tpu.memory_space<vmem>> -> memref<1x80xi32, #tpu.memory_space<vmem>>
    %dma_wait3A_193 = tpu.memref_squeeze %dma_wait3A_192 : memref<1x80xi32, #tpu.memory_space<vmem>> -> memref<80xi32, #tpu.memory_space<vmem>>
    %dma_wait3A_194 = arith.constant 0 : i32
    %dma_wait3A_195 = arith.constant 0 : i32
    %dma_wait3A_196 = tpu.memref_slice %arg11[%dma_wait3A_194, %dma_wait3A_195] : memref<10000x128xf32, #tpu.memory_space<vmem_shared>> -> memref<10000x128xf32, #tpu.memory_space<vmem_shared>>
    tpu.wait_indirect_dma semaphore(%arg15 : memref<!tpu.dma_semaphore, #tpu.memory_space<semaphore_mem>>) src(%arg8 : memref<80x128xf32, #tpu.memory_space<vmem>>) dst(%dma_wait3A_196 : memref<10000x128xf32, #tpu.memory_space<vmem_shared>>)
    %dma_start3A_197 = arith.constant 60 : i32
    %dma_start3A_198 = arith.constant 0 : i32
    %dma_start3A_199 = tpu.memref_slice %arg6[%dma_start3A_197, %dma_start3A_198] : memref<64x80xi32, #tpu.memory_space<vmem>> -> memref<1x80xi32, #tpu.memory_space<vmem>>
    %dma_start3A_200 = tpu.memref_squeeze %dma_start3A_199 : memref<1x80xi32, #tpu.memory_space<vmem>> -> memref<80xi32, #tpu.memory_space<vmem>>
    %dma_start3A_201 = arith.constant 0 : i32
    %dma_start3A_202 = arith.constant 0 : i32
    %dma_start3A_203 = tpu.memref_slice %arg2[%dma_start3A_201, %dma_start3A_202] : memref<10000x128xf32, #tpu.memory_space<hbm>> -> memref<10000x128xf32, #tpu.memory_space<hbm>>
    tpu.enqueue_indirect_dma source(%dma_start3A_203 : memref<10000x128xf32, #tpu.memory_space<hbm>>) target(%arg8 : memref<80x128xf32, #tpu.memory_space<vmem>>) offsets(%dma_start3A_200 : memref<80xi32, #tpu.memory_space<vmem>>) semaphore(%arg12 : memref<!tpu.dma_semaphore, #tpu.memory_space<semaphore_mem>>)
    %dma_wait3A_204 = arith.constant 59 : i32
    %dma_wait3A_205 = arith.constant 0 : i32
    %dma_wait3A_206 = tpu.memref_slice %arg6[%dma_wait3A_204, %dma_wait3A_205] : memref<64x80xi32, #tpu.memory_space<vmem>> -> memref<1x80xi32, #tpu.memory_space<vmem>>
    %dma_wait3A_207 = tpu.memref_squeeze %dma_wait3A_206 : memref<1x80xi32, #tpu.memory_space<vmem>> -> memref<80xi32, #tpu.memory_space<vmem>>
    %dma_wait3A_208 = arith.constant 0 : i32
    %dma_wait3A_209 = arith.constant 0 : i32
    %dma_wait3A_210 = tpu.memref_slice %arg2[%dma_wait3A_208, %dma_wait3A_209] : memref<10000x128xf32, #tpu.memory_space<hbm>> -> memref<10000x128xf32, #tpu.memory_space<hbm>>
    tpu.wait_indirect_dma semaphore(%arg14 : memref<!tpu.dma_semaphore, #tpu.memory_space<semaphore_mem>>) src(%dma_wait3A_210 : memref<10000x128xf32, #tpu.memory_space<hbm>>) dst(%arg10 : memref<80x128xf32, #tpu.memory_space<vmem>>)
    %dma_start3A_211 = arith.constant 59 : i32
    %dma_start3A_212 = arith.constant 0 : i32
    %dma_start3A_213 = tpu.memref_slice %arg7[%dma_start3A_211, %dma_start3A_212] : memref<64x80xi32, #tpu.memory_space<vmem>> -> memref<1x80xi32, #tpu.memory_space<vmem>>
    %dma_start3A_214 = tpu.memref_squeeze %dma_start3A_213 : memref<1x80xi32, #tpu.memory_space<vmem>> -> memref<80xi32, #tpu.memory_space<vmem>>
    %dma_start3A_215 = arith.constant 0 : i32
    %dma_start3A_216 = arith.constant 0 : i32
    %dma_start3A_217 = tpu.memref_slice %arg11[%dma_start3A_215, %dma_start3A_216] : memref<10000x128xf32, #tpu.memory_space<vmem_shared>> -> memref<10000x128xf32, #tpu.memory_space<vmem_shared>>
    tpu.enqueue_indirect_dma source(%arg10 : memref<80x128xf32, #tpu.memory_space<vmem>>) target(%dma_start3A_217 : memref<10000x128xf32, #tpu.memory_space<vmem_shared>>) offsets(%dma_start3A_214 : memref<80xi32, #tpu.memory_space<vmem>>) semaphore(%arg17 : memref<!tpu.dma_semaphore, #tpu.memory_space<semaphore_mem>>) {add = true}
    %dma_wait3A_218 = arith.constant 58 : i32
    %dma_wait3A_219 = arith.constant 0 : i32
    %dma_wait3A_220 = tpu.memref_slice %arg7[%dma_wait3A_218, %dma_wait3A_219] : memref<64x80xi32, #tpu.memory_space<vmem>> -> memref<1x80xi32, #tpu.memory_space<vmem>>
    %dma_wait3A_221 = tpu.memref_squeeze %dma_wait3A_220 : memref<1x80xi32, #tpu.memory_space<vmem>> -> memref<80xi32, #tpu.memory_space<vmem>>
    %dma_wait3A_222 = arith.constant 0 : i32
    %dma_wait3A_223 = arith.constant 0 : i32
    %dma_wait3A_224 = tpu.memref_slice %arg11[%dma_wait3A_222, %dma_wait3A_223] : memref<10000x128xf32, #tpu.memory_space<vmem_shared>> -> memref<10000x128xf32, #tpu.memory_space<vmem_shared>>
    tpu.wait_indirect_dma semaphore(%arg16 : memref<!tpu.dma_semaphore, #tpu.memory_space<semaphore_mem>>) src(%arg9 : memref<80x128xf32, #tpu.memory_space<vmem>>) dst(%dma_wait3A_224 : memref<10000x128xf32, #tpu.memory_space<vmem_shared>>)
    %dma_wait3A_225 = arith.constant 60 : i32
    %dma_wait3A_226 = arith.constant 0 : i32
    %dma_wait3A_227 = tpu.memref_slice %arg6[%dma_wait3A_225, %dma_wait3A_226] : memref<64x80xi32, #tpu.memory_space<vmem>> -> memref<1x80xi32, #tpu.memory_space<vmem>>
    %dma_wait3A_228 = tpu.memref_squeeze %dma_wait3A_227 : memref<1x80xi32, #tpu.memory_space<vmem>> -> memref<80xi32, #tpu.memory_space<vmem>>
    %dma_wait3A_229 = arith.constant 0 : i32
    %dma_wait3A_230 = arith.constant 0 : i32
    %dma_wait3A_231 = tpu.memref_slice %arg2[%dma_wait3A_229, %dma_wait3A_230] : memref<10000x128xf32, #tpu.memory_space<hbm>> -> memref<10000x128xf32, #tpu.memory_space<hbm>>
    tpu.wait_indirect_dma semaphore(%arg12 : memref<!tpu.dma_semaphore, #tpu.memory_space<semaphore_mem>>) src(%dma_wait3A_231 : memref<10000x128xf32, #tpu.memory_space<hbm>>) dst(%arg8 : memref<80x128xf32, #tpu.memory_space<vmem>>)
    %dma_start3A_232 = arith.constant 60 : i32
    %dma_start3A_233 = arith.constant 0 : i32
    %dma_start3A_234 = tpu.memref_slice %arg7[%dma_start3A_232, %dma_start3A_233] : memref<64x80xi32, #tpu.memory_space<vmem>> -> memref<1x80xi32, #tpu.memory_space<vmem>>
    %dma_start3A_235 = tpu.memref_squeeze %dma_start3A_234 : memref<1x80xi32, #tpu.memory_space<vmem>> -> memref<80xi32, #tpu.memory_space<vmem>>
    %dma_start3A_236 = arith.constant 0 : i32
    %dma_start3A_237 = arith.constant 0 : i32
    %dma_start3A_238 = tpu.memref_slice %arg11[%dma_start3A_236, %dma_start3A_237] : memref<10000x128xf32, #tpu.memory_space<vmem_shared>> -> memref<10000x128xf32, #tpu.memory_space<vmem_shared>>
    tpu.enqueue_indirect_dma source(%arg8 : memref<80x128xf32, #tpu.memory_space<vmem>>) target(%dma_start3A_238 : memref<10000x128xf32, #tpu.memory_space<vmem_shared>>) offsets(%dma_start3A_235 : memref<80xi32, #tpu.memory_space<vmem>>) semaphore(%arg15 : memref<!tpu.dma_semaphore, #tpu.memory_space<semaphore_mem>>) {add = true}
    %dma_wait3A_239 = arith.constant 59 : i32
    %dma_wait3A_240 = arith.constant 0 : i32
    %dma_wait3A_241 = tpu.memref_slice %arg7[%dma_wait3A_239, %dma_wait3A_240] : memref<64x80xi32, #tpu.memory_space<vmem>> -> memref<1x80xi32, #tpu.memory_space<vmem>>
    %dma_wait3A_242 = tpu.memref_squeeze %dma_wait3A_241 : memref<1x80xi32, #tpu.memory_space<vmem>> -> memref<80xi32, #tpu.memory_space<vmem>>
    %dma_wait3A_243 = arith.constant 0 : i32
    %dma_wait3A_244 = arith.constant 0 : i32
    %dma_wait3A_245 = tpu.memref_slice %arg11[%dma_wait3A_243, %dma_wait3A_244] : memref<10000x128xf32, #tpu.memory_space<vmem_shared>> -> memref<10000x128xf32, #tpu.memory_space<vmem_shared>>
    tpu.wait_indirect_dma semaphore(%arg17 : memref<!tpu.dma_semaphore, #tpu.memory_space<semaphore_mem>>) src(%arg10 : memref<80x128xf32, #tpu.memory_space<vmem>>) dst(%dma_wait3A_245 : memref<10000x128xf32, #tpu.memory_space<vmem_shared>>)
    %dma_wait3A_246 = arith.constant 60 : i32
    %dma_wait3A_247 = arith.constant 0 : i32
    %dma_wait3A_248 = tpu.memref_slice %arg7[%dma_wait3A_246, %dma_wait3A_247] : memref<64x80xi32, #tpu.memory_space<vmem>> -> memref<1x80xi32, #tpu.memory_space<vmem>>
    %dma_wait3A_249 = tpu.memref_squeeze %dma_wait3A_248 : memref<1x80xi32, #tpu.memory_space<vmem>> -> memref<80xi32, #tpu.memory_space<vmem>>
    %dma_wait3A_250 = arith.constant 0 : i32
    %dma_wait3A_251 = arith.constant 0 : i32
    %dma_wait3A_252 = tpu.memref_slice %arg11[%dma_wait3A_250, %dma_wait3A_251] : memref<10000x128xf32, #tpu.memory_space<vmem_shared>> -> memref<10000x128xf32, #tpu.memory_space<vmem_shared>>
    tpu.wait_indirect_dma semaphore(%arg15 : memref<!tpu.dma_semaphore, #tpu.memory_space<semaphore_mem>>) src(%arg8 : memref<80x128xf32, #tpu.memory_space<vmem>>) dst(%dma_wait3A_252 : memref<10000x128xf32, #tpu.memory_space<vmem_shared>>)
    %barrier3A_253 = arith.constant 0 : index
    tpu.barrier barrier_id(%barrier3A_253)
    %while3A_254 = arith.constant 0 : i32
    %while3A_255 = arith.constant 0 : i32
    %while3A_256 = arith.subi %select_n3A, %while3A_255 : i32
    %while3A_257 = arith.addi %while3A_255, %while3A_256 : i32
    %while3A_258 = arith.constant 1 : i32
    %while3A_259 = arith.divsi %while3A_256, %while3A_258 : i32
    %while3A_260 = arith.muli %while3A_259, %while3A_258 : i32
    %while3A_261 = arith.addi %while3A_255, %while3A_260 : i32
    %while3A_262 = arith.constant 1 : i32
    scf.for %while3A_264 = %while3A_255 to %while3A_261 step %while3A_262  : i32 {
      %mul3A_265 = arith.constant 80 : i32
      %mul3A_266 = arith.muli %while3A_264, %mul3A_265 : i32
      %add3A_267 = arith.addi %mul3A_7, %mul3A_266 : i32
      "tpu.region"() ({
        %run_scoped3A = tpu.sem_alloc : memref<!tpu.dma_semaphore, #tpu.memory_space<semaphore_mem>>
        %dma_start3A_271 = arith.constant 0 : i32
        %dma_start3A_272 = tpu.memref_slice %arg11[%add3A_267, %dma_start3A_271] : memref<10000x128xf32, #tpu.memory_space<vmem_shared>> -> memref<80x128xf32, #tpu.memory_space<vmem_shared>>
        %dma_start3A_273 = arith.constant 0 : i32
        %dma_start3A_274 = tpu.memref_slice %arg11[%add3A_267, %dma_start3A_273] : memref<10000x128xf32, #tpu.memory_space<vmem_shared>> -> memref<80x128xf32, #tpu.memory_space<vmem_shared>>
        tpu.enqueue_dma source(%dma_start3A_274 : memref<80x128xf32, #tpu.memory_space<vmem_shared>>) target(%arg8 : memref<80x128xf32, #tpu.memory_space<vmem>>) target_semaphore(%run_scoped3A : memref<!tpu.dma_semaphore, #tpu.memory_space<semaphore_mem>>)
        %dma_wait3A_275 = arith.constant 0 : i32
        %dma_wait3A_276 = tpu.memref_slice %arg11[%add3A_267, %dma_wait3A_275] : memref<10000x128xf32, #tpu.memory_space<vmem_shared>> -> memref<80x128xf32, #tpu.memory_space<vmem_shared>>
        %dma_wait3A_277 = arith.constant 0 : i32
        %dma_wait3A_278 = tpu.memref_slice %arg11[%add3A_267, %dma_wait3A_277] : memref<10000x128xf32, #tpu.memory_space<vmem_shared>> -> memref<80x128xf32, #tpu.memory_space<vmem_shared>>
        tpu.wait_dma2 semaphore(%run_scoped3A : memref<!tpu.dma_semaphore, #tpu.memory_space<semaphore_mem>>) src(%dma_wait3A_278 : memref<80x128xf32, #tpu.memory_space<vmem_shared>>) dst(%arg8 : memref<80x128xf32, #tpu.memory_space<vmem>>)
        tpu.yield
      }) : () -> ()
      %mul3A_268 = arith.constant 80 : i32
      %mul3A_269 = arith.muli %while3A_264, %mul3A_268 : i32
      %add3A_270 = arith.addi %mul3A_7, %mul3A_269 : i32
      "tpu.region"() ({
        %run_scoped3A = tpu.sem_alloc : memref<!tpu.dma_semaphore, #tpu.memory_space<semaphore_mem>>
        %dma_start3A_271 = arith.constant 0 : i32
        %dma_start3A_272 = tpu.memref_slice %arg5[%arg0, %add3A_270, %dma_start3A_271] : memref<2x10000x128xf32, #tpu.memory_space<hbm>> -> memref<1x80x128xf32, #tpu.memory_space<hbm>>
        %dma_start3A_273 = tpu.memref_squeeze %dma_start3A_272 : memref<1x80x128xf32, #tpu.memory_space<hbm>> -> memref<80x128xf32, #tpu.memory_space<hbm>>
        %dma_start3A_274 = arith.constant 0 : i32
        %dma_start3A_275 = tpu.memref_slice %arg5[%arg0, %add3A_270, %dma_start3A_274] : memref<2x10000x128xf32, #tpu.memory_space<hbm>> -> memref<1x80x128xf32, #tpu.memory_space<hbm>>
        %dma_start3A_276 = tpu.memref_squeeze %dma_start3A_275 : memref<1x80x128xf32, #tpu.memory_space<hbm>> -> memref<80x128xf32, #tpu.memory_space<hbm>>
        tpu.enqueue_dma source(%arg8 : memref<80x128xf32, #tpu.memory_space<vmem>>) target(%dma_start3A_276 : memref<80x128xf32, #tpu.memory_space<hbm>>) target_semaphore(%run_scoped3A : memref<!tpu.dma_semaphore, #tpu.memory_space<semaphore_mem>>)
        %dma_wait3A_277 = arith.constant 0 : i32
        %dma_wait3A_278 = tpu.memref_slice %arg5[%arg0, %add3A_270, %dma_wait3A_277] : memref<2x10000x128xf32, #tpu.memory_space<hbm>> -> memref<1x80x128xf32, #tpu.memory_space<hbm>>
        %dma_wait3A_279 = tpu.memref_squeeze %dma_wait3A_278 : memref<1x80x128xf32, #tpu.memory_space<hbm>> -> memref<80x128xf32, #tpu.memory_space<hbm>>
        %dma_wait3A_280 = arith.constant 0 : i32
        %dma_wait3A_281 = tpu.memref_slice %arg5[%arg0, %add3A_270, %dma_wait3A_280] : memref<2x10000x128xf32, #tpu.memory_space<hbm>> -> memref<1x80x128xf32, #tpu.memory_space<hbm>>
        %dma_wait3A_282 = tpu.memref_squeeze %dma_wait3A_281 : memref<1x80x128xf32, #tpu.memory_space<hbm>> -> memref<80x128xf32, #tpu.memory_space<hbm>>
        tpu.wait_dma2 semaphore(%run_scoped3A : memref<!tpu.dma_semaphore, #tpu.memory_space<semaphore_mem>>) src(%arg8 : memref<80x128xf32, #tpu.memory_space<vmem>>) dst(%dma_wait3A_282 : memref<80x128xf32, #tpu.memory_space<hbm>>)
        tpu.yield
      }) : () -> ()
    }
    %while3A_263 = arith.constant 1 : i32
    scf.for %while3A_264 = %while3A_261 to %while3A_257 step %while3A_263  : i32 {
      %mul3A_265 = arith.constant 80 : i32
      %mul3A_266 = arith.muli %while3A_264, %mul3A_265 : i32
      %add3A_267 = arith.addi %mul3A_7, %mul3A_266 : i32
      "tpu.region"() ({
        %run_scoped3A = tpu.sem_alloc : memref<!tpu.dma_semaphore, #tpu.memory_space<semaphore_mem>>
        %dma_start3A_271 = arith.constant 0 : i32
        %dma_start3A_272 = tpu.memref_slice %arg11[%add3A_267, %dma_start3A_271] : memref<10000x128xf32, #tpu.memory_space<vmem_shared>> -> memref<80x128xf32, #tpu.memory_space<vmem_shared>>
        %dma_start3A_273 = arith.constant 0 : i32
        %dma_start3A_274 = tpu.memref_slice %arg11[%add3A_267, %dma_start3A_273] : memref<10000x128xf32, #tpu.memory_space<vmem_shared>> -> memref<80x128xf32, #tpu.memory_space<vmem_shared>>
        tpu.enqueue_dma source(%dma_start3A_274 : memref<80x128xf32, #tpu.memory_space<vmem_shared>>) target(%arg8 : memref<80x128xf32, #tpu.memory_space<vmem>>) target_semaphore(%run_scoped3A : memref<!tpu.dma_semaphore, #tpu.memory_space<semaphore_mem>>)
        %dma_wait3A_275 = arith.constant 0 : i32
        %dma_wait3A_276 = tpu.memref_slice %arg11[%add3A_267, %dma_wait3A_275] : memref<10000x128xf32, #tpu.memory_space<vmem_shared>> -> memref<80x128xf32, #tpu.memory_space<vmem_shared>>
        %dma_wait3A_277 = arith.constant 0 : i32
        %dma_wait3A_278 = tpu.memref_slice %arg11[%add3A_267, %dma_wait3A_277] : memref<10000x128xf32, #tpu.memory_space<vmem_shared>> -> memref<80x128xf32, #tpu.memory_space<vmem_shared>>
        tpu.wait_dma2 semaphore(%run_scoped3A : memref<!tpu.dma_semaphore, #tpu.memory_space<semaphore_mem>>) src(%dma_wait3A_278 : memref<80x128xf32, #tpu.memory_space<vmem_shared>>) dst(%arg8 : memref<80x128xf32, #tpu.memory_space<vmem>>)
        tpu.yield
      }) : () -> ()
      %mul3A_268 = arith.constant 80 : i32
      %mul3A_269 = arith.muli %while3A_264, %mul3A_268 : i32
      %add3A_270 = arith.addi %mul3A_7, %mul3A_269 : i32
      "tpu.region"() ({
        %run_scoped3A = tpu.sem_alloc : memref<!tpu.dma_semaphore, #tpu.memory_space<semaphore_mem>>
        %dma_start3A_271 = arith.constant 0 : i32
        %dma_start3A_272 = tpu.memref_slice %arg5[%arg0, %add3A_270, %dma_start3A_271] : memref<2x10000x128xf32, #tpu.memory_space<hbm>> -> memref<1x80x128xf32, #tpu.memory_space<hbm>>
        %dma_start3A_273 = tpu.memref_squeeze %dma_start3A_272 : memref<1x80x128xf32, #tpu.memory_space<hbm>> -> memref<80x128xf32, #tpu.memory_space<hbm>>
        %dma_start3A_274 = arith.constant 0 : i32
        %dma_start3A_275 = tpu.memref_slice %arg5[%arg0, %add3A_270, %dma_start3A_274] : memref<2x10000x128xf32, #tpu.memory_space<hbm>> -> memref<1x80x128xf32, #tpu.memory_space<hbm>>
        %dma_start3A_276 = tpu.memref_squeeze %dma_start3A_275 : memref<1x80x128xf32, #tpu.memory_space<hbm>> -> memref<80x128xf32, #tpu.memory_space<hbm>>
        tpu.enqueue_dma source(%arg8 : memref<80x128xf32, #tpu.memory_space<vmem>>) target(%dma_start3A_276 : memref<80x128xf32, #tpu.memory_space<hbm>>) target_semaphore(%run_scoped3A : memref<!tpu.dma_semaphore, #tpu.memory_space<semaphore_mem>>)
        %dma_wait3A_277 = arith.constant 0 : i32
        %dma_wait3A_278 = tpu.memref_slice %arg5[%arg0, %add3A_270, %dma_wait3A_277] : memref<2x10000x128xf32, #tpu.memory_space<hbm>> -> memref<1x80x128xf32, #tpu.memory_space<hbm>>
        %dma_wait3A_279 = tpu.memref_squeeze %dma_wait3A_278 : memref<1x80x128xf32, #tpu.memory_space<hbm>> -> memref<80x128xf32, #tpu.memory_space<hbm>>
        %dma_wait3A_280 = arith.constant 0 : i32
        %dma_wait3A_281 = tpu.memref_slice %arg5[%arg0, %add3A_270, %dma_wait3A_280] : memref<2x10000x128xf32, #tpu.memory_space<hbm>> -> memref<1x80x128xf32, #tpu.memory_space<hbm>>
        %dma_wait3A_282 = tpu.memref_squeeze %dma_wait3A_281 : memref<1x80x128xf32, #tpu.memory_space<hbm>> -> memref<80x128xf32, #tpu.memory_space<hbm>>
        tpu.wait_dma2 semaphore(%run_scoped3A : memref<!tpu.dma_semaphore, #tpu.memory_space<semaphore_mem>>) src(%arg8 : memref<80x128xf32, #tpu.memory_space<vmem>>) dst(%dma_wait3A_282 : memref<80x128xf32, #tpu.memory_space<hbm>>)
        tpu.yield
      }) : () -> ()
    }
    return
  }
}

module attributes {stable_mosaic.version = 14 : i64} {
  func.func @body(%arg0: i32, %arg1: memref<1000x128xf32, #tpu.memory_space<vmem>>, %arg2: memref<1000x2xf32, #tpu.memory_space<vmem>>, %arg3: memref<128x128xf32, #tpu.memory_space<vmem>>, %arg4: memref<1000x128xf32, #tpu.memory_space<vmem>>, %arg5: memref<1000x1xf32, #tpu.memory_space<vmem>>) attributes {dimension_semantics = [#tpu.dimension_semantics<arbitrary>], iteration_bounds = array<i64: 10>, scalar_prefetch = 0 : i64, scratch_operands = 0 : i64, tpu.core_type = #tpu.core_type<tc>, window_params = [{transform_indices = @transform_0, window_bounds = array<i64: 1000, 128>}, {transform_indices = @transform_1, window_bounds = array<i64: 1000, 2>}, {pipeline_mode = #tpu.pipeline_mode<synchronous>, transform_indices = @transform_2, window_bounds = array<i64: 128, 128>}, {transform_indices = @transform_3, window_bounds = array<i64: 1000, 128>}, {transform_indices = @transform_4, window_bounds = array<i64: 1000, 1>}]} {
    %get3A = arith.constant 0 : index
    %get3A_0 = arith.constant 0 : index
    %get3A_1 = vector.load %arg2[%get3A, %get3A_0] : memref<1000x2xf32, #tpu.memory_space<vmem>>, vector<1000x1xf32>
    %get3A_2 = arith.constant 0 : index
    %get3A_3 = arith.constant 1 : index
    %get3A_4 = vector.load %arg2[%get3A_2, %get3A_3] : memref<1000x2xf32, #tpu.memory_space<vmem>>, vector<1000x1xf32>
    %add3A = arith.addf %get3A_1, %get3A_4 : vector<1000x1xf32>
    %add3A_5 = arith.constant 1.000000e+00 : f32
    %add3A_6 = vector.broadcast %add3A_5 : f32 to vector<1000x1xf32>
    %add3A_7 = arith.addf %add3A, %add3A_6 : vector<1000x1xf32>
    %rsqrt3A = math.rsqrt %add3A_7 : vector<1000x1xf32>
    %get3A_8 = arith.constant 0 : index
    %get3A_9 = arith.constant 0 : index
    %get3A_10 = vector.load %arg1[%get3A_8, %get3A_9] : memref<1000x128xf32, #tpu.memory_space<vmem>>, vector<1000x128xf32>
    %get3A_11 = arith.constant 0 : index
    %get3A_12 = arith.constant 0 : index
    %get3A_13 = vector.load %arg3[%get3A_11, %get3A_12] : memref<128x128xf32, #tpu.memory_space<vmem>>, vector<128x128xf32>
    %dot_general3A = arith.constant dense<0.000000e+00> : vector<1000x128xf32>
    %dot_general3A_14 = tpu.matmul %get3A_10, %get3A_13, %dot_general3A {dimension_numbers = #tpu.dot_dimension_numbers<[1], [0], [0], [1], [0, 0, 1, 1], [], []>, transpose_lhs_hint = false} : vector<1000x128xf32>, vector<128x128xf32>, vector<1000x128xf32> -> vector<1000x128xf32>
    %mul3A = vector.broadcast %rsqrt3A : vector<1000x1xf32> to vector<1000x128xf32>
    %mul3A_15 = arith.mulf %mul3A, %dot_general3A_14 : vector<1000x128xf32>
    %swap3A = arith.constant 0 : index
    %swap3A_16 = arith.constant 0 : index
    %swap3A_17 = vector.load %arg4[%swap3A, %swap3A_16] : memref<1000x128xf32, #tpu.memory_space<vmem>>, vector<1000x128xf32>
    tpu.vector_store %arg4[%swap3A, %swap3A_16], %mul3A_15 {strides = array<i32>} : memref<1000x128xf32, #tpu.memory_space<vmem>>, vector<1000x128xf32>,
    %swap3A_18 = arith.constant 0 : index
    %swap3A_19 = arith.constant 0 : index
    %swap3A_20 = vector.load %arg5[%swap3A_18, %swap3A_19] : memref<1000x1xf32, #tpu.memory_space<vmem>>, vector<1000x1xf32>
    tpu.vector_store %arg5[%swap3A_18, %swap3A_19], %rsqrt3A {strides = array<i32>} : memref<1000x1xf32, #tpu.memory_space<vmem>>, vector<1000x1xf32>,
    return
  }
  func.func @transform_0(%arg0: i32) -> (i32, i32) {
    %c0_i32 = arith.constant 0 : i32
    %c0_i32_0 = arith.constant 0 : i32
    return %arg0, %c0_i32 : i32, i32
  }
  func.func @transform_1(%arg0: i32) -> (i32, i32) {
    %c0_i32 = arith.constant 0 : i32
    %c0_i32_0 = arith.constant 0 : i32
    return %arg0, %c0_i32 : i32, i32
  }
  func.func @transform_2(%arg0: i32) -> (i32, i32) {
    %c0_i32 = arith.constant 0 : i32
    %c0_i32_0 = arith.constant 0 : i32
    %c0_i32_1 = arith.constant 0 : i32
    return %c0_i32, %c0_i32_0 : i32, i32
  }
  func.func @transform_3(%arg0: i32) -> (i32, i32) {
    %c0_i32 = arith.constant 0 : i32
    %c0_i32_0 = arith.constant 0 : i32
    return %arg0, %c0_i32 : i32, i32
  }
  func.func @transform_4(%arg0: i32) -> (i32, i32) {
    %c0_i32 = arith.constant 0 : i32
    %c0_i32_0 = arith.constant 0 : i32
    return %arg0, %c0_i32 : i32, i32
  }
}

module attributes {stable_mosaic.version = 14 : i64} {
  func.func @body(%arg0: i32, %arg1: memref<1000x128xf32, #tpu.memory_space<vmem>>, %arg2: memref<1000x128xf32, #tpu.memory_space<vmem>>, %arg3: memref<1000x128xf32, #tpu.memory_space<vmem>>, %arg4: memref<1000x1xf32, #tpu.memory_space<vmem>>, %arg5: memref<1x128xf32, #tpu.memory_space<vmem>>, %arg6: memref<128x128xf32, #tpu.memory_space<vmem>>, %arg7: memref<1000x128xf32, #tpu.memory_space<vmem>>) attributes {dimension_semantics = [#tpu.dimension_semantics<arbitrary>], iteration_bounds = array<i64: 10>, scalar_prefetch = 0 : i64, scratch_operands = 0 : i64, tpu.core_type = #tpu.core_type<tc>, window_params = [{transform_indices = @transform_0, window_bounds = array<i64: 1000, 128>}, {transform_indices = @transform_1, window_bounds = array<i64: 1000, 128>}, {transform_indices = @transform_2, window_bounds = array<i64: 1000, 128>}, {transform_indices = @transform_3, window_bounds = array<i64: 1000, 1>}, {pipeline_mode = #tpu.pipeline_mode<synchronous>, transform_indices = @transform_4, window_bounds = array<i64: 1, 128>}, {pipeline_mode = #tpu.pipeline_mode<synchronous>, transform_indices = @transform_5, window_bounds = array<i64: 128, 128>}, {transform_indices = @transform_6, window_bounds = array<i64: 1000, 128>}]} {
    %get3A = arith.constant 0 : index
    %get3A_0 = arith.constant 0 : index
    %get3A_1 = vector.load %arg4[%get3A, %get3A_0] : memref<1000x1xf32, #tpu.memory_space<vmem>>, vector<1000x1xf32>
    %get3A_2 = arith.constant 0 : index
    %get3A_3 = arith.constant 0 : index
    %get3A_4 = vector.load %arg1[%get3A_2, %get3A_3] : memref<1000x128xf32, #tpu.memory_space<vmem>>, vector<1000x128xf32>
    %get3A_5 = arith.constant 0 : index
    %get3A_6 = arith.constant 0 : index
    %get3A_7 = vector.load %arg2[%get3A_5, %get3A_6] : memref<1000x128xf32, #tpu.memory_space<vmem>>, vector<1000x128xf32>
    %add3A = arith.addf %get3A_4, %get3A_7 : vector<1000x128xf32>
    %get3A_8 = arith.constant 0 : index
    %get3A_9 = arith.constant 0 : index
    %get3A_10 = vector.load %arg3[%get3A_8, %get3A_9] : memref<1000x128xf32, #tpu.memory_space<vmem>>, vector<1000x128xf32>
    %add3A_11 = arith.addf %add3A, %get3A_10 : vector<1000x128xf32>
    %mul3A = vector.broadcast %get3A_1 : vector<1000x1xf32> to vector<1000x128xf32>
    %mul3A_12 = arith.mulf %mul3A, %add3A_11 : vector<1000x128xf32>
    %get3A_13 = arith.constant 0 : index
    %get3A_14 = arith.constant 0 : index
    %get3A_15 = vector.load %arg5[%get3A_13, %get3A_14] : memref<1x128xf32, #tpu.memory_space<vmem>>, vector<1x128xf32>
    %add3A_16 = vector.broadcast %get3A_15 : vector<1x128xf32> to vector<1000x128xf32>
    %add3A_17 = arith.addf %mul3A_12, %add3A_16 : vector<1000x128xf32>
    %max3A = arith.constant 0.000000e+00 : f32
    %max3A_18 = vector.broadcast %max3A : f32 to vector<1000x128xf32>
    %max3A_19 = arith.maximumf %add3A_17, %max3A_18 : vector<1000x128xf32>
    %get3A_20 = arith.constant 0 : index
    %get3A_21 = arith.constant 0 : index
    %get3A_22 = vector.load %arg4[%get3A_20, %get3A_21] : memref<1000x1xf32, #tpu.memory_space<vmem>>, vector<1000x1xf32>
    %get3A_23 = arith.constant 0 : index
    %get3A_24 = arith.constant 0 : index
    %get3A_25 = vector.load %arg6[%get3A_23, %get3A_24] : memref<128x128xf32, #tpu.memory_space<vmem>>, vector<128x128xf32>
    %dot_general3A = arith.constant dense<0.000000e+00> : vector<1000x128xf32>
    %dot_general3A_26 = tpu.matmul %max3A_19, %get3A_25, %dot_general3A {dimension_numbers = #tpu.dot_dimension_numbers<[1], [0], [0], [1], [0, 0, 1, 1], [], []>, transpose_lhs_hint = false} : vector<1000x128xf32>, vector<128x128xf32>, vector<1000x128xf32> -> vector<1000x128xf32>
    %mul3A_27 = vector.broadcast %get3A_22 : vector<1000x1xf32> to vector<1000x128xf32>
    %mul3A_28 = arith.mulf %mul3A_27, %dot_general3A_26 : vector<1000x128xf32>
    %swap3A = arith.constant 0 : index
    %swap3A_29 = arith.constant 0 : index
    %swap3A_30 = vector.load %arg7[%swap3A, %swap3A_29] : memref<1000x128xf32, #tpu.memory_space<vmem>>, vector<1000x128xf32>
    tpu.vector_store %arg7[%swap3A, %swap3A_29], %mul3A_28 {strides = array<i32>} : memref<1000x128xf32, #tpu.memory_space<vmem>>, vector<1000x128xf32>,
    return
  }
  func.func @transform_0(%arg0: i32) -> (i32, i32) {
    %c0_i32 = arith.constant 0 : i32
    %c0_i32_0 = arith.constant 0 : i32
    return %arg0, %c0_i32 : i32, i32
  }
  func.func @transform_1(%arg0: i32) -> (i32, i32) {
    %c0_i32 = arith.constant 0 : i32
    %c0_i32_0 = arith.constant 0 : i32
    return %arg0, %c0_i32 : i32, i32
  }
  func.func @transform_2(%arg0: i32) -> (i32, i32) {
    %c0_i32 = arith.constant 0 : i32
    %c0_i32_0 = arith.constant 0 : i32
    return %arg0, %c0_i32 : i32, i32
  }
  func.func @transform_3(%arg0: i32) -> (i32, i32) {
    %c0_i32 = arith.constant 0 : i32
    %c0_i32_0 = arith.constant 0 : i32
    return %arg0, %c0_i32 : i32, i32
  }
  func.func @transform_4(%arg0: i32) -> (i32, i32) {
    %c0_i32 = arith.constant 0 : i32
    %c0_i32_0 = arith.constant 0 : i32
    %c0_i32_1 = arith.constant 0 : i32
    return %c0_i32, %c0_i32_0 : i32, i32
  }
  func.func @transform_5(%arg0: i32) -> (i32, i32) {
    %c0_i32 = arith.constant 0 : i32
    %c0_i32_0 = arith.constant 0 : i32
    %c0_i32_1 = arith.constant 0 : i32
    return %c0_i32, %c0_i32_0 : i32, i32
  }
  func.func @transform_6(%arg0: i32) -> (i32, i32) {
    %c0_i32 = arith.constant 0 : i32
    %c0_i32_0 = arith.constant 0 : i32
    return %arg0, %c0_i32 : i32, i32
  }
}

module attributes {stable_mosaic.version = 14 : i64} {
  func.func @body(%arg0: i32, %arg1: memref<1000x128xf32, #tpu.memory_space<vmem>>, %arg2: memref<1000x128xf32, #tpu.memory_space<vmem>>, %arg3: memref<1000x128xf32, #tpu.memory_space<vmem>>, %arg4: memref<1000x1xf32, #tpu.memory_space<vmem>>, %arg5: memref<1x128xf32, #tpu.memory_space<vmem>>, %arg6: memref<1000x1xi32, #tpu.memory_space<vmem>>, %arg7: memref<128x128xf32, #tpu.memory_space<vmem>>, %arg8: memref<1x128xf32, #tpu.memory_space<vmem>>, %arg9: memref<64x128xf32, #tpu.memory_space<vmem>>, %arg10: memref<64x128xf32, #tpu.memory_space<vmem>>, %arg11: memref<64x128xf32, #tpu.memory_space<vmem>>) attributes {dimension_semantics = [#tpu.dimension_semantics<arbitrary>], iteration_bounds = array<i64: 10>, scalar_prefetch = 0 : i64, scratch_operands = 2 : i64, tpu.core_type = #tpu.core_type<tc>, window_params = [{transform_indices = @transform_0, window_bounds = array<i64: 1000, 128>}, {transform_indices = @transform_1, window_bounds = array<i64: 1000, 128>}, {transform_indices = @transform_2, window_bounds = array<i64: 1000, 128>}, {transform_indices = @transform_3, window_bounds = array<i64: 1000, 1>}, {pipeline_mode = #tpu.pipeline_mode<synchronous>, transform_indices = @transform_4, window_bounds = array<i64: 1, 128>}, {transform_indices = @transform_5, window_bounds = array<i64: 1000, 1>}, {pipeline_mode = #tpu.pipeline_mode<synchronous>, transform_indices = @transform_6, window_bounds = array<i64: 128, 128>}, {pipeline_mode = #tpu.pipeline_mode<synchronous>, transform_indices = @transform_7, window_bounds = array<i64: 1, 128>}, {pipeline_mode = #tpu.pipeline_mode<synchronous>, transform_indices = @transform_8, window_bounds = array<i64: 64, 128>}]} {
    %eq3A = arith.constant 0 : i32
    %eq3A_0 = arith.cmpi eq, %arg0, %eq3A : i32
    %convert_element_type3A = arith.extui %eq3A_0 : i1 to i32
    %cond3A = arith.constant 0 : i32
    %cond3A_1 = arith.cmpi ne, %convert_element_type3A, %cond3A : i32
    scf.if %cond3A_1 {
      %broadcast_in_dim3A_51 = arith.constant 0.000000e+00 : f32
      %broadcast_in_dim3A_52 = vector.broadcast %broadcast_in_dim3A_51 : f32 to vector<64x128xf32>
      %swap3A_53 = arith.constant 0 : index
      %swap3A_54 = arith.constant 0 : index
      %swap3A_55 = vector.load %arg10[%swap3A_53, %swap3A_54] : memref<64x128xf32, #tpu.memory_space<vmem>>, vector<64x128xf32>
      tpu.vector_store %arg10[%swap3A_53, %swap3A_54], %broadcast_in_dim3A_52 {strides = array<i32>} : memref<64x128xf32, #tpu.memory_space<vmem>>, vector<64x128xf32>,
      %broadcast_in_dim3A_56 = arith.constant 0.000000e+00 : f32
      %broadcast_in_dim3A_57 = vector.broadcast %broadcast_in_dim3A_56 : f32 to vector<64x128xf32>
      %swap3A_58 = arith.constant 0 : index
      %swap3A_59 = arith.constant 0 : index
      %swap3A_60 = vector.load %arg11[%swap3A_58, %swap3A_59] : memref<64x128xf32, #tpu.memory_space<vmem>>, vector<64x128xf32>
      tpu.vector_store %arg11[%swap3A_58, %swap3A_59], %broadcast_in_dim3A_57 {strides = array<i32>} : memref<64x128xf32, #tpu.memory_space<vmem>>, vector<64x128xf32>,
    } else {
    }
    %get3A = arith.constant 0 : index
    %get3A_2 = arith.constant 0 : index
    %get3A_3 = vector.load %arg4[%get3A, %get3A_2] : memref<1000x1xf32, #tpu.memory_space<vmem>>, vector<1000x1xf32>
    %get3A_4 = arith.constant 0 : index
    %get3A_5 = arith.constant 0 : index
    %get3A_6 = vector.load %arg1[%get3A_4, %get3A_5] : memref<1000x128xf32, #tpu.memory_space<vmem>>, vector<1000x128xf32>
    %get3A_7 = arith.constant 0 : index
    %get3A_8 = arith.constant 0 : index
    %get3A_9 = vector.load %arg2[%get3A_7, %get3A_8] : memref<1000x128xf32, #tpu.memory_space<vmem>>, vector<1000x128xf32>
    %add3A = arith.addf %get3A_6, %get3A_9 : vector<1000x128xf32>
    %get3A_10 = arith.constant 0 : index
    %get3A_11 = arith.constant 0 : index
    %get3A_12 = vector.load %arg3[%get3A_10, %get3A_11] : memref<1000x128xf32, #tpu.memory_space<vmem>>, vector<1000x128xf32>
    %add3A_13 = arith.addf %add3A, %get3A_12 : vector<1000x128xf32>
    %mul3A = vector.broadcast %get3A_3 : vector<1000x1xf32> to vector<1000x128xf32>
    %mul3A_14 = arith.mulf %mul3A, %add3A_13 : vector<1000x128xf32>
    %get3A_15 = arith.constant 0 : index
    %get3A_16 = arith.constant 0 : index
    %get3A_17 = vector.load %arg5[%get3A_15, %get3A_16] : memref<1x128xf32, #tpu.memory_space<vmem>>, vector<1x128xf32>
    %add3A_18 = vector.broadcast %get3A_17 : vector<1x128xf32> to vector<1000x128xf32>
    %add3A_19 = arith.addf %mul3A_14, %add3A_18 : vector<1000x128xf32>
    %max3A = arith.constant 0.000000e+00 : f32
    %max3A_20 = vector.broadcast %max3A : f32 to vector<1000x128xf32>
    %max3A_21 = arith.maximumf %add3A_19, %max3A_20 : vector<1000x128xf32>
    %iota3A = tpu.iota {dimensions = array<i32: 1>} : vector<1000x64xi32>
    %get3A_22 = arith.constant 0 : index
    %get3A_23 = arith.constant 0 : index
    %get3A_24 = vector.load %arg6[%get3A_22, %get3A_23] : memref<1000x1xi32, #tpu.memory_space<vmem>>, vector<1000x1xi32>
    %eq3A_25 = vector.broadcast %get3A_24 : vector<1000x1xi32> to vector<1000x64xi32>
    %eq3A_26 = arith.cmpi eq, %iota3A, %eq3A_25 : vector<1000x64xi32>
    %convert_element_type3A_27 = arith.extui %eq3A_26 : vector<1000x64xi1> to vector<1000x64xi32>
    %convert_element_type3A_28 = arith.sitofp %convert_element_type3A_27 : vector<1000x64xi32> to vector<1000x64xf32>
    %get3A_29 = arith.constant 0 : index
    %get3A_30 = arith.constant 0 : index
    %get3A_31 = vector.load %arg10[%get3A_29, %get3A_30] : memref<64x128xf32, #tpu.memory_space<vmem>>, vector<64x128xf32>
    %dot_general3A = arith.constant dense<0.000000e+00> : vector<64x128xf32>
    %dot_general3A_32 = tpu.matmul %convert_element_type3A_28, %max3A_21, %dot_general3A {dimension_numbers = #tpu.dot_dimension_numbers<[0], [0], [1], [1], [0, 1, 1, 1], [], []>, transpose_lhs_hint = false} : vector<1000x64xf32>, vector<1000x128xf32>, vector<64x128xf32> -> vector<64x128xf32>
    %add3A_33 = arith.addf %get3A_31, %dot_general3A_32 : vector<64x128xf32>
    %swap3A = arith.constant 0 : index
    %swap3A_34 = arith.constant 0 : index
    %swap3A_35 = vector.load %arg10[%swap3A, %swap3A_34] : memref<64x128xf32, #tpu.memory_space<vmem>>, vector<64x128xf32>
    tpu.vector_store %arg10[%swap3A, %swap3A_34], %add3A_33 {strides = array<i32>} : memref<64x128xf32, #tpu.memory_space<vmem>>, vector<64x128xf32>,
    %get3A_36 = arith.constant 0 : index
    %get3A_37 = arith.constant 0 : index
    %get3A_38 = vector.load %arg11[%get3A_36, %get3A_37] : memref<64x128xf32, #tpu.memory_space<vmem>>, vector<64x128xf32>
    %broadcast_in_dim3A = arith.constant 1.000000e+00 : f32
    %broadcast_in_dim3A_39 = vector.broadcast %broadcast_in_dim3A : f32 to vector<1000x128xf32>
    %dot_general3A_40 = arith.constant dense<0.000000e+00> : vector<64x128xf32>
    %dot_general3A_41 = tpu.matmul %convert_element_type3A_28, %broadcast_in_dim3A_39, %dot_general3A_40 {dimension_numbers = #tpu.dot_dimension_numbers<[0], [0], [1], [1], [0, 1, 1, 1], [], []>, transpose_lhs_hint = false} : vector<1000x64xf32>, vector<1000x128xf32>, vector<64x128xf32> -> vector<64x128xf32>
    %add3A_42 = arith.addf %get3A_38, %dot_general3A_41 : vector<64x128xf32>
    %swap3A_43 = arith.constant 0 : index
    %swap3A_44 = arith.constant 0 : index
    %swap3A_45 = vector.load %arg11[%swap3A_43, %swap3A_44] : memref<64x128xf32, #tpu.memory_space<vmem>>, vector<64x128xf32>
    tpu.vector_store %arg11[%swap3A_43, %swap3A_44], %add3A_42 {strides = array<i32>} : memref<64x128xf32, #tpu.memory_space<vmem>>, vector<64x128xf32>,
    %eq3A_46 = arith.constant 9 : i32
    %eq3A_47 = arith.cmpi eq, %arg0, %eq3A_46 : i32
    %convert_element_type3A_48 = arith.extui %eq3A_47 : i1 to i32
    %cond3A_49 = arith.constant 0 : i32
    %cond3A_50 = arith.cmpi ne, %convert_element_type3A_48, %cond3A_49 : i32
    scf.if %cond3A_50 {
      %get3A_51 = arith.constant 0 : index
      %get3A_52 = arith.constant 0 : index
      %get3A_53 = vector.load %arg10[%get3A_51, %get3A_52] : memref<64x128xf32, #tpu.memory_space<vmem>>, vector<64x128xf32>
      %get3A_54 = arith.constant 0 : index
      %get3A_55 = arith.constant 0 : index
      %get3A_56 = vector.load %arg11[%get3A_54, %get3A_55] : memref<64x128xf32, #tpu.memory_space<vmem>>, vector<64x128xf32>
      %max3A_57 = arith.constant 1.000000e+00 : f32
      %max3A_58 = vector.broadcast %max3A_57 : f32 to vector<64x128xf32>
      %max3A_59 = arith.maximumf %get3A_56, %max3A_58 : vector<64x128xf32>
      %div3A = arith.divf %get3A_53, %max3A_59 : vector<64x128xf32>
      %get3A_60 = arith.constant 0 : index
      %get3A_61 = arith.constant 0 : index
      %get3A_62 = vector.load %arg7[%get3A_60, %get3A_61] : memref<128x128xf32, #tpu.memory_space<vmem>>, vector<128x128xf32>
      %dot_general3A_63 = arith.constant dense<0.000000e+00> : vector<64x128xf32>
      %dot_general3A_64 = tpu.matmul %div3A, %get3A_62, %dot_general3A_63 {dimension_numbers = #tpu.dot_dimension_numbers<[1], [0], [0], [1], [0, 0, 1, 1], [], []>, transpose_lhs_hint = false} : vector<64x128xf32>, vector<128x128xf32>, vector<64x128xf32> -> vector<64x128xf32>
      %get3A_65 = arith.constant 0 : index
      %get3A_66 = arith.constant 0 : index
      %get3A_67 = vector.load %arg8[%get3A_65, %get3A_66] : memref<1x128xf32, #tpu.memory_space<vmem>>, vector<1x128xf32>
      %add3A_68 = vector.broadcast %get3A_67 : vector<1x128xf32> to vector<64x128xf32>
      %add3A_69 = arith.addf %dot_general3A_64, %add3A_68 : vector<64x128xf32>
      %swap3A_70 = arith.constant 0 : index
      %swap3A_71 = arith.constant 0 : index
      %swap3A_72 = vector.load %arg9[%swap3A_70, %swap3A_71] : memref<64x128xf32, #tpu.memory_space<vmem>>, vector<64x128xf32>
      tpu.vector_store %arg9[%swap3A_70, %swap3A_71], %add3A_69 {strides = array<i32>} : memref<64x128xf32, #tpu.memory_space<vmem>>, vector<64x128xf32>,
    } else {
    }
    return
  }
  func.func @transform_0(%arg0: i32) -> (i32, i32) {
    %c0_i32 = arith.constant 0 : i32
    %c0_i32_0 = arith.constant 0 : i32
    return %arg0, %c0_i32 : i32, i32
  }
  func.func @transform_1(%arg0: i32) -> (i32, i32) {
    %c0_i32 = arith.constant 0 : i32
    %c0_i32_0 = arith.constant 0 : i32
    return %arg0, %c0_i32 : i32, i32
  }
  func.func @transform_2(%arg0: i32) -> (i32, i32) {
    %c0_i32 = arith.constant 0 : i32
    %c0_i32_0 = arith.constant 0 : i32
    return %arg0, %c0_i32 : i32, i32
  }
  func.func @transform_3(%arg0: i32) -> (i32, i32) {
    %c0_i32 = arith.constant 0 : i32
    %c0_i32_0 = arith.constant 0 : i32
    return %arg0, %c0_i32 : i32, i32
  }
  func.func @transform_4(%arg0: i32) -> (i32, i32) {
    %c0_i32 = arith.constant 0 : i32
    %c0_i32_0 = arith.constant 0 : i32
    %c0_i32_1 = arith.constant 0 : i32
    return %c0_i32, %c0_i32_0 : i32, i32
  }
  func.func @transform_5(%arg0: i32) -> (i32, i32) {
    %c0_i32 = arith.constant 0 : i32
    %c0_i32_0 = arith.constant 0 : i32
    return %arg0, %c0_i32 : i32, i32
  }
  func.func @transform_6(%arg0: i32) -> (i32, i32) {
    %c0_i32 = arith.constant 0 : i32
    %c0_i32_0 = arith.constant 0 : i32
    %c0_i32_1 = arith.constant 0 : i32
    return %c0_i32, %c0_i32_0 : i32, i32
  }
  func.func @transform_7(%arg0: i32) -> (i32, i32) {
    %c0_i32 = arith.constant 0 : i32
    %c0_i32_0 = arith.constant 0 : i32
    %c0_i32_1 = arith.constant 0 : i32
    return %c0_i32, %c0_i32_0 : i32, i32
  }
  func.func @transform_8(%arg0: i32) -> (i32, i32) {
    %c0_i32 = arith.constant 0 : i32
    %c0_i32_0 = arith.constant 0 : i32
    %c0_i32_1 = arith.constant 0 : i32
    return %c0_i32, %c0_i32_0 : i32, i32
  }
}

</mosaic_0001>

<sc_bundles>
// kernel: _impl.11.cloned.1.call-start
scs
__scs_entry_jumppad:
0x0: {  	(pc) =	sbr.rel $0x88, $3  }
0x1: {  	(tag) =	ssettag $0x0;
	lr =	simm.s32 $0x1  }
0x2: {  	[smem:$0x3F98] =	sst lr;
	_ =	strace $0xD0000000  }
0x3: {  	_ = 	snop  }
0x4: {  	_ = 	snop  }
0x5: {  	_ = 	snop  }
0x6: {  	_ = 	snop  }
0x7: {  	_ = 	snop  }
__scs_overlays_trampoline_lowered:
0x8: {  	[smem:$0x3FA7] =	sst s0  }
0x9: {  	[smem:$0x3FA8] =	sst s1  }
0xa: {  	[smem:$0x3FA9] =	sst s2  }
0xb: {  	[smem:$0x3FAA] =	sst s3  }
0xc: {  	[smem:$0x3FAB] =	sst s4  }
0xd: {  	[smem:$0x3FAC] =	sst s5  }
0xe: {  	[smem:$0x3FAD] =	sst s6  }
0xf: {  	[smem:$0x3FAE] =	sst s7  }
0x10: {  	[smem:$0x3FAF] =	sst s8  }
0x11: {  	[smem:$0x3FB0] =	sst s9;
	s0 =	simm.s32 @!p0 $0x0  }
0x12: {  	s1 =	sld [smem:$0x3F96];
	s0 =	simm.s32 @p0 $0x1  }
0x13: {  	[smem:$0x3FB1] =	sst s0;
	s0 =	simm.s32 @!p1 $0x0  }
0x14: {  	s2 =	sld [smem:$0x3F95];
	s0 =	simm.s32 @p1 $0x1  }
0x15: {  	[smem:$0x3FB2] =	sst s0;
	s0 =	simm.s32 @!p2 $0x0  }
0x16: {  	s3 =	sld [smem:$0x3FDB];
	s0 =	simm.s32 @p2 $0x1  }
0x17: {  	s4 =	simm.s32 $0x1BF5;
	[smem:$0x3FB4] =	sst s0  }
0x18: {  	s0 =	sld [smem:$0x3F97];
	_ =	swait.ge [sflag:s4], $0x0  }
0x19: {  	s7 =	sld [smem:$0x3F98]  }
0x1a: {  	s8 =	sadd.s32 $0xFFFFE003, lr  }
0x1b: {  	s9 =	sadd.s32 $0xFFFFFEF7, lr;
	s5 =	simm.s32 $0xFFFFFFFF;
	p2 =	slt.u32 s8, $0xFFFFF086  }
0x1c: {  	p1 =	slt.u32 s9, $0xF7A;
	s5 =	simm.s32 @!p2 $0x0  }
0x1d: {  	s5 =	simm.s32 @p1 $0x1;
	p0 =	seq.s32 s7, s2  }
0x1e: {  	s7 =	smul.u32 @!p0 $0xF7A, s2;
	p2 =	seq.s32 @!p0 s5, $0x0  }
0x1f: {  	s9 =	smul.u32 $0xF7A, s1;
	s8 =	simm.s32 @!p0 $0x1BF5;
	p2 =	por !p2, p0  }
0x20: {  	[sflag:s8] =	ssyncset.s32 @!p0 $0xFFFFF086;
	s6 =	sadd.s32 @!p0 s3, s7;
	s7 =	simm.s32 @!p0 $0x108  }
0x21: {  	s3 =	sadd.s32 s3, s9;
	s6 =	sadd.s32 @!p0 $0x88, s6;
	s7 =	simm.s32 @p2 $0x1082  }
0x22: {  	[simem:s7], [sflag:s8] =	dma.local @!p0 [hbm:s6], $0xF7A  }
0x23: {  	s9 =	sor.u32 $0xD0000000, s2;
	s6 =	simm.s32 $0x108;
	_ =	swait.ge @!p0 [sflag:s8], $0x0  }
0x24: {  	s3 =	sadd.s32 $0x88, s3;
	s6 =	simm.s32 @!p1 $0x1082;
	[sflag:s4] =	ssyncset.s32 $0xFFFFF086  }
0x25: {  	[simem:s6], [sflag:s4] =	dma.local [hbm:s3], $0xF7A  }
0x26: {  	[smem:$0x3F98] =	sst s1;
	(tag) =	ssettag s2;
	_ =	strace s9  }
0x27: {  	s1 =	sld [smem:$0x3FA8]  }
0x28: {  	s2 =	sld [smem:$0x3FA9]  }
0x29: {  	s4 =	sld [smem:$0x3FAB]  }
0x2a: {  	p0 =	seq.s32 s5, $0x0;
	s5 =	sld [smem:$0x3FAC]  }
0x2b: {  	s6 =	sld [smem:$0x3FAD]  }
0x2c: {  	s7 =	sld [smem:$0x3FAE]  }
0x2d: {  	s3 =	simm.s32 $0x108;
	s8 =	sld [smem:$0x3FAF]  }
0x2e: {  	s3 =	simm.s32 @!p0 $0x1082;
	s9 =	sld [smem:$0x3FB0]  }
0x2f: {  	lr =	sadd.s32 s0, s3;
	s0 =	sld [smem:$0x3FA7]  }
0x30: {  	s3 =	sld [smem:$0x3FAA]  }
0x31: {  	[smem:$0x3FB3] =	sst s10  }
0x32: {  	s10 =	sld [smem:$0x3FB1];
	_ =	sdelay $0x3  }
0x33: {  	p0 =	seq.s32 s10, $0x1;
	s10 =	sld [smem:$0x3FB3];
	_ =	sdelay $0x3  }
0x34: {  	[smem:$0x3FB3] =	sst s10  }
0x35: {  	s10 =	sld [smem:$0x3FB2];
	_ =	sdelay $0x3  }
0x36: {  	p1 =	seq.s32 s10, $0x1;
	s10 =	sld [smem:$0x3FB3];
	_ =	sdelay $0x3  }
0x37: {  	[smem:$0x3FB3] =	sst s10  }
0x38: {  	s10 =	sld [smem:$0x3FB4]  }
0x39: {  	_ = 	snop;
	(pc) =	sbr.ind lr, $3  }
0x3a: {  	_ = 	snop  }
0x3b: {  	_ = 	snop  }
0x3c: {  	p2 =	seq.s32 s10, $0x1;
	s10 =	sld [smem:$0x3FB3]  }
0x3d: {  	_ =	shalt  }
0x3e: {  	_ =	shalt  }
0x3f: {  	_ =	shalt  }
0x40: {  	_ =	shalt  }
0x41: {  	_ =	shalt  }
0x42: {  	_ =	shalt  }
0x43: {  	_ =	shalt  }
0x44: {  	_ =	shalt  }
0x45: {  	_ =	shalt  }
0x46: {  	_ =	shalt  }
0x47: {  	_ =	shalt  }
0x48: {  	_ =	shalt  }
0x49: {  	_ =	shalt  }
0x4a: {  	_ =	shalt  }
0x4b: {  	_ =	shalt  }
0x4c: {  	_ =	shalt  }
0x4d: {  	_ =	shalt  }
0x4e: {  	_ =	shalt  }
0x4f: {  	_ =	shalt  }
0x50: {  	_ =	shalt  }
0x51: {  	_ =	shalt  }
0x52: {  	_ =	shalt  }
0x53: {  	_ =	shalt  }
0x54: {  	_ =	shalt  }
0x55: {  	_ =	shalt  }
0x56: {  	_ =	shalt  }
0x57: {  	_ =	shalt  }
0x58: {  	_ =	shalt  }
0x59: {  	_ =	shalt  }
0x5a: {  	_ =	shalt  }
0x5b: {  	_ =	shalt  }
0x5c: {  	_ =	shalt  }
0x5d: {  	_ =	shalt  }
0x5e: {  	_ =	shalt  }
0x5f: {  	_ =	shalt  }
0x60: {  	_ =	shalt  }
0x61: {  	_ =	shalt  }
0x62: {  	_ =	shalt  }
0x63: {  	_ =	shalt  }
0x64: {  	_ =	shalt  }
0x65: {  	_ =	shalt  }
0x66: {  	_ =	shalt  }
0x67: {  	_ =	shalt  }
0x68: {  	_ =	shalt  }
0x69: {  	_ =	shalt  }
0x6a: {  	_ =	shalt  }
0x6b: {  	_ =	shalt  }
0x6c: {  	_ =	shalt  }
0x6d: {  	_ =	shalt  }
0x6e: {  	_ =	shalt  }
0x6f: {  	_ =	shalt  }
0x70: {  	_ =	shalt  }
0x71: {  	_ =	shalt  }
0x72: {  	_ =	shalt  }
0x73: {  	_ =	shalt  }
0x74: {  	_ =	shalt  }
0x75: {  	_ =	shalt  }
0x76: {  	_ =	shalt  }
0x77: {  	_ =	shalt  }
0x78: {  	_ =	shalt  }
0x79: {  	_ =	shalt  }
0x7a: {  	_ =	shalt  }
0x7b: {  	_ =	shalt  }
0x7c: {  	_ =	shalt  }
0x7d: {  	_ =	shalt  }
0x7e: {  	_ =	shalt  }
0x7f: {  	_ =	shalt  }
0x80: {  	_ =	shalt  }
0x81: {  	_ =	shalt  }
0x82: {  	_ =	shalt  }
0x83: {  	_ =	shalt  }
0x84: {  	_ =	shalt  }
0x85: {  	_ =	shalt  }
0x86: {  	_ =	shalt  }
0x87: {  	_ =	shalt  }
.Lfunc_end0:
.L_simem_size_0:
called_computation.1_lowered:
.L_overlay_start_0:
0x88: {  	s2 =	sld [smem:$0x3FD9]  }
0x89: {  	s3 =	sld [smem:$0x3FFE];
	_ =	sdelay $0x1  }
0x8a: {  	s1 =	srdreg.scid  }
0x8b: {  	s0 =	sand.u32 $0x1, s1  }
0x8c: {  	s16 =	sshll.u32 s0, $0xA;
	s2 =	sadd.s32 s3, s2  }
0x8d: {  	s2 =	sadd.s32 s2, s16  }
0x8e: {  	[smem:$0x3FBF] =	sst s2  }
0x8f: {  	_ = 	snop  }
0x90: {  	(tm) =	ssettm $0x1  }
0x91: {  	s17 =	sld [smem:$0x3FFB];
	_ =	sdelay $0x3  }
0x92: {  	_ =	strace s17  }
0x93: {  	s2 =	sld [smem:$0x3FFC];
	_ =	sdelay $0x3  }
0x94: {  	_ =	strace s2  }
0x95: {  	s2 =	sld [smem:$0x3FFD];
	_ =	sdelay $0x3  }
0x96: {  	_ =	strace s2  }
0x97: {  	_ =	strace $0x8FFFFFFF  }
0x98: {  	s18 =	sld [smem:$0x3FDB];
	_ =	sdelay $0x1  }
0x99: {  	s19 =	simm.s32 $_scs_section_size  }
0x9a: {  	s4 =	simm.s32 $_size__tile_overlayer_lowered;
	s5 =	simm.s32 $_tile_overlayer_lowered  }
0x9b: {  	s22 =	simm.s32 $0x1BFF;
	s21 =	sshll.u32 s5, $0x1;
	s2 =	sadd.s32 s19, s18  }
0x9c: {  	s6 =	simm.s32 $0x0;
	s20 =	sshll.u32 s4, $0x1;
	s4 =	sadd.s32 s21, s2  }
0x9d: {  	[timem:s6], [sflag:s22] =	dma.local [hbm:s4], s20  }
0x9e: {  	_ =	swait.ge [sflag:s22], s20  }
0x9f: {  	s3 =	ssub.s32 $0x0, s20;
	[sflag:s22] =	ssyncset.done $0x0  }
0xa0: {  	[sflag:s22] =	ssyncadd.s32 s3;
	_ =	sdelay $0x1  }
0xa1: {  	s23 =	simm.s32 $0x1B8B  }
0xa2: {  	_ =	swait.ge [sflag:s23], $0x1  }
0xa3: {  	[sflag:s23] =	ssyncset.done $0x0  }
0xa4: {  	s25 =	simm.s32 $0x1B8E;
	s24 =	sld [smem:$0x3FFE];
	[sflag:s23] =	ssyncadd.s32 $0xFFFFFFFF  }
0xa5: {  	s26 =	simm.s32 $execute0_lowered;
	[smem:$0x3FD2] =	sst s25  }
0xa6: {  	s4 =	sshll.u32 s26, $0x1;
	_ =	strace $0x80000049;
	[dreg:$0x1] =	wrdreg $0xFFFFFFFF  }
0xa7: {  	s28 =	simm.s32 $_size_execute0_lowered;
	s2 =	sadd.s32 s2, s4;
	[dreg:$0x0] =	wrdreg $0x0  }
0xa8: {  	s4 =	sshll.u32 s28, $0x1;
	[dreg:$0x2] =	wrdreg s2  }
0xa9: {  	[dreg:$0x3] =	wrdreg s4  }
0xaa: {  	[dreg:$0x4] =	wrdreg $0xC0  }
0xab: {  	_ =	task [dreg:s6], $0x5FFFF  }
0xac: {  	[dreg:$0x1] =	wrdreg $0xFFFFFFFF  }
0xad: {  	[dreg:$0x0] =	wrdreg $0x60  }
0xae: {  	[dreg:$0x2] =	wrdreg s24  }
0xaf: {  	[dreg:$0x3] =	wrdreg $0xB8000  }
0xb0: {  	[dreg:$0x4] =	wrdreg $0x9  }
0xb1: {  	_ =	task.clear_ibuf [dreg:s6], $0x5FFFF;
	_ =	strace $0x90000049  }
0xb2: {  	s29 =	simm.s32 $0x9;
	_ =	strace $0x8000004B  }
0xb3: {  	_ =	swait.ge [sflag:s29], $0x1  }
0xb4: {  	[sflag:s29] =	ssyncadd.s32 $0xFFFFFFFF  }
0xb5: {  	_ =	strace $0x9000004B  }
0xb6: {  	_ =	sfence  }
0xb7: {  	s30 =	sld [smem:$0x0];
	_ =	sdelay $0x2  }
0xb8: {  	s31 =	sshll.u32 s1, $0xD;
	s1 =	sshrl.u32 s1, $0x2  }
0xb9: {  	s3 =	sand.u32 $0x4000, s31;
	s1 =	sadd.s32 s1, s30  }
0xba: {  	s0 =	sor.u32 s3, s0;
	s1 =	sshll.u32 s1, $0x11  }
0xbb: {  	s0 =	sor.u32 s1, s0  }
0xbc: {  	s0 =	sadd.s32 $0x8F2B, s0  }
0xbd: {  	[sflag:s0] =	ssyncadd.remote.s32 $0x1  }
0xbe: {  	_ =	sfence.sel $0xFFFF  }
0xbf: {  	[dreg:$0x0] =	wrdreg $0xFFFFFFFF;
	(pc) =	sbr.abs _section_cstart, $3  }
0xc0: {  	[dreg:$0x1] =	wrdreg $0xFFFFFFFF  }
0xc1: {  	_ =	task.clear_ibuf [dreg:s6], $0x2FFFF;
	_ =	strace $0x9FFFFFFF  }
0xc2: {  	(tm) =	ssettm $0x7FFFFFFF  }
0xc3: {  	_ =	shalt  }
tec
execute0_lowered:
.L_overlay_start_1:
0x0: {  	(tag) =	ssettag $0x1  }
0x1: {  	s0 =	rddreg [dreg:$0x0]  }
0x2: {  	s1 =	rddreg [dreg:$0x1];
	s2 =	simm.s32 $0x0  }
0x3: {  	s4 =	srdreg.scid;
	s14 =	stileid.u32;
	s7 =	simm.s32 $0x5  }
0x4: {  	s15 =	simm.s32 $0x4000;
	s16 =	simm.s32 $0x7;
	s17 =	simm.s32 $0x2000  }
0x5: {  	s18 =	simm.s32 $0x50;
	s19 =	simm.s32 $0x80;
	s20 =	simm.s32 $0x6800  }
0x6: {  	s21 =	simm.s32 $0x1;
	s22 =	simm.s32 $0x100;
	s23 =	simm.s32 $0x9000  }
0x7: {  	s24 =	simm.s32 $0x2;
	s25 =	simm.s32 $0x4;
	s28 =	simm.s32 $0x6  }
0x8: {  	[smem:$0x7FF] =	sst s2;
	s3 =	sadd.s32 $0x24800, s0;
	s4 =	sand.u32 $0x1, s4  }
0x9: {  	s10 =	sadd.s32 $0x14800, s0;
	s11 =	sadd.s32 $0x3E00, s0;
	s5 =	sadd.s32 $0x72C00, s0  }
0xa: {  	p0 =	seq.s32 s14, $0xF;
	s8 =	sshll.u32 s14, $0xC;
	s13 =	smul.u32 $0x50000, s14  }
0xb: {  	s14 =	smul.u32 $0x14000, s14;
	_ =	strace $0x8000004A;
	s6 =	ssub.s32 $0x2, s4  }
0xc: {  	s9 =	sshll.u32 s4, $0xB;
	s7 =	simm.s32 @!p0 $0x8;
	s4 =	smul.u32 $0x138800, s4  }
0xd: {  	s26 =	sshrl.u32 s6, $0x1;
	s9 =	sor.u32 s9, s8;
	s31 =	sshrl.u32 s13, $0x2  }
0xe: {  	s0 =	ssub.s32 s6, s26;
	s6 =	simm.s32 $0x5;
	s8 =	sadd.s32 s10, s9  }
0xf: {  	s12 =	sor.u32 $0x400, s9;
	s9 =	sadd.s32 s11, s9;
	s30 =	sadd.s32 s31, s1  }
0x10: {  	s29 =	sadd.s32 s14, s4;
	s26 =	simm.s32 $0x3;
	s10 =	sadd.s32 s10, s12  }
0x11: {  	v0 =	vimm.f32 $0.0e+00;
	s11 =	sadd.s32 s11, s12;
	s12 =	smax.u32 s0, $0x1;
	s0 =	simm.s32 $0x0  }
.LBB2_1:
0x12: {  	s4 =	simm.s32 $0x70;
	s13 =	simm.s32 $0x3C0  }
.LBB2_2:
0x13: {  	p0 =	sne.s32 s13, $0x9FC0;
	[tilespmem:s4+$0x4000] =	vst v0  }
0x14: {  	[tilespmem:s4+$0x3F90] =	vst v0  }
0x15: {  	[tilespmem:s4+$0x3FA0] =	vst v0  }
.Ltmp0:
0x16: {  	[tilespmem:s4+$0x3FB0] =	vst v0;
	(pc) =	sbr.rel @p0 .LBB2_2-.Ltmp0, $4  }
0x17: {  	[tilespmem:s4+$0x3FC0] =	vst v0  }
0x18: {  	[tilespmem:s4+$0x3FD0] =	vst v0  }
0x19: {  	[tilespmem:s4+$0x3FE0] =	vst v0  }
0x1a: {  	[tilespmem:s4+$0x3FF0] =	vst v0;
	s4 =	sshra.s32 s13, $0x2;
	s13 =	sadd.s32 $0x200, s13  }
0x1b: {  	[tilespmem:s4+$0x4000] =	vst v0  }
0x1c: {  	[tilespmem:s4+$0x3F90] =	vst v0  }
0x1d: {  	[tilespmem:s4+$0x3FA0] =	vst v0  }
0x1e: {  	[tilespmem:s4+$0x3FB0] =	vst v0  }
0x1f: {  	[tilespmem:s4+$0x3FC0] =	vst v0  }
0x20: {  	[tilespmem:s4+$0x3FD0] =	vst v0;
	p0 =	sne.s32 s7, $0x1  }
.Ltmp1:
0x21: {  	[tilespmem:s4+$0x3FE0] =	vst v0;
	(pc) =	sbr.rel @!p0 .LBB2_5-.Ltmp1, $4  }
0x22: {  	[tilespmem:s4+$0x3FF0] =	vst v0  }
0x23: {  	[spmem:s30] =	stream.linear.scatter [tilespmem:s15], [sflag:$0x7], $0x2800, $0x38;
	[tilespmem:$0x1F080] =	vst v63  }
0x24: {  	_ =	swait.ge [sflag:s16], $0x2800  }
0x25: {  	s4 =	sadd.s32 $0xFFFFFFFF, s7;
	s13 =	smov.u32 s30;
	[sflag:s16] =	ssyncset.done $0x0  }
.LBB2_4:
0x26: {  	p1 =	sne.s32 s4, $0x1;
	[sflag:s16] =	ssyncadd.s32 $0xFFFFD800;
	s13 =	sadd.s32 $0x2800, s13  }
.Ltmp2:
0x27: {  	s4 =	sadd.s32 $0xFFFFFFFF, s4;
	(pc) =	sbr.rel @p1 .LBB2_4-.Ltmp2, $4  }
0x28: {  	_ = 	snop  }
0x29: {  	[spmem:s13] =	stream.linear.scatter [tilespmem:s15], [sflag:$0x7], $0x2800, $0x38;
	[tilespmem:$0x1F080] =	vst v63  }
0x2a: {  	_ =	swait.ge [sflag:s16], $0x2800  }
0x2b: {  	[sflag:s16] =	ssyncset.done $0x0  }
.LBB2_5:
0x2c: {  	[sflag:s16] =	ssyncadd.s32 $0xFFFFD800;
	s4 =	simm.s32 $0x0  }
0x2d: {  	[tilespmem:s4], [sflag:$0x7] =	stream.linear.gather [hbm4b:s8+s4], $0x2000, $0x38;
	[tilespmem:$0x1F080] =	vst v63  }
0x2e: {  	_ =	swait.ge [sflag:s16], $0x2000  }
0x2f: {  	[sflag:s16] =	ssyncset.done $0x0  }
0x30: {  	[sflag:s16] =	ssyncadd.s32 $0xFFFFE000  }
0x31: {  	[tilespmem:s17], [sflag:$0x7] =	stream.linear.gather [hbm4b:s9+s4], $0x2000, $0x38;
	[tilespmem:$0x1F080] =	vst v63  }
0x32: {  	_ =	swait.ge [sflag:s16], $0x2000  }
0x33: {  	[sflag:s16] =	ssyncset.done $0x0  }
0x34: {  	[sflag:s16] =	ssyncadd.s32 $0xFFFFE000  }
0x35: {  	[bflag:$0x0] =	sbarrier.arrive $0xFFFF  }
0x36: {  	[tilespmem:s15], [sflag:$0x1] =	stream.indirect.gather [hbm4b:s3+s18], $0x80, s4, s18, $0xb8;
	[tilespmem:$0x1F080] =	vst v63  }
0x37: {  	_ = 	snop  }
0x38: {  	[tilespmem:s20], [sflag:$0x2] =	stream.indirect.gather [hbm4b:s3+s18], $0x80, s19, s18, $0xb8;
	[tilespmem:$0x1F080] =	vst v63  }
0x39: {  	_ =	swait.ge [sflag:s21], $0x2800  }
0x3a: {  	[sflag:s21] =	ssyncset.done $0x0  }
0x3b: {  	[sflag:s21] =	ssyncadd.s32 $0xFFFFD800  }
0x3c: {  	[spmem:s1] =	stream.indirect.scatter.add.f32 [tilespmem:s15], [sflag:$0x4], $0x80, s17, s18, $0xb8;
	[tilespmem:$0x1F080] =	vst v63  }
0x3d: {  	_ = 	snop  }
0x3e: {  	[tilespmem:s23], [sflag:$0x3] =	stream.indirect.gather [hbm4b:s3+s18], $0x80, s22, s18, $0xb8;
	[tilespmem:$0x1F080] =	vst v63  }
0x3f: {  	_ =	swait.ge [sflag:s24], $0x2800  }
0x40: {  	[sflag:s24] =	ssyncset.done $0x0  }
0x41: {  	s14 =	simm.s32 $0x2080;
	[sflag:s24] =	ssyncadd.s32 $0xFFFFD800  }
0x42: {  	[spmem:s1] =	stream.indirect.scatter.add.f32 [tilespmem:s20], [sflag:$0x5], $0x80, s14, s18, $0xb8;
	[tilespmem:$0x1F080] =	vst v63  }
0x43: {  	_ =	swait.ge [sflag:s25], $0x2800  }
0x44: {  	[sflag:s25] =	ssyncset.done $0x0  }
0x45: {  	s31 =	simm.s32 $0x180;
	[sflag:s25] =	ssyncadd.s32 $0xFFFFD800  }
0x46: {  	[tilespmem:s15], [sflag:$0x1] =	stream.indirect.gather [hbm4b:s3+s18], $0x80, s31, s18, $0xb8;
	[tilespmem:$0x1F080] =	vst v63  }
0x47: {  	_ =	swait.ge [sflag:s26], $0x2800  }
0x48: {  	[sflag:s26] =	ssyncset.done $0x0  }
0x49: {  	s13 =	simm.s32 $0x2100;
	[sflag:s26] =	ssyncadd.s32 $0xFFFFD800  }
0x4a: {  	[spmem:s1] =	stream.indirect.scatter.add.f32 [tilespmem:s23], [sflag:$0x6], $0x80, s13, s18, $0xb8;
	[tilespmem:$0x1F080] =	vst v63  }
0x4b: {  	_ =	swait.ge [sflag:s6], $0x2800  }
0x4c: {  	[sflag:s6] =	ssyncset.done $0x0  }
0x4d: {  	s14 =	simm.s32 $0x200;
	[sflag:s6] =	ssyncadd.s32 $0xFFFFD800  }
0x4e: {  	[tilespmem:s20], [sflag:$0x2] =	stream.indirect.gather [hbm4b:s3+s18], $0x80, s14, s18, $0xb8;
	[tilespmem:$0x1F080] =	vst v63  }
0x4f: {  	_ =	swait.ge [sflag:s21], $0x2800  }
0x50: {  	[sflag:s21] =	ssyncset.done $0x0  }
0x51: {  	s31 =	simm.s32 $0x2180;
	[sflag:s21] =	ssyncadd.s32 $0xFFFFD800  }
0x52: {  	[spmem:s1] =	stream.indirect.scatter.add.f32 [tilespmem:s15], [sflag:$0x4], $0x80, s31, s18, $0xb8;
	[tilespmem:$0x1F080] =	vst v63  }
0x53: {  	_ =	swait.ge [sflag:s28], $0x2800  }
0x54: {  	[sflag:s28] =	ssyncset.done $0x0  }
0x55: {  	s4 =	simm.s32 $0x600;
	s13 =	simm.s32 $0x280;
	[sflag:s28] =	ssyncadd.s32 $0xFFFFD800  }
.LBB2_6:
0x56: {  	[tilespmem:s23], [sflag:$0x3] =	stream.indirect.gather [hbm4b:s3+s18], $0x80, s13, s18, $0xb8;
	[tilespmem:$0x1F080] =	vst v63  }
0x57: {  	s13 =	smov.u32 s4  }
0x58: {  	p1 =	sne.s32 s4, $0x7200;
	s4 =	sadd.s32 $0x600, s4;
	_ =	swait.ge [sflag:s24], $0x2800  }
0x59: {  	s13 =	sshra.s32 s13, $0x2;
	[sflag:s24] =	ssyncset.done $0x0  }
0x5a: {  	s14 =	sadd.s32 $0x2080, s13;
	[sflag:s24] =	ssyncadd.s32 $0xFFFFD800  }
0x5b: {  	[spmem:s1] =	stream.indirect.scatter.add.f32 [tilespmem:s20], [sflag:$0x5], $0x80, s14, s18, $0xb8;
	[tilespmem:$0x1F080] =	vst v63  }
0x5c: {  	_ =	swait.ge [sflag:s25], $0x2800  }
0x5d: {  	[sflag:s25] =	ssyncset.done $0x0  }
0x5e: {  	s14 =	sadd.s32 $0x180, s13;
	[sflag:s25] =	ssyncadd.s32 $0xFFFFD800  }
0x5f: {  	[tilespmem:s15], [sflag:$0x1] =	stream.indirect.gather [hbm4b:s3+s18], $0x80, s14, s18, $0xb8;
	[tilespmem:$0x1F080] =	vst v63  }
0x60: {  	_ =	swait.ge [sflag:s26], $0x2800  }
0x61: {  	[sflag:s26] =	ssyncset.done $0x0  }
0x62: {  	s14 =	sadd.s32 $0x2100, s13;
	[sflag:s26] =	ssyncadd.s32 $0xFFFFD800  }
0x63: {  	[spmem:s1] =	stream.indirect.scatter.add.f32 [tilespmem:s23], [sflag:$0x6], $0x80, s14, s18, $0xb8;
	[tilespmem:$0x1F080] =	vst v63  }
0x64: {  	_ =	swait.ge [sflag:s6], $0x2800  }
0x65: {  	[sflag:s6] =	ssyncset.done $0x0  }
0x66: {  	s14 =	sadd.s32 $0x200, s13;
	[sflag:s6] =	ssyncadd.s32 $0xFFFFD800  }
0x67: {  	[tilespmem:s20], [sflag:$0x2] =	stream.indirect.gather [hbm4b:s3+s18], $0x80, s14, s18, $0xb8;
	[tilespmem:$0x1F080] =	vst v63  }
0x68: {  	_ =	swait.ge [sflag:s21], $0x2800  }
0x69: {  	[sflag:s21] =	ssyncset.done $0x0  }
.Ltmp3:
0x6a: {  	s14 =	sadd.s32 $0x2180, s13;
	[sflag:s21] =	ssyncadd.s32 $0xFFFFD800;
	(pc) =	sbr.rel @p1 .LBB2_6-.Ltmp3, $4  }
0x6b: {  	[spmem:s1] =	stream.indirect.scatter.add.f32 [tilespmem:s15], [sflag:$0x4], $0x80, s14, s18, $0xb8;
	[tilespmem:$0x1F080] =	vst v63  }
0x6c: {  	_ =	swait.ge [sflag:s28], $0x2800  }
0x6d: {  	[sflag:s28] =	ssyncset.done $0x0  }
0x6e: {  	s13 =	sadd.s32 $0x280, s13;
	[sflag:s28] =	ssyncadd.s32 $0xFFFFD800  }
0x6f: {  	[tilespmem:s23], [sflag:$0x3] =	stream.indirect.gather [hbm4b:s3+s18], $0x80, s13, s18, $0xb8;
	[tilespmem:$0x1F080] =	vst v63  }
0x70: {  	_ =	swait.ge [sflag:s24], $0x2800  }
0x71: {  	[sflag:s24] =	ssyncset.done $0x0  }
0x72: {  	s4 =	simm.s32 $0x3E80;
	[sflag:s24] =	ssyncadd.s32 $0xFFFFD800  }
0x73: {  	[spmem:s1] =	stream.indirect.scatter.add.f32 [tilespmem:s20], [sflag:$0x5], $0x80, s4, s18, $0xb8;
	[tilespmem:$0x1F080] =	vst v63  }
0x74: {  	_ =	swait.ge [sflag:s25], $0x2800  }
0x75: {  	[sflag:s25] =	ssyncset.done $0x0  }
0x76: {  	s13 =	simm.s32 $0x1F80;
	[sflag:s25] =	ssyncadd.s32 $0xFFFFD800  }
0x77: {  	[tilespmem:s15], [sflag:$0x1] =	stream.indirect.gather [hbm4b:s3+s18], $0x80, s13, s18, $0xb8;
	[tilespmem:$0x1F080] =	vst v63  }
0x78: {  	_ =	swait.ge [sflag:s26], $0x2800  }
0x79: {  	[sflag:s26] =	ssyncset.done $0x0  }
0x7a: {  	s14 =	simm.s32 $0x3F00;
	[sflag:s26] =	ssyncadd.s32 $0xFFFFD800  }
0x7b: {  	[spmem:s1] =	stream.indirect.scatter.add.f32 [tilespmem:s23], [sflag:$0x6], $0x80, s14, s18, $0xb8;
	[tilespmem:$0x1F080] =	vst v63  }
0x7c: {  	_ =	swait.ge [sflag:s6], $0x2800  }
0x7d: {  	[sflag:s6] =	ssyncset.done $0x0  }
0x7e: {  	[sflag:s6] =	ssyncadd.s32 $0xFFFFD800  }
0x7f: {  	_ =	swait.ge [sflag:s21], $0x2800  }
0x80: {  	[sflag:s21] =	ssyncset.done $0x0  }
0x81: {  	s31 =	simm.s32 $0x3F80;
	[sflag:s21] =	ssyncadd.s32 $0xFFFFD800  }
0x82: {  	[spmem:s1] =	stream.indirect.scatter.add.f32 [tilespmem:s15], [sflag:$0x4], $0x80, s31, s18, $0xb8;
	[tilespmem:$0x1F080] =	vst v63  }
0x83: {  	_ =	swait.ge [sflag:s28], $0x2800  }
0x84: {  	[sflag:s28] =	ssyncset.done $0x0  }
0x85: {  	[sflag:s28] =	ssyncadd.s32 $0xFFFFD800  }
0x86: {  	_ =	swait.ge [sflag:s25], $0x2800  }
0x87: {  	[sflag:s25] =	ssyncset.done $0x0  }
0x88: {  	s13 =	simm.s32 $0x0;
	[sflag:s25] =	ssyncadd.s32 $0xFFFFD800  }
0x89: {  	[tilespmem:s13], [sflag:$0x7] =	stream.linear.gather [hbm4b:s10+s13], $0x1E80, $0x38;
	[tilespmem:$0x1F080] =	vst v63  }
0x8a: {  	_ =	swait.ge [sflag:s16], $0x1E80  }
0x8b: {  	[sflag:s16] =	ssyncset.done $0x0  }
0x8c: {  	[sflag:s16] =	ssyncadd.s32 $0xFFFFE180  }
0x8d: {  	[tilespmem:s17], [sflag:$0x7] =	stream.linear.gather [hbm4b:s11+s13], $0x1E80, $0x38;
	[tilespmem:$0x1F080] =	vst v63  }
0x8e: {  	_ =	swait.ge [sflag:s16], $0x1E80  }
0x8f: {  	[sflag:s16] =	ssyncset.done $0x0  }
0x90: {  	[sflag:s16] =	ssyncadd.s32 $0xFFFFE180  }
0x91: {  	[tilespmem:s15], [sflag:$0x1] =	stream.indirect.gather [hbm4b:s3+s18], $0x80, s13, s18, $0xb8;
	[tilespmem:$0x1F080] =	vst v63  }
0x92: {  	_ = 	snop  }
0x93: {  	[tilespmem:s20], [sflag:$0x2] =	stream.indirect.gather [hbm4b:s3+s18], $0x80, s19, s18, $0xb8;
	[tilespmem:$0x1F080] =	vst v63  }
0x94: {  	_ =	swait.ge [sflag:s21], $0x2800  }
0x95: {  	[sflag:s21] =	ssyncset.done $0x0  }
0x96: {  	[sflag:s21] =	ssyncadd.s32 $0xFFFFD800  }
0x97: {  	[spmem:s1] =	stream.indirect.scatter.add.f32 [tilespmem:s15], [sflag:$0x4], $0x80, s17, s18, $0xb8;
	[tilespmem:$0x1F080] =	vst v63  }
0x98: {  	_ = 	snop  }
0x99: {  	[tilespmem:s23], [sflag:$0x3] =	stream.indirect.gather [hbm4b:s3+s18], $0x80, s22, s18, $0xb8;
	[tilespmem:$0x1F080] =	vst v63  }
0x9a: {  	_ =	swait.ge [sflag:s24], $0x2800  }
0x9b: {  	[sflag:s24] =	ssyncset.done $0x0  }
0x9c: {  	s14 =	simm.s32 $0x2080;
	[sflag:s24] =	ssyncadd.s32 $0xFFFFD800  }
0x9d: {  	[spmem:s1] =	stream.indirect.scatter.add.f32 [tilespmem:s20], [sflag:$0x5], $0x80, s14, s18, $0xb8;
	[tilespmem:$0x1F080] =	vst v63  }
0x9e: {  	_ =	swait.ge [sflag:s25], $0x2800  }
0x9f: {  	[sflag:s25] =	ssyncset.done $0x0  }
0xa0: {  	s31 =	simm.s32 $0x180;
	[sflag:s25] =	ssyncadd.s32 $0xFFFFD800  }
0xa1: {  	[tilespmem:s15], [sflag:$0x1] =	stream.indirect.gather [hbm4b:s3+s18], $0x80, s31, s18, $0xb8;
	[tilespmem:$0x1F080] =	vst v63  }
0xa2: {  	_ =	swait.ge [sflag:s26], $0x2800  }
0xa3: {  	[sflag:s26] =	ssyncset.done $0x0  }
0xa4: {  	s13 =	simm.s32 $0x2100;
	[sflag:s26] =	ssyncadd.s32 $0xFFFFD800  }
0xa5: {  	[spmem:s1] =	stream.indirect.scatter.add.f32 [tilespmem:s23], [sflag:$0x6], $0x80, s13, s18, $0xb8;
	[tilespmem:$0x1F080] =	vst v63  }
0xa6: {  	_ =	swait.ge [sflag:s6], $0x2800  }
0xa7: {  	[sflag:s6] =	ssyncset.done $0x0  }
0xa8: {  	s14 =	simm.s32 $0x200;
	[sflag:s6] =	ssyncadd.s32 $0xFFFFD800  }
0xa9: {  	[tilespmem:s20], [sflag:$0x2] =	stream.indirect.gather [hbm4b:s3+s18], $0x80, s14, s18, $0xb8;
	[tilespmem:$0x1F080] =	vst v63  }
0xaa: {  	_ =	swait.ge [sflag:s21], $0x2800  }
0xab: {  	[sflag:s21] =	ssyncset.done $0x0  }
0xac: {  	s31 =	simm.s32 $0x2180;
	[sflag:s21] =	ssyncadd.s32 $0xFFFFD800  }
0xad: {  	[spmem:s1] =	stream.indirect.scatter.add.f32 [tilespmem:s15], [sflag:$0x4], $0x80, s31, s18, $0xb8;
	[tilespmem:$0x1F080] =	vst v63  }
0xae: {  	_ =	swait.ge [sflag:s28], $0x2800  }
0xaf: {  	[sflag:s28] =	ssyncset.done $0x0  }
0xb0: {  	s4 =	simm.s32 $0x600;
	s13 =	simm.s32 $0x280;
	[sflag:s28] =	ssyncadd.s32 $0xFFFFD800  }
.LBB2_8:
0xb1: {  	[tilespmem:s23], [sflag:$0x3] =	stream.indirect.gather [hbm4b:s3+s18], $0x80, s13, s18, $0xb8;
	[tilespmem:$0x1F080] =	vst v63  }
0xb2: {  	s13 =	smov.u32 s4  }
0xb3: {  	p1 =	sne.s32 s4, $0x6C00;
	s4 =	sadd.s32 $0x600, s4;
	_ =	swait.ge [sflag:s24], $0x2800  }
0xb4: {  	s13 =	sshra.s32 s13, $0x2;
	[sflag:s24] =	ssyncset.done $0x0  }
0xb5: {  	s14 =	sadd.s32 $0x2080, s13;
	[sflag:s24] =	ssyncadd.s32 $0xFFFFD800  }
0xb6: {  	[spmem:s1] =	stream.indirect.scatter.add.f32 [tilespmem:s20], [sflag:$0x5], $0x80, s14, s18, $0xb8;
	[tilespmem:$0x1F080] =	vst v63  }
0xb7: {  	_ =	swait.ge [sflag:s25], $0x2800  }
0xb8: {  	[sflag:s25] =	ssyncset.done $0x0  }
0xb9: {  	s14 =	sadd.s32 $0x180, s13;
	[sflag:s25] =	ssyncadd.s32 $0xFFFFD800  }
0xba: {  	[tilespmem:s15], [sflag:$0x1] =	stream.indirect.gather [hbm4b:s3+s18], $0x80, s14, s18, $0xb8;
	[tilespmem:$0x1F080] =	vst v63  }
0xbb: {  	_ =	swait.ge [sflag:s26], $0x2800  }
0xbc: {  	[sflag:s26] =	ssyncset.done $0x0  }
0xbd: {  	s14 =	sadd.s32 $0x2100, s13;
	[sflag:s26] =	ssyncadd.s32 $0xFFFFD800  }
0xbe: {  	[spmem:s1] =	stream.indirect.scatter.add.f32 [tilespmem:s23], [sflag:$0x6], $0x80, s14, s18, $0xb8;
	[tilespmem:$0x1F080] =	vst v63  }
0xbf: {  	_ =	swait.ge [sflag:s6], $0x2800  }
0xc0: {  	[sflag:s6] =	ssyncset.done $0x0  }
0xc1: {  	s14 =	sadd.s32 $0x200, s13;
	[sflag:s6] =	ssyncadd.s32 $0xFFFFD800  }
0xc2: {  	[tilespmem:s20], [sflag:$0x2] =	stream.indirect.gather [hbm4b:s3+s18], $0x80, s14, s18, $0xb8;
	[tilespmem:$0x1F080] =	vst v63  }
0xc3: {  	_ =	swait.ge [sflag:s21], $0x2800  }
0xc4: {  	[sflag:s21] =	ssyncset.done $0x0  }
.Ltmp4:
0xc5: {  	s14 =	sadd.s32 $0x2180, s13;
	[sflag:s21] =	ssyncadd.s32 $0xFFFFD800;
	(pc) =	sbr.rel @p1 .LBB2_8-.Ltmp4, $4  }
0xc6: {  	[spmem:s1] =	stream.indirect.scatter.add.f32 [tilespmem:s15], [sflag:$0x4], $0x80, s14, s18, $0xb8;
	[tilespmem:$0x1F080] =	vst v63  }
0xc7: {  	_ =	swait.ge [sflag:s28], $0x2800  }
0xc8: {  	[sflag:s28] =	ssyncset.done $0x0  }
0xc9: {  	s13 =	sadd.s32 $0x280, s13;
	[sflag:s28] =	ssyncadd.s32 $0xFFFFD800  }
0xca: {  	[tilespmem:s23], [sflag:$0x3] =	stream.indirect.gather [hbm4b:s3+s18], $0x80, s13, s18, $0xb8;
	[tilespmem:$0x1F080] =	vst v63  }
0xcb: {  	_ =	swait.ge [sflag:s24], $0x2800  }
0xcc: {  	[sflag:s24] =	ssyncset.done $0x0  }
0xcd: {  	s4 =	simm.s32 $0x3D00;
	[sflag:s24] =	ssyncadd.s32 $0xFFFFD800  }
0xce: {  	[spmem:s1] =	stream.indirect.scatter.add.f32 [tilespmem:s20], [sflag:$0x5], $0x80, s4, s18, $0xb8;
	[tilespmem:$0x1F080] =	vst v63  }
0xcf: {  	_ =	swait.ge [sflag:s25], $0x2800  }
0xd0: {  	[sflag:s25] =	ssyncset.done $0x0  }
0xd1: {  	s31 =	simm.s32 $0x1E00;
	[sflag:s25] =	ssyncadd.s32 $0xFFFFD800  }
0xd2: {  	[tilespmem:s15], [sflag:$0x1] =	stream.indirect.gather [hbm4b:s3+s18], $0x80, s31, s18, $0xb8;
	[tilespmem:$0x1F080] =	vst v63  }
0xd3: {  	_ =	swait.ge [sflag:s26], $0x2800  }
0xd4: {  	[sflag:s26] =	ssyncset.done $0x0  }
0xd5: {  	s13 =	simm.s32 $0x3D80;
	[sflag:s26] =	ssyncadd.s32 $0xFFFFD800  }
0xd6: {  	[spmem:s1] =	stream.indirect.scatter.add.f32 [tilespmem:s23], [sflag:$0x6], $0x80, s13, s18, $0xb8;
	[tilespmem:$0x1F080] =	vst v63  }
0xd7: {  	_ =	swait.ge [sflag:s6], $0x2800  }
0xd8: {  	[sflag:s6] =	ssyncset.done $0x0  }
0xd9: {  	[sflag:s6] =	ssyncadd.s32 $0xFFFFD800  }
0xda: {  	_ =	swait.ge [sflag:s21], $0x2800  }
0xdb: {  	[sflag:s21] =	ssyncset.done $0x0  }
0xdc: {  	s14 =	simm.s32 $0x3E00;
	[sflag:s21] =	ssyncadd.s32 $0xFFFFD800  }
0xdd: {  	[spmem:s1] =	stream.indirect.scatter.add.f32 [tilespmem:s15], [sflag:$0x4], $0x80, s14, s18, $0xb8;
	[tilespmem:$0x1F080] =	vst v63  }
0xde: {  	_ =	swait.ge [sflag:s28], $0x2800  }
0xdf: {  	[sflag:s28] =	ssyncset.done $0x0  }
0xe0: {  	[sflag:s28] =	ssyncadd.s32 $0xFFFFD800  }
0xe1: {  	_ =	swait.ge [sflag:s25], $0x2800  }
0xe2: {  	[sflag:s25] =	ssyncset.done $0x0  }
0xe3: {  	[sflag:s25] =	ssyncadd.s32 $0xFFFFD800  }
0xe4: {  	[bflag:$0x0] =	sbarrier.arrive $0xFFFF  }
0xe5: {  	[tilespmem:s15], [sflag:$0x7] =	stream.linear.gather [spmem:s30], $0x2800, $0x38;
	[tilespmem:$0x1F080] =	vst v63  }
0xe6: {  	_ =	swait.ge [sflag:s16], $0x2800  }
.Ltmp5:
0xe7: {  	s31 =	sshrl.u32 s29, $0x3;
	[sflag:s16] =	ssyncset.done $0x0;
	(pc) =	sbr.rel @!p0 .LBB2_11-.Ltmp5, $4  }
0xe8: {  	s4 =	sadd.s32 s5, s31;
	[sflag:s16] =	ssyncadd.s32 $0xFFFFD800  }
0xe9: {  	[hbm4b:s4+s2] =	stream.linear.scatter [tilespmem:s15], [sflag:$0x7], $0x2800, $0x38;
	[tilespmem:$0x1F080] =	vst v63  }
0xea: {  	s13 =	smov.u32 s30;
	_ =	swait.ge [sflag:s16], $0x2800  }
0xeb: {  	s14 =	smov.u32 s29;
	s4 =	sadd.s32 $0xFFFFFFFF, s7;
	[sflag:s16] =	ssyncset.done $0x0  }
.LBB2_10:
0xec: {  	[sflag:s16] =	ssyncadd.s32 $0xFFFFD800;
	s14 =	sadd.s32 $0x2800, s14;
	s13 =	sadd.s32 $0x2800, s13  }
0xed: {  	[tilespmem:s15], [sflag:$0x7] =	stream.linear.gather [spmem:s13], $0x2800, $0x38;
	[tilespmem:$0x1F080] =	vst v63  }
0xee: {  	p0 =	sne.s32 s4, $0x1;
	s4 =	sadd.s32 $0xFFFFFFFF, s4;
	_ =	swait.ge [sflag:s16], $0x2800  }
.Ltmp6:
0xef: {  	s31 =	sshrl.u32 s14, $0x3;
	[sflag:s16] =	ssyncset.done $0x0;
	(pc) =	sbr.rel @p0 .LBB2_10-.Ltmp6, $4  }
0xf0: {  	s31 =	sadd.s32 s5, s31;
	[sflag:s16] =	ssyncadd.s32 $0xFFFFD800  }
0xf1: {  	[hbm4b:s31+s2] =	stream.linear.scatter [tilespmem:s15], [sflag:$0x7], $0x2800, $0x38;
	[tilespmem:$0x1F080] =	vst v63  }
0xf2: {  	_ =	swait.ge [sflag:s16], $0x2800  }
0xf3: {  	[sflag:s16] =	ssyncset.done $0x0  }
.LBB2_11:
0xf4: {  	s0 =	sadd.s32 $0x1, s0  }
0xf5: {  	p0 =	sne.s32 s0, s12  }
.Ltmp7:
0xf6: {  	_ = 	snop;
	(pc) =	sbr.rel @p0 .LBB2_1-.Ltmp7, $2  }
0xf7: {  	_ =	sdelay $0x2  }
0xf8: {  	[sflag:s16] =	ssyncadd.s32 $0xFFFFD800  }
0xf9: {  	_ =	sfence.sel $0x180000  }
0xfa: {  	[bflag:$0x0] =	sbarrier.arrive $0xFFFF  }
0xfb: {  	_ =	strace $0x9000004A  }
0xfc: {  	s0 =	stileid.u32;
	[bflag:$0x2] =	sbarrier.arrive $0xFFFF  }
0xfd: {  	p0 =	sne.s32 s0, $0x0;
	s0 =	rddreg [dreg:$0x2]  }
0xfe: {  	s0 =	sadd.s32 @!p0 $0x100000, s0  }
0xff: {  	[sflag:s0] =	ssyncadd.tile.s32 @!p0 $0x1;
	_ =	shalt  }
.Lfunc_end2:
_tile_overlayer_lowered:
.L_overlay_start_2:
0x100: {  	(tag) =	ssettag $0x2  }
0x101: {  	s0 =	rddreg [dreg:$0x0];
	s2 =	stileid.u32  }
0x102: {  	s1 =	rddreg [dreg:$0x1];
	p0 =	sne.s32 s2, $0x0  }
0x103: {  	s3 =	rddreg [dreg:$0x2];
	[bflag:$0x3] =	sbarrier.arrive $0xFFFF;
	s2 =	simm.s32 @!p0 $0x1C07  }
0x104: {  	[timem:s3], [sflag:s2] =	dma.local @!p0 [hbm:s0], s1  }
0x105: {  	s0 =	simm.s32 @!p0 $0x7  }
0x106: {  	_ =	swait.ge @!p0 [sflag:s0], s1  }
0x107: {  	s1 =	ssub.s32 @!p0 $0x0, s1;
	[sflag:s0] =	ssyncset.done @!p0 $0x0  }
0x108: {  	[sflag:s0] =	ssyncadd.s32 @!p0 s1  }
0x109: {  	[bflag:$0x3] =	sbarrier.arrive $0xFFFF  }
0x10a: {  	_ =	shalt  }

// kernel: _impl.14.cloned.1.call-start
scs
__scs_entry_jumppad:
0x0: {  	(pc) =	sbr.rel $0x88, $3  }
0x1: {  	(tag) =	ssettag $0x0;
	lr =	simm.s32 $0x1  }
0x2: {  	[smem:$0x3F98] =	sst lr;
	_ =	strace $0xD0000000  }
0x3: {  	_ = 	snop  }
0x4: {  	_ = 	snop  }
0x5: {  	_ = 	snop  }
0x6: {  	_ = 	snop  }
0x7: {  	_ = 	snop  }
__scs_overlays_trampoline_lowered:
0x8: {  	[smem:$0x3FA7] =	sst s0  }
0x9: {  	[smem:$0x3FA8] =	sst s1  }
0xa: {  	[smem:$0x3FA9] =	sst s2  }
0xb: {  	[smem:$0x3FAA] =	sst s3  }
0xc: {  	[smem:$0x3FAB] =	sst s4  }
0xd: {  	[smem:$0x3FAC] =	sst s5  }
0xe: {  	[smem:$0x3FAD] =	sst s6  }
0xf: {  	[smem:$0x3FAE] =	sst s7  }
0x10: {  	[smem:$0x3FAF] =	sst s8  }
0x11: {  	[smem:$0x3FB0] =	sst s9;
	s0 =	simm.s32 @!p0 $0x0  }
0x12: {  	s1 =	sld [smem:$0x3F96];
	s0 =	simm.s32 @p0 $0x1  }
0x13: {  	[smem:$0x3FB1] =	sst s0;
	s0 =	simm.s32 @!p1 $0x0  }
0x14: {  	s2 =	sld [smem:$0x3F95];
	s0 =	simm.s32 @p1 $0x1  }
0x15: {  	[smem:$0x3FB2] =	sst s0;
	s0 =	simm.s32 @!p2 $0x0  }
0x16: {  	s3 =	sld [smem:$0x3FDB];
	s0 =	simm.s32 @p2 $0x1  }
0x17: {  	s4 =	simm.s32 $0x1BF5;
	[smem:$0x3FB4] =	sst s0  }
0x18: {  	s0 =	sld [smem:$0x3F97];
	_ =	swait.ge [sflag:s4], $0x0  }
0x19: {  	s7 =	sld [smem:$0x3F98]  }
0x1a: {  	s8 =	sadd.s32 $0xFFFFE003, lr  }
0x1b: {  	s9 =	sadd.s32 $0xFFFFFEF7, lr;
	s5 =	simm.s32 $0xFFFFFFFF;
	p2 =	slt.u32 s8, $0xFFFFF086  }
0x1c: {  	p1 =	slt.u32 s9, $0xF7A;
	s5 =	simm.s32 @!p2 $0x0  }
0x1d: {  	s5 =	simm.s32 @p1 $0x1;
	p0 =	seq.s32 s7, s2  }
0x1e: {  	s7 =	smul.u32 @!p0 $0xF7A, s2;
	p2 =	seq.s32 @!p0 s5, $0x0  }
0x1f: {  	s9 =	smul.u32 $0xF7A, s1;
	s8 =	simm.s32 @!p0 $0x1BF5;
	p2 =	por !p2, p0  }
0x20: {  	[sflag:s8] =	ssyncset.s32 @!p0 $0xFFFFF086;
	s6 =	sadd.s32 @!p0 s3, s7;
	s7 =	simm.s32 @!p0 $0x108  }
0x21: {  	s3 =	sadd.s32 s3, s9;
	s6 =	sadd.s32 @!p0 $0x88, s6;
	s7 =	simm.s32 @p2 $0x1082  }
0x22: {  	[simem:s7], [sflag:s8] =	dma.local @!p0 [hbm:s6], $0xF7A  }
0x23: {  	s9 =	sor.u32 $0xD0000000, s2;
	s6 =	simm.s32 $0x108;
	_ =	swait.ge @!p0 [sflag:s8], $0x0  }
0x24: {  	s3 =	sadd.s32 $0x88, s3;
	s6 =	simm.s32 @!p1 $0x1082;
	[sflag:s4] =	ssyncset.s32 $0xFFFFF086  }
0x25: {  	[simem:s6], [sflag:s4] =	dma.local [hbm:s3], $0xF7A  }
0x26: {  	[smem:$0x3F98] =	sst s1;
	(tag) =	ssettag s2;
	_ =	strace s9  }
0x27: {  	s1 =	sld [smem:$0x3FA8]  }
0x28: {  	s2 =	sld [smem:$0x3FA9]  }
0x29: {  	s4 =	sld [smem:$0x3FAB]  }
0x2a: {  	p0 =	seq.s32 s5, $0x0;
	s5 =	sld [smem:$0x3FAC]  }
0x2b: {  	s6 =	sld [smem:$0x3FAD]  }
0x2c: {  	s7 =	sld [smem:$0x3FAE]  }
0x2d: {  	s3 =	simm.s32 $0x108;
	s8 =	sld [smem:$0x3FAF]  }
0x2e: {  	s3 =	simm.s32 @!p0 $0x1082;
	s9 =	sld [smem:$0x3FB0]  }
0x2f: {  	lr =	sadd.s32 s0, s3;
	s0 =	sld [smem:$0x3FA7]  }
0x30: {  	s3 =	sld [smem:$0x3FAA]  }
0x31: {  	[smem:$0x3FB3] =	sst s10  }
0x32: {  	s10 =	sld [smem:$0x3FB1];
	_ =	sdelay $0x3  }
0x33: {  	p0 =	seq.s32 s10, $0x1;
	s10 =	sld [smem:$0x3FB3];
	_ =	sdelay $0x3  }
0x34: {  	[smem:$0x3FB3] =	sst s10  }
0x35: {  	s10 =	sld [smem:$0x3FB2];
	_ =	sdelay $0x3  }
0x36: {  	p1 =	seq.s32 s10, $0x1;
	s10 =	sld [smem:$0x3FB3];
	_ =	sdelay $0x3  }
0x37: {  	[smem:$0x3FB3] =	sst s10  }
0x38: {  	s10 =	sld [smem:$0x3FB4]  }
0x39: {  	_ = 	snop;
	(pc) =	sbr.ind lr, $3  }
0x3a: {  	_ = 	snop  }
0x3b: {  	_ = 	snop  }
0x3c: {  	p2 =	seq.s32 s10, $0x1;
	s10 =	sld [smem:$0x3FB3]  }
0x3d: {  	_ =	shalt  }
0x3e: {  	_ =	shalt  }
0x3f: {  	_ =	shalt  }
0x40: {  	_ =	shalt  }
0x41: {  	_ =	shalt  }
0x42: {  	_ =	shalt  }
0x43: {  	_ =	shalt  }
0x44: {  	_ =	shalt  }
0x45: {  	_ =	shalt  }
0x46: {  	_ =	shalt  }
0x47: {  	_ =	shalt  }
0x48: {  	_ =	shalt  }
0x49: {  	_ =	shalt  }
0x4a: {  	_ =	shalt  }
0x4b: {  	_ =	shalt  }
0x4c: {  	_ =	shalt  }
0x4d: {  	_ =	shalt  }
0x4e: {  	_ =	shalt  }
0x4f: {  	_ =	shalt  }
0x50: {  	_ =	shalt  }
0x51: {  	_ =	shalt  }
0x52: {  	_ =	shalt  }
0x53: {  	_ =	shalt  }
0x54: {  	_ =	shalt  }
0x55: {  	_ =	shalt  }
0x56: {  	_ =	shalt  }
0x57: {  	_ =	shalt  }
0x58: {  	_ =	shalt  }
0x59: {  	_ =	shalt  }
0x5a: {  	_ =	shalt  }
0x5b: {  	_ =	shalt  }
0x5c: {  	_ =	shalt  }
0x5d: {  	_ =	shalt  }
0x5e: {  	_ =	shalt  }
0x5f: {  	_ =	shalt  }
0x60: {  	_ =	shalt  }
0x61: {  	_ =	shalt  }
0x62: {  	_ =	shalt  }
0x63: {  	_ =	shalt  }
0x64: {  	_ =	shalt  }
0x65: {  	_ =	shalt  }
0x66: {  	_ =	shalt  }
0x67: {  	_ =	shalt  }
0x68: {  	_ =	shalt  }
0x69: {  	_ =	shalt  }
0x6a: {  	_ =	shalt  }
0x6b: {  	_ =	shalt  }
0x6c: {  	_ =	shalt  }
0x6d: {  	_ =	shalt  }
0x6e: {  	_ =	shalt  }
0x6f: {  	_ =	shalt  }
0x70: {  	_ =	shalt  }
0x71: {  	_ =	shalt  }
0x72: {  	_ =	shalt  }
0x73: {  	_ =	shalt  }
0x74: {  	_ =	shalt  }
0x75: {  	_ =	shalt  }
0x76: {  	_ =	shalt  }
0x77: {  	_ =	shalt  }
0x78: {  	_ =	shalt  }
0x79: {  	_ =	shalt  }
0x7a: {  	_ =	shalt  }
0x7b: {  	_ =	shalt  }
0x7c: {  	_ =	shalt  }
0x7d: {  	_ =	shalt  }
0x7e: {  	_ =	shalt  }
0x7f: {  	_ =	shalt  }
0x80: {  	_ =	shalt  }
0x81: {  	_ =	shalt  }
0x82: {  	_ =	shalt  }
0x83: {  	_ =	shalt  }
0x84: {  	_ =	shalt  }
0x85: {  	_ =	shalt  }
0x86: {  	_ =	shalt  }
0x87: {  	_ =	shalt  }
.Lfunc_end0:
.L_simem_size_0:
called_computation.2_lowered:
.L_overlay_start_0:
0x88: {  	s2 =	sld [smem:$0x3FD9]  }
0x89: {  	s3 =	sld [smem:$0x3FFE];
	_ =	sdelay $0x1  }
0x8a: {  	s1 =	srdreg.scid  }
0x8b: {  	s0 =	sand.u32 $0x1, s1  }
0x8c: {  	s16 =	sshll.u32 s0, $0xA;
	s2 =	sadd.s32 s3, s2  }
0x8d: {  	s2 =	sadd.s32 s2, s16  }
0x8e: {  	[smem:$0x3FBF] =	sst s2  }
0x8f: {  	_ = 	snop  }
0x90: {  	(tm) =	ssettm $0x1  }
0x91: {  	s17 =	sld [smem:$0x3FFB];
	_ =	sdelay $0x3  }
0x92: {  	_ =	strace s17  }
0x93: {  	s2 =	sld [smem:$0x3FFC];
	_ =	sdelay $0x3  }
0x94: {  	_ =	strace s2  }
0x95: {  	s2 =	sld [smem:$0x3FFD];
	_ =	sdelay $0x3  }
0x96: {  	_ =	strace s2  }
0x97: {  	_ =	strace $0x8FFFFFFF  }
0x98: {  	s18 =	sld [smem:$0x3FDB];
	_ =	sdelay $0x1  }
0x99: {  	s19 =	simm.s32 $_scs_section_size  }
0x9a: {  	s4 =	simm.s32 $_size__tile_overlayer_lowered;
	s5 =	simm.s32 $_tile_overlayer_lowered  }
0x9b: {  	s22 =	simm.s32 $0x1BFF;
	s21 =	sshll.u32 s5, $0x1;
	s2 =	sadd.s32 s19, s18  }
0x9c: {  	s6 =	simm.s32 $0x0;
	s20 =	sshll.u32 s4, $0x1;
	s4 =	sadd.s32 s21, s2  }
0x9d: {  	[timem:s6], [sflag:s22] =	dma.local [hbm:s4], s20  }
0x9e: {  	_ =	swait.ge [sflag:s22], s20  }
0x9f: {  	s3 =	ssub.s32 $0x0, s20;
	[sflag:s22] =	ssyncset.done $0x0  }
0xa0: {  	[sflag:s22] =	ssyncadd.s32 s3;
	_ =	sdelay $0x1  }
0xa1: {  	s23 =	simm.s32 $0x1B8B  }
0xa2: {  	_ =	swait.ge [sflag:s23], $0x1  }
0xa3: {  	[sflag:s23] =	ssyncset.done $0x0  }
0xa4: {  	s25 =	simm.s32 $0x1B8E;
	s24 =	sld [smem:$0x3FFE];
	[sflag:s23] =	ssyncadd.s32 $0xFFFFFFFF  }
0xa5: {  	s26 =	simm.s32 $execute0_lowered;
	[smem:$0x3FD2] =	sst s25  }
0xa6: {  	s4 =	sshll.u32 s26, $0x1;
	_ =	strace $0x8000004C;
	[dreg:$0x1] =	wrdreg $0xFFFFFFFF  }
0xa7: {  	s28 =	simm.s32 $_size_execute0_lowered;
	s2 =	sadd.s32 s2, s4;
	[dreg:$0x0] =	wrdreg $0x0  }
0xa8: {  	s4 =	sshll.u32 s28, $0x1;
	[dreg:$0x2] =	wrdreg s2  }
0xa9: {  	[dreg:$0x3] =	wrdreg s4  }
0xaa: {  	[dreg:$0x4] =	wrdreg $0xC0  }
0xab: {  	_ =	task [dreg:s6], $0x5FFFF  }
0xac: {  	[dreg:$0x1] =	wrdreg $0xFFFFFFFF  }
0xad: {  	[dreg:$0x0] =	wrdreg $0x60  }
0xae: {  	[dreg:$0x2] =	wrdreg s24  }
0xaf: {  	[dreg:$0x3] =	wrdreg $0xB8000  }
0xb0: {  	[dreg:$0x4] =	wrdreg $0x9  }
0xb1: {  	_ =	task.clear_ibuf [dreg:s6], $0x5FFFF;
	_ =	strace $0x9000004C  }
0xb2: {  	s29 =	simm.s32 $0x9;
	_ =	strace $0x8000004E  }
0xb3: {  	_ =	swait.ge [sflag:s29], $0x1  }
0xb4: {  	[sflag:s29] =	ssyncadd.s32 $0xFFFFFFFF  }
0xb5: {  	_ =	strace $0x9000004E  }
0xb6: {  	_ =	sfence  }
0xb7: {  	s30 =	sld [smem:$0x0];
	_ =	sdelay $0x2  }
0xb8: {  	s31 =	sshll.u32 s1, $0xD;
	s1 =	sshrl.u32 s1, $0x2  }
0xb9: {  	s3 =	sand.u32 $0x4000, s31;
	s1 =	sadd.s32 s1, s30  }
0xba: {  	s0 =	sor.u32 s3, s0;
	s1 =	sshll.u32 s1, $0x11  }
0xbb: {  	s0 =	sor.u32 s1, s0  }
0xbc: {  	s0 =	sadd.s32 $0x8F2B, s0  }
0xbd: {  	[sflag:s0] =	ssyncadd.remote.s32 $0x1  }
0xbe: {  	_ =	sfence.sel $0xFFFF  }
0xbf: {  	[dreg:$0x0] =	wrdreg $0xFFFFFFFF;
	(pc) =	sbr.abs _section_cstart, $3  }
0xc0: {  	[dreg:$0x1] =	wrdreg $0xFFFFFFFF  }
0xc1: {  	_ =	task.clear_ibuf [dreg:s6], $0x2FFFF;
	_ =	strace $0x9FFFFFFF  }
0xc2: {  	(tm) =	ssettm $0x7FFFFFFF  }
0xc3: {  	_ =	shalt  }
tec
execute0_lowered:
.L_overlay_start_1:
0x0: {  	(tag) =	ssettag $0x1  }
0x1: {  	s0 =	rddreg [dreg:$0x0]  }
0x2: {  	s1 =	rddreg [dreg:$0x1];
	s2 =	simm.s32 $0x0  }
0x3: {  	s4 =	srdreg.scid;
	s14 =	stileid.u32;
	s7 =	simm.s32 $0x5  }
0x4: {  	s15 =	simm.s32 $0x4000;
	s16 =	simm.s32 $0x7;
	s17 =	simm.s32 $0x2000  }
0x5: {  	s18 =	simm.s32 $0x50;
	s19 =	simm.s32 $0x80;
	s20 =	simm.s32 $0x6800  }
0x6: {  	s21 =	simm.s32 $0x1;
	s22 =	simm.s32 $0x100;
	s23 =	simm.s32 $0x9000  }
0x7: {  	s24 =	simm.s32 $0x2;
	s25 =	simm.s32 $0x4;
	s28 =	simm.s32 $0x6  }
0x8: {  	[smem:$0x7FF] =	sst s2;
	s3 =	sadd.s32 $0x24800, s0;
	s4 =	sand.u32 $0x1, s4  }
0x9: {  	s10 =	sadd.s32 $0x14800, s0;
	s11 =	sadd.s32 $0x3E00, s0;
	s5 =	sadd.s32 $0x72C00, s0  }
0xa: {  	p0 =	seq.s32 s14, $0xF;
	s8 =	sshll.u32 s14, $0xC;
	s13 =	smul.u32 $0x50000, s14  }
0xb: {  	s14 =	smul.u32 $0x14000, s14;
	_ =	strace $0x8000004D;
	s6 =	ssub.s32 $0x2, s4  }
0xc: {  	s9 =	sshll.u32 s4, $0xB;
	s7 =	simm.s32 @!p0 $0x8;
	s4 =	smul.u32 $0x138800, s4  }
0xd: {  	s26 =	sshrl.u32 s6, $0x1;
	s9 =	sor.u32 s9, s8;
	s31 =	sshrl.u32 s13, $0x2  }
0xe: {  	s0 =	ssub.s32 s6, s26;
	s6 =	simm.s32 $0x5;
	s8 =	sadd.s32 s10, s9  }
0xf: {  	s12 =	sor.u32 $0x400, s9;
	s9 =	sadd.s32 s11, s9;
	s30 =	sadd.s32 s31, s1  }
0x10: {  	s29 =	sadd.s32 s14, s4;
	s26 =	simm.s32 $0x3;
	s10 =	sadd.s32 s10, s12  }
0x11: {  	v0 =	vimm.f32 $0.0e+00;
	s11 =	sadd.s32 s11, s12;
	s12 =	smax.u32 s0, $0x1;
	s0 =	simm.s32 $0x0  }
.LBB2_1:
0x12: {  	s4 =	simm.s32 $0x70;
	s13 =	simm.s32 $0x3C0  }
.LBB2_2:
0x13: {  	p0 =	sne.s32 s13, $0x9FC0;
	[tilespmem:s4+$0x4000] =	vst v0  }
0x14: {  	[tilespmem:s4+$0x3F90] =	vst v0  }
0x15: {  	[tilespmem:s4+$0x3FA0] =	vst v0  }
.Ltmp0:
0x16: {  	[tilespmem:s4+$0x3FB0] =	vst v0;
	(pc) =	sbr.rel @p0 .LBB2_2-.Ltmp0, $4  }
0x17: {  	[tilespmem:s4+$0x3FC0] =	vst v0  }
0x18: {  	[tilespmem:s4+$0x3FD0] =	vst v0  }
0x19: {  	[tilespmem:s4+$0x3FE0] =	vst v0  }
0x1a: {  	[tilespmem:s4+$0x3FF0] =	vst v0;
	s4 =	sshra.s32 s13, $0x2;
	s13 =	sadd.s32 $0x200, s13  }
0x1b: {  	[tilespmem:s4+$0x4000] =	vst v0  }
0x1c: {  	[tilespmem:s4+$0x3F90] =	vst v0  }
0x1d: {  	[tilespmem:s4+$0x3FA0] =	vst v0  }
0x1e: {  	[tilespmem:s4+$0x3FB0] =	vst v0  }
0x1f: {  	[tilespmem:s4+$0x3FC0] =	vst v0  }
0x20: {  	[tilespmem:s4+$0x3FD0] =	vst v0;
	p0 =	sne.s32 s7, $0x1  }
.Ltmp1:
0x21: {  	[tilespmem:s4+$0x3FE0] =	vst v0;
	(pc) =	sbr.rel @!p0 .LBB2_5-.Ltmp1, $4  }
0x22: {  	[tilespmem:s4+$0x3FF0] =	vst v0  }
0x23: {  	[spmem:s30] =	stream.linear.scatter [tilespmem:s15], [sflag:$0x7], $0x2800, $0x38;
	[tilespmem:$0x1F080] =	vst v63  }
0x24: {  	_ =	swait.ge [sflag:s16], $0x2800  }
0x25: {  	s4 =	sadd.s32 $0xFFFFFFFF, s7;
	s13 =	smov.u32 s30;
	[sflag:s16] =	ssyncset.done $0x0  }
.LBB2_4:
0x26: {  	p1 =	sne.s32 s4, $0x1;
	[sflag:s16] =	ssyncadd.s32 $0xFFFFD800;
	s13 =	sadd.s32 $0x2800, s13  }
.Ltmp2:
0x27: {  	s4 =	sadd.s32 $0xFFFFFFFF, s4;
	(pc) =	sbr.rel @p1 .LBB2_4-.Ltmp2, $4  }
0x28: {  	_ = 	snop  }
0x29: {  	[spmem:s13] =	stream.linear.scatter [tilespmem:s15], [sflag:$0x7], $0x2800, $0x38;
	[tilespmem:$0x1F080] =	vst v63  }
0x2a: {  	_ =	swait.ge [sflag:s16], $0x2800  }
0x2b: {  	[sflag:s16] =	ssyncset.done $0x0  }
.LBB2_5:
0x2c: {  	[sflag:s16] =	ssyncadd.s32 $0xFFFFD800;
	s4 =	simm.s32 $0x0  }
0x2d: {  	[tilespmem:s4], [sflag:$0x7] =	stream.linear.gather [hbm4b:s8+s4], $0x2000, $0x38;
	[tilespmem:$0x1F080] =	vst v63  }
0x2e: {  	_ =	swait.ge [sflag:s16], $0x2000  }
0x2f: {  	[sflag:s16] =	ssyncset.done $0x0  }
0x30: {  	[sflag:s16] =	ssyncadd.s32 $0xFFFFE000  }
0x31: {  	[tilespmem:s17], [sflag:$0x7] =	stream.linear.gather [hbm4b:s9+s4], $0x2000, $0x38;
	[tilespmem:$0x1F080] =	vst v63  }
0x32: {  	_ =	swait.ge [sflag:s16], $0x2000  }
0x33: {  	[sflag:s16] =	ssyncset.done $0x0  }
0x34: {  	[sflag:s16] =	ssyncadd.s32 $0xFFFFE000  }
0x35: {  	[bflag:$0x0] =	sbarrier.arrive $0xFFFF  }
0x36: {  	[tilespmem:s15], [sflag:$0x1] =	stream.indirect.gather [hbm4b:s3+s18], $0x80, s4, s18, $0xb8;
	[tilespmem:$0x1F080] =	vst v63  }
0x37: {  	_ = 	snop  }
0x38: {  	[tilespmem:s20], [sflag:$0x2] =	stream.indirect.gather [hbm4b:s3+s18], $0x80, s19, s18, $0xb8;
	[tilespmem:$0x1F080] =	vst v63  }
0x39: {  	_ =	swait.ge [sflag:s21], $0x2800  }
0x3a: {  	[sflag:s21] =	ssyncset.done $0x0  }
0x3b: {  	[sflag:s21] =	ssyncadd.s32 $0xFFFFD800  }
0x3c: {  	[spmem:s1] =	stream.indirect.scatter.add.f32 [tilespmem:s15], [sflag:$0x4], $0x80, s17, s18, $0xb8;
	[tilespmem:$0x1F080] =	vst v63  }
0x3d: {  	_ = 	snop  }
0x3e: {  	[tilespmem:s23], [sflag:$0x3] =	stream.indirect.gather [hbm4b:s3+s18], $0x80, s22, s18, $0xb8;
	[tilespmem:$0x1F080] =	vst v63  }
0x3f: {  	_ =	swait.ge [sflag:s24], $0x2800  }
0x40: {  	[sflag:s24] =	ssyncset.done $0x0  }
0x41: {  	s14 =	simm.s32 $0x2080;
	[sflag:s24] =	ssyncadd.s32 $0xFFFFD800  }
0x42: {  	[spmem:s1] =	stream.indirect.scatter.add.f32 [tilespmem:s20], [sflag:$0x5], $0x80, s14, s18, $0xb8;
	[tilespmem:$0x1F080] =	vst v63  }
0x43: {  	_ =	swait.ge [sflag:s25], $0x2800  }
0x44: {  	[sflag:s25] =	ssyncset.done $0x0  }
0x45: {  	s31 =	simm.s32 $0x180;
	[sflag:s25] =	ssyncadd.s32 $0xFFFFD800  }
0x46: {  	[tilespmem:s15], [sflag:$0x1] =	stream.indirect.gather [hbm4b:s3+s18], $0x80, s31, s18, $0xb8;
	[tilespmem:$0x1F080] =	vst v63  }
0x47: {  	_ =	swait.ge [sflag:s26], $0x2800  }
0x48: {  	[sflag:s26] =	ssyncset.done $0x0  }
0x49: {  	s13 =	simm.s32 $0x2100;
	[sflag:s26] =	ssyncadd.s32 $0xFFFFD800  }
0x4a: {  	[spmem:s1] =	stream.indirect.scatter.add.f32 [tilespmem:s23], [sflag:$0x6], $0x80, s13, s18, $0xb8;
	[tilespmem:$0x1F080] =	vst v63  }
0x4b: {  	_ =	swait.ge [sflag:s6], $0x2800  }
0x4c: {  	[sflag:s6] =	ssyncset.done $0x0  }
0x4d: {  	s14 =	simm.s32 $0x200;
	[sflag:s6] =	ssyncadd.s32 $0xFFFFD800  }
0x4e: {  	[tilespmem:s20], [sflag:$0x2] =	stream.indirect.gather [hbm4b:s3+s18], $0x80, s14, s18, $0xb8;
	[tilespmem:$0x1F080] =	vst v63  }
0x4f: {  	_ =	swait.ge [sflag:s21], $0x2800  }
0x50: {  	[sflag:s21] =	ssyncset.done $0x0  }
0x51: {  	s31 =	simm.s32 $0x2180;
	[sflag:s21] =	ssyncadd.s32 $0xFFFFD800  }
0x52: {  	[spmem:s1] =	stream.indirect.scatter.add.f32 [tilespmem:s15], [sflag:$0x4], $0x80, s31, s18, $0xb8;
	[tilespmem:$0x1F080] =	vst v63  }
0x53: {  	_ =	swait.ge [sflag:s28], $0x2800  }
0x54: {  	[sflag:s28] =	ssyncset.done $0x0  }
0x55: {  	s4 =	simm.s32 $0x600;
	s13 =	simm.s32 $0x280;
	[sflag:s28] =	ssyncadd.s32 $0xFFFFD800  }
.LBB2_6:
0x56: {  	[tilespmem:s23], [sflag:$0x3] =	stream.indirect.gather [hbm4b:s3+s18], $0x80, s13, s18, $0xb8;
	[tilespmem:$0x1F080] =	vst v63  }
0x57: {  	s13 =	smov.u32 s4  }
0x58: {  	p1 =	sne.s32 s4, $0x7200;
	s4 =	sadd.s32 $0x600, s4;
	_ =	swait.ge [sflag:s24], $0x2800  }
0x59: {  	s13 =	sshra.s32 s13, $0x2;
	[sflag:s24] =	ssyncset.done $0x0  }
0x5a: {  	s14 =	sadd.s32 $0x2080, s13;
	[sflag:s24] =	ssyncadd.s32 $0xFFFFD800  }
0x5b: {  	[spmem:s1] =	stream.indirect.scatter.add.f32 [tilespmem:s20], [sflag:$0x5], $0x80, s14, s18, $0xb8;
	[tilespmem:$0x1F080] =	vst v63  }
0x5c: {  	_ =	swait.ge [sflag:s25], $0x2800  }
0x5d: {  	[sflag:s25] =	ssyncset.done $0x0  }
0x5e: {  	s14 =	sadd.s32 $0x180, s13;
	[sflag:s25] =	ssyncadd.s32 $0xFFFFD800  }
0x5f: {  	[tilespmem:s15], [sflag:$0x1] =	stream.indirect.gather [hbm4b:s3+s18], $0x80, s14, s18, $0xb8;
	[tilespmem:$0x1F080] =	vst v63  }
0x60: {  	_ =	swait.ge [sflag:s26], $0x2800  }
0x61: {  	[sflag:s26] =	ssyncset.done $0x0  }
0x62: {  	s14 =	sadd.s32 $0x2100, s13;
	[sflag:s26] =	ssyncadd.s32 $0xFFFFD800  }
0x63: {  	[spmem:s1] =	stream.indirect.scatter.add.f32 [tilespmem:s23], [sflag:$0x6], $0x80, s14, s18, $0xb8;
	[tilespmem:$0x1F080] =	vst v63  }
0x64: {  	_ =	swait.ge [sflag:s6], $0x2800  }
0x65: {  	[sflag:s6] =	ssyncset.done $0x0  }
0x66: {  	s14 =	sadd.s32 $0x200, s13;
	[sflag:s6] =	ssyncadd.s32 $0xFFFFD800  }
0x67: {  	[tilespmem:s20], [sflag:$0x2] =	stream.indirect.gather [hbm4b:s3+s18], $0x80, s14, s18, $0xb8;
	[tilespmem:$0x1F080] =	vst v63  }
0x68: {  	_ =	swait.ge [sflag:s21], $0x2800  }
0x69: {  	[sflag:s21] =	ssyncset.done $0x0  }
.Ltmp3:
0x6a: {  	s14 =	sadd.s32 $0x2180, s13;
	[sflag:s21] =	ssyncadd.s32 $0xFFFFD800;
	(pc) =	sbr.rel @p1 .LBB2_6-.Ltmp3, $4  }
0x6b: {  	[spmem:s1] =	stream.indirect.scatter.add.f32 [tilespmem:s15], [sflag:$0x4], $0x80, s14, s18, $0xb8;
	[tilespmem:$0x1F080] =	vst v63  }
0x6c: {  	_ =	swait.ge [sflag:s28], $0x2800  }
0x6d: {  	[sflag:s28] =	ssyncset.done $0x0  }
0x6e: {  	s13 =	sadd.s32 $0x280, s13;
	[sflag:s28] =	ssyncadd.s32 $0xFFFFD800  }
0x6f: {  	[tilespmem:s23], [sflag:$0x3] =	stream.indirect.gather [hbm4b:s3+s18], $0x80, s13, s18, $0xb8;
	[tilespmem:$0x1F080] =	vst v63  }
0x70: {  	_ =	swait.ge [sflag:s24], $0x2800  }
0x71: {  	[sflag:s24] =	ssyncset.done $0x0  }
0x72: {  	s4 =	simm.s32 $0x3E80;
	[sflag:s24] =	ssyncadd.s32 $0xFFFFD800  }
0x73: {  	[spmem:s1] =	stream.indirect.scatter.add.f32 [tilespmem:s20], [sflag:$0x5], $0x80, s4, s18, $0xb8;
	[tilespmem:$0x1F080] =	vst v63  }
0x74: {  	_ =	swait.ge [sflag:s25], $0x2800  }
0x75: {  	[sflag:s25] =	ssyncset.done $0x0  }
0x76: {  	s13 =	simm.s32 $0x1F80;
	[sflag:s25] =	ssyncadd.s32 $0xFFFFD800  }
0x77: {  	[tilespmem:s15], [sflag:$0x1] =	stream.indirect.gather [hbm4b:s3+s18], $0x80, s13, s18, $0xb8;
	[tilespmem:$0x1F080] =	vst v63  }
0x78: {  	_ =	swait.ge [sflag:s26], $0x2800  }
0x79: {  	[sflag:s26] =	ssyncset.done $0x0  }
0x7a: {  	s14 =	simm.s32 $0x3F00;
	[sflag:s26] =	ssyncadd.s32 $0xFFFFD800  }
0x7b: {  	[spmem:s1] =	stream.indirect.scatter.add.f32 [tilespmem:s23], [sflag:$0x6], $0x80, s14, s18, $0xb8;
	[tilespmem:$0x1F080] =	vst v63  }
0x7c: {  	_ =	swait.ge [sflag:s6], $0x2800  }
0x7d: {  	[sflag:s6] =	ssyncset.done $0x0  }
0x7e: {  	[sflag:s6] =	ssyncadd.s32 $0xFFFFD800  }
0x7f: {  	_ =	swait.ge [sflag:s21], $0x2800  }
0x80: {  	[sflag:s21] =	ssyncset.done $0x0  }
0x81: {  	s31 =	simm.s32 $0x3F80;
	[sflag:s21] =	ssyncadd.s32 $0xFFFFD800  }
0x82: {  	[spmem:s1] =	stream.indirect.scatter.add.f32 [tilespmem:s15], [sflag:$0x4], $0x80, s31, s18, $0xb8;
	[tilespmem:$0x1F080] =	vst v63  }
0x83: {  	_ =	swait.ge [sflag:s28], $0x2800  }
0x84: {  	[sflag:s28] =	ssyncset.done $0x0  }
0x85: {  	[sflag:s28] =	ssyncadd.s32 $0xFFFFD800  }
0x86: {  	_ =	swait.ge [sflag:s25], $0x2800  }
0x87: {  	[sflag:s25] =	ssyncset.done $0x0  }
0x88: {  	s13 =	simm.s32 $0x0;
	[sflag:s25] =	ssyncadd.s32 $0xFFFFD800  }
0x89: {  	[tilespmem:s13], [sflag:$0x7] =	stream.linear.gather [hbm4b:s10+s13], $0x1E80, $0x38;
	[tilespmem:$0x1F080] =	vst v63  }
0x8a: {  	_ =	swait.ge [sflag:s16], $0x1E80  }
0x8b: {  	[sflag:s16] =	ssyncset.done $0x0  }
0x8c: {  	[sflag:s16] =	ssyncadd.s32 $0xFFFFE180  }
0x8d: {  	[tilespmem:s17], [sflag:$0x7] =	stream.linear.gather [hbm4b:s11+s13], $0x1E80, $0x38;
	[tilespmem:$0x1F080] =	vst v63  }
0x8e: {  	_ =	swait.ge [sflag:s16], $0x1E80  }
0x8f: {  	[sflag:s16] =	ssyncset.done $0x0  }
0x90: {  	[sflag:s16] =	ssyncadd.s32 $0xFFFFE180  }
0x91: {  	[tilespmem:s15], [sflag:$0x1] =	stream.indirect.gather [hbm4b:s3+s18], $0x80, s13, s18, $0xb8;
	[tilespmem:$0x1F080] =	vst v63  }
0x92: {  	_ = 	snop  }
0x93: {  	[tilespmem:s20], [sflag:$0x2] =	stream.indirect.gather [hbm4b:s3+s18], $0x80, s19, s18, $0xb8;
	[tilespmem:$0x1F080] =	vst v63  }
0x94: {  	_ =	swait.ge [sflag:s21], $0x2800  }
0x95: {  	[sflag:s21] =	ssyncset.done $0x0  }
0x96: {  	[sflag:s21] =	ssyncadd.s32 $0xFFFFD800  }
0x97: {  	[spmem:s1] =	stream.indirect.scatter.add.f32 [tilespmem:s15], [sflag:$0x4], $0x80, s17, s18, $0xb8;
	[tilespmem:$0x1F080] =	vst v63  }
0x98: {  	_ = 	snop  }
0x99: {  	[tilespmem:s23], [sflag:$0x3] =	stream.indirect.gather [hbm4b:s3+s18], $0x80, s22, s18, $0xb8;
	[tilespmem:$0x1F080] =	vst v63  }
0x9a: {  	_ =	swait.ge [sflag:s24], $0x2800  }
0x9b: {  	[sflag:s24] =	ssyncset.done $0x0  }
0x9c: {  	s14 =	simm.s32 $0x2080;
	[sflag:s24] =	ssyncadd.s32 $0xFFFFD800  }
0x9d: {  	[spmem:s1] =	stream.indirect.scatter.add.f32 [tilespmem:s20], [sflag:$0x5], $0x80, s14, s18, $0xb8;
	[tilespmem:$0x1F080] =	vst v63  }
0x9e: {  	_ =	swait.ge [sflag:s25], $0x2800  }
0x9f: {  	[sflag:s25] =	ssyncset.done $0x0  }
0xa0: {  	s31 =	simm.s32 $0x180;
	[sflag:s25] =	ssyncadd.s32 $0xFFFFD800  }
0xa1: {  	[tilespmem:s15], [sflag:$0x1] =	stream.indirect.gather [hbm4b:s3+s18], $0x80, s31, s18, $0xb8;
	[tilespmem:$0x1F080] =	vst v63  }
0xa2: {  	_ =	swait.ge [sflag:s26], $0x2800  }
0xa3: {  	[sflag:s26] =	ssyncset.done $0x0  }
0xa4: {  	s13 =	simm.s32 $0x2100;
	[sflag:s26] =	ssyncadd.s32 $0xFFFFD800  }
0xa5: {  	[spmem:s1] =	stream.indirect.scatter.add.f32 [tilespmem:s23], [sflag:$0x6], $0x80, s13, s18, $0xb8;
	[tilespmem:$0x1F080] =	vst v63  }
0xa6: {  	_ =	swait.ge [sflag:s6], $0x2800  }
0xa7: {  	[sflag:s6] =	ssyncset.done $0x0  }
0xa8: {  	s14 =	simm.s32 $0x200;
	[sflag:s6] =	ssyncadd.s32 $0xFFFFD800  }
0xa9: {  	[tilespmem:s20], [sflag:$0x2] =	stream.indirect.gather [hbm4b:s3+s18], $0x80, s14, s18, $0xb8;
	[tilespmem:$0x1F080] =	vst v63  }
0xaa: {  	_ =	swait.ge [sflag:s21], $0x2800  }
0xab: {  	[sflag:s21] =	ssyncset.done $0x0  }
0xac: {  	s31 =	simm.s32 $0x2180;
	[sflag:s21] =	ssyncadd.s32 $0xFFFFD800  }
0xad: {  	[spmem:s1] =	stream.indirect.scatter.add.f32 [tilespmem:s15], [sflag:$0x4], $0x80, s31, s18, $0xb8;
	[tilespmem:$0x1F080] =	vst v63  }
0xae: {  	_ =	swait.ge [sflag:s28], $0x2800  }
0xaf: {  	[sflag:s28] =	ssyncset.done $0x0  }
0xb0: {  	s4 =	simm.s32 $0x600;
	s13 =	simm.s32 $0x280;
	[sflag:s28] =	ssyncadd.s32 $0xFFFFD800  }
.LBB2_8:
0xb1: {  	[tilespmem:s23], [sflag:$0x3] =	stream.indirect.gather [hbm4b:s3+s18], $0x80, s13, s18, $0xb8;
	[tilespmem:$0x1F080] =	vst v63  }
0xb2: {  	s13 =	smov.u32 s4  }
0xb3: {  	p1 =	sne.s32 s4, $0x6C00;
	s4 =	sadd.s32 $0x600, s4;
	_ =	swait.ge [sflag:s24], $0x2800  }
0xb4: {  	s13 =	sshra.s32 s13, $0x2;
	[sflag:s24] =	ssyncset.done $0x0  }
0xb5: {  	s14 =	sadd.s32 $0x2080, s13;
	[sflag:s24] =	ssyncadd.s32 $0xFFFFD800  }
0xb6: {  	[spmem:s1] =	stream.indirect.scatter.add.f32 [tilespmem:s20], [sflag:$0x5], $0x80, s14, s18, $0xb8;
	[tilespmem:$0x1F080] =	vst v63  }
0xb7: {  	_ =	swait.ge [sflag:s25], $0x2800  }
0xb8: {  	[sflag:s25] =	ssyncset.done $0x0  }
0xb9: {  	s14 =	sadd.s32 $0x180, s13;
	[sflag:s25] =	ssyncadd.s32 $0xFFFFD800  }
0xba: {  	[tilespmem:s15], [sflag:$0x1] =	stream.indirect.gather [hbm4b:s3+s18], $0x80, s14, s18, $0xb8;
	[tilespmem:$0x1F080] =	vst v63  }
0xbb: {  	_ =	swait.ge [sflag:s26], $0x2800  }
0xbc: {  	[sflag:s26] =	ssyncset.done $0x0  }
0xbd: {  	s14 =	sadd.s32 $0x2100, s13;
	[sflag:s26] =	ssyncadd.s32 $0xFFFFD800  }
0xbe: {  	[spmem:s1] =	stream.indirect.scatter.add.f32 [tilespmem:s23], [sflag:$0x6], $0x80, s14, s18, $0xb8;
	[tilespmem:$0x1F080] =	vst v63  }
0xbf: {  	_ =	swait.ge [sflag:s6], $0x2800  }
0xc0: {  	[sflag:s6] =	ssyncset.done $0x0  }
0xc1: {  	s14 =	sadd.s32 $0x200, s13;
	[sflag:s6] =	ssyncadd.s32 $0xFFFFD800  }
0xc2: {  	[tilespmem:s20], [sflag:$0x2] =	stream.indirect.gather [hbm4b:s3+s18], $0x80, s14, s18, $0xb8;
	[tilespmem:$0x1F080] =	vst v63  }
0xc3: {  	_ =	swait.ge [sflag:s21], $0x2800  }
0xc4: {  	[sflag:s21] =	ssyncset.done $0x0  }
.Ltmp4:
0xc5: {  	s14 =	sadd.s32 $0x2180, s13;
	[sflag:s21] =	ssyncadd.s32 $0xFFFFD800;
	(pc) =	sbr.rel @p1 .LBB2_8-.Ltmp4, $4  }
0xc6: {  	[spmem:s1] =	stream.indirect.scatter.add.f32 [tilespmem:s15], [sflag:$0x4], $0x80, s14, s18, $0xb8;
	[tilespmem:$0x1F080] =	vst v63  }
0xc7: {  	_ =	swait.ge [sflag:s28], $0x2800  }
0xc8: {  	[sflag:s28] =	ssyncset.done $0x0  }
0xc9: {  	s13 =	sadd.s32 $0x280, s13;
	[sflag:s28] =	ssyncadd.s32 $0xFFFFD800  }
0xca: {  	[tilespmem:s23], [sflag:$0x3] =	stream.indirect.gather [hbm4b:s3+s18], $0x80, s13, s18, $0xb8;
	[tilespmem:$0x1F080] =	vst v63  }
0xcb: {  	_ =	swait.ge [sflag:s24], $0x2800  }
0xcc: {  	[sflag:s24] =	ssyncset.done $0x0  }
0xcd: {  	s4 =	simm.s32 $0x3D00;
	[sflag:s24] =	ssyncadd.s32 $0xFFFFD800  }
0xce: {  	[spmem:s1] =	stream.indirect.scatter.add.f32 [tilespmem:s20], [sflag:$0x5], $0x80, s4, s18, $0xb8;
	[tilespmem:$0x1F080] =	vst v63  }
0xcf: {  	_ =	swait.ge [sflag:s25], $0x2800  }
0xd0: {  	[sflag:s25] =	ssyncset.done $0x0  }
0xd1: {  	s31 =	simm.s32 $0x1E00;
	[sflag:s25] =	ssyncadd.s32 $0xFFFFD800  }
0xd2: {  	[tilespmem:s15], [sflag:$0x1] =	stream.indirect.gather [hbm4b:s3+s18], $0x80, s31, s18, $0xb8;
	[tilespmem:$0x1F080] =	vst v63  }
0xd3: {  	_ =	swait.ge [sflag:s26], $0x2800  }
0xd4: {  	[sflag:s26] =	ssyncset.done $0x0  }
0xd5: {  	s13 =	simm.s32 $0x3D80;
	[sflag:s26] =	ssyncadd.s32 $0xFFFFD800  }
0xd6: {  	[spmem:s1] =	stream.indirect.scatter.add.f32 [tilespmem:s23], [sflag:$0x6], $0x80, s13, s18, $0xb8;
	[tilespmem:$0x1F080] =	vst v63  }
0xd7: {  	_ =	swait.ge [sflag:s6], $0x2800  }
0xd8: {  	[sflag:s6] =	ssyncset.done $0x0  }
0xd9: {  	[sflag:s6] =	ssyncadd.s32 $0xFFFFD800  }
0xda: {  	_ =	swait.ge [sflag:s21], $0x2800  }
0xdb: {  	[sflag:s21] =	ssyncset.done $0x0  }
0xdc: {  	s14 =	simm.s32 $0x3E00;
	[sflag:s21] =	ssyncadd.s32 $0xFFFFD800  }
0xdd: {  	[spmem:s1] =	stream.indirect.scatter.add.f32 [tilespmem:s15], [sflag:$0x4], $0x80, s14, s18, $0xb8;
	[tilespmem:$0x1F080] =	vst v63  }
0xde: {  	_ =	swait.ge [sflag:s28], $0x2800  }
0xdf: {  	[sflag:s28] =	ssyncset.done $0x0  }
0xe0: {  	[sflag:s28] =	ssyncadd.s32 $0xFFFFD800  }
0xe1: {  	_ =	swait.ge [sflag:s25], $0x2800  }
0xe2: {  	[sflag:s25] =	ssyncset.done $0x0  }
0xe3: {  	[sflag:s25] =	ssyncadd.s32 $0xFFFFD800  }
0xe4: {  	[bflag:$0x0] =	sbarrier.arrive $0xFFFF  }
0xe5: {  	[tilespmem:s15], [sflag:$0x7] =	stream.linear.gather [spmem:s30], $0x2800, $0x38;
	[tilespmem:$0x1F080] =	vst v63  }
0xe6: {  	_ =	swait.ge [sflag:s16], $0x2800  }
.Ltmp5:
0xe7: {  	s31 =	sshrl.u32 s29, $0x3;
	[sflag:s16] =	ssyncset.done $0x0;
	(pc) =	sbr.rel @!p0 .LBB2_11-.Ltmp5, $4  }
0xe8: {  	s4 =	sadd.s32 s5, s31;
	[sflag:s16] =	ssyncadd.s32 $0xFFFFD800  }
0xe9: {  	[hbm4b:s4+s2] =	stream.linear.scatter [tilespmem:s15], [sflag:$0x7], $0x2800, $0x38;
	[tilespmem:$0x1F080] =	vst v63  }
0xea: {  	s13 =	smov.u32 s30;
	_ =	swait.ge [sflag:s16], $0x2800  }
0xeb: {  	s14 =	smov.u32 s29;
	s4 =	sadd.s32 $0xFFFFFFFF, s7;
	[sflag:s16] =	ssyncset.done $0x0  }
.LBB2_10:
0xec: {  	[sflag:s16] =	ssyncadd.s32 $0xFFFFD800;
	s14 =	sadd.s32 $0x2800, s14;
	s13 =	sadd.s32 $0x2800, s13  }
0xed: {  	[tilespmem:s15], [sflag:$0x7] =	stream.linear.gather [spmem:s13], $0x2800, $0x38;
	[tilespmem:$0x1F080] =	vst v63  }
0xee: {  	p0 =	sne.s32 s4, $0x1;
	s4 =	sadd.s32 $0xFFFFFFFF, s4;
	_ =	swait.ge [sflag:s16], $0x2800  }
.Ltmp6:
0xef: {  	s31 =	sshrl.u32 s14, $0x3;
	[sflag:s16] =	ssyncset.done $0x0;
	(pc) =	sbr.rel @p0 .LBB2_10-.Ltmp6, $4  }
0xf0: {  	s31 =	sadd.s32 s5, s31;
	[sflag:s16] =	ssyncadd.s32 $0xFFFFD800  }
0xf1: {  	[hbm4b:s31+s2] =	stream.linear.scatter [tilespmem:s15], [sflag:$0x7], $0x2800, $0x38;
	[tilespmem:$0x1F080] =	vst v63  }
0xf2: {  	_ =	swait.ge [sflag:s16], $0x2800  }
0xf3: {  	[sflag:s16] =	ssyncset.done $0x0  }
.LBB2_11:
0xf4: {  	s0 =	sadd.s32 $0x1, s0  }
0xf5: {  	p0 =	sne.s32 s0, s12  }
.Ltmp7:
0xf6: {  	_ = 	snop;
	(pc) =	sbr.rel @p0 .LBB2_1-.Ltmp7, $2  }
0xf7: {  	_ =	sdelay $0x2  }
0xf8: {  	[sflag:s16] =	ssyncadd.s32 $0xFFFFD800  }
0xf9: {  	_ =	sfence.sel $0x180000  }
0xfa: {  	[bflag:$0x0] =	sbarrier.arrive $0xFFFF  }
0xfb: {  	_ =	strace $0x9000004D  }
0xfc: {  	s0 =	stileid.u32;
	[bflag:$0x2] =	sbarrier.arrive $0xFFFF  }
0xfd: {  	p0 =	sne.s32 s0, $0x0;
	s0 =	rddreg [dreg:$0x2]  }
0xfe: {  	s0 =	sadd.s32 @!p0 $0x100000, s0  }
0xff: {  	[sflag:s0] =	ssyncadd.tile.s32 @!p0 $0x1;
	_ =	shalt  }
.Lfunc_end2:
_tile_overlayer_lowered:
.L_overlay_start_2:
0x100: {  	(tag) =	ssettag $0x2  }
0x101: {  	s0 =	rddreg [dreg:$0x0];
	s2 =	stileid.u32  }
0x102: {  	s1 =	rddreg [dreg:$0x1];
	p0 =	sne.s32 s2, $0x0  }
0x103: {  	s3 =	rddreg [dreg:$0x2];
	[bflag:$0x3] =	sbarrier.arrive $0xFFFF;
	s2 =	simm.s32 @!p0 $0x1C07  }
0x104: {  	[timem:s3], [sflag:s2] =	dma.local @!p0 [hbm:s0], s1  }
0x105: {  	s0 =	simm.s32 @!p0 $0x7  }
0x106: {  	_ =	swait.ge @!p0 [sflag:s0], s1  }
0x107: {  	s1 =	ssub.s32 @!p0 $0x0, s1;
	[sflag:s0] =	ssyncset.done @!p0 $0x0  }
0x108: {  	[sflag:s0] =	ssyncadd.s32 @!p0 s1  }
0x109: {  	[bflag:$0x3] =	sbarrier.arrive $0xFFFF  }
0x10a: {  	_ =	shalt  }

// kernel: _impl.8.cloned.1.call-start
scs
__scs_entry_jumppad:
0x0: {  	(pc) =	sbr.rel $0x88, $3  }
0x1: {  	(tag) =	ssettag $0x0;
	lr =	simm.s32 $0x1  }
0x2: {  	[smem:$0x3F98] =	sst lr;
	_ =	strace $0xD0000000  }
0x3: {  	_ = 	snop  }
0x4: {  	_ = 	snop  }
0x5: {  	_ = 	snop  }
0x6: {  	_ = 	snop  }
0x7: {  	_ = 	snop  }
__scs_overlays_trampoline_lowered:
0x8: {  	[smem:$0x3FA7] =	sst s0  }
0x9: {  	[smem:$0x3FA8] =	sst s1  }
0xa: {  	[smem:$0x3FA9] =	sst s2  }
0xb: {  	[smem:$0x3FAA] =	sst s3  }
0xc: {  	[smem:$0x3FAB] =	sst s4  }
0xd: {  	[smem:$0x3FAC] =	sst s5  }
0xe: {  	[smem:$0x3FAD] =	sst s6  }
0xf: {  	[smem:$0x3FAE] =	sst s7  }
0x10: {  	[smem:$0x3FAF] =	sst s8  }
0x11: {  	[smem:$0x3FB0] =	sst s9;
	s0 =	simm.s32 @!p0 $0x0  }
0x12: {  	s1 =	sld [smem:$0x3F96];
	s0 =	simm.s32 @p0 $0x1  }
0x13: {  	[smem:$0x3FB1] =	sst s0;
	s0 =	simm.s32 @!p1 $0x0  }
0x14: {  	s2 =	sld [smem:$0x3F95];
	s0 =	simm.s32 @p1 $0x1  }
0x15: {  	[smem:$0x3FB2] =	sst s0;
	s0 =	simm.s32 @!p2 $0x0  }
0x16: {  	s3 =	sld [smem:$0x3FDB];
	s0 =	simm.s32 @p2 $0x1  }
0x17: {  	s4 =	simm.s32 $0x1BF5;
	[smem:$0x3FB4] =	sst s0  }
0x18: {  	s0 =	sld [smem:$0x3F97];
	_ =	swait.ge [sflag:s4], $0x0  }
0x19: {  	s7 =	sld [smem:$0x3F98]  }
0x1a: {  	s8 =	sadd.s32 $0xFFFFE003, lr  }
0x1b: {  	s9 =	sadd.s32 $0xFFFFFEF7, lr;
	s5 =	simm.s32 $0xFFFFFFFF;
	p2 =	slt.u32 s8, $0xFFFFF086  }
0x1c: {  	p1 =	slt.u32 s9, $0xF7A;
	s5 =	simm.s32 @!p2 $0x0  }
0x1d: {  	s5 =	simm.s32 @p1 $0x1;
	p0 =	seq.s32 s7, s2  }
0x1e: {  	s7 =	smul.u32 @!p0 $0xF7A, s2;
	p2 =	seq.s32 @!p0 s5, $0x0  }
0x1f: {  	s9 =	smul.u32 $0xF7A, s1;
	s8 =	simm.s32 @!p0 $0x1BF5;
	p2 =	por !p2, p0  }
0x20: {  	[sflag:s8] =	ssyncset.s32 @!p0 $0xFFFFF086;
	s6 =	sadd.s32 @!p0 s3, s7;
	s7 =	simm.s32 @!p0 $0x108  }
0x21: {  	s3 =	sadd.s32 s3, s9;
	s6 =	sadd.s32 @!p0 $0x88, s6;
	s7 =	simm.s32 @p2 $0x1082  }
0x22: {  	[simem:s7], [sflag:s8] =	dma.local @!p0 [hbm:s6], $0xF7A  }
0x23: {  	s9 =	sor.u32 $0xD0000000, s2;
	s6 =	simm.s32 $0x108;
	_ =	swait.ge @!p0 [sflag:s8], $0x0  }
0x24: {  	s3 =	sadd.s32 $0x88, s3;
	s6 =	simm.s32 @!p1 $0x1082;
	[sflag:s4] =	ssyncset.s32 $0xFFFFF086  }
0x25: {  	[simem:s6], [sflag:s4] =	dma.local [hbm:s3], $0xF7A  }
0x26: {  	[smem:$0x3F98] =	sst s1;
	(tag) =	ssettag s2;
	_ =	strace s9  }
0x27: {  	s1 =	sld [smem:$0x3FA8]  }
0x28: {  	s2 =	sld [smem:$0x3FA9]  }
0x29: {  	s4 =	sld [smem:$0x3FAB]  }
0x2a: {  	p0 =	seq.s32 s5, $0x0;
	s5 =	sld [smem:$0x3FAC]  }
0x2b: {  	s6 =	sld [smem:$0x3FAD]  }
0x2c: {  	s7 =	sld [smem:$0x3FAE]  }
0x2d: {  	s3 =	simm.s32 $0x108;
	s8 =	sld [smem:$0x3FAF]  }
0x2e: {  	s3 =	simm.s32 @!p0 $0x1082;
	s9 =	sld [smem:$0x3FB0]  }
0x2f: {  	lr =	sadd.s32 s0, s3;
	s0 =	sld [smem:$0x3FA7]  }
0x30: {  	s3 =	sld [smem:$0x3FAA]  }
0x31: {  	[smem:$0x3FB3] =	sst s10  }
0x32: {  	s10 =	sld [smem:$0x3FB1];
	_ =	sdelay $0x3  }
0x33: {  	p0 =	seq.s32 s10, $0x1;
	s10 =	sld [smem:$0x3FB3];
	_ =	sdelay $0x3  }
0x34: {  	[smem:$0x3FB3] =	sst s10  }
0x35: {  	s10 =	sld [smem:$0x3FB2];
	_ =	sdelay $0x3  }
0x36: {  	p1 =	seq.s32 s10, $0x1;
	s10 =	sld [smem:$0x3FB3];
	_ =	sdelay $0x3  }
0x37: {  	[smem:$0x3FB3] =	sst s10  }
0x38: {  	s10 =	sld [smem:$0x3FB4]  }
0x39: {  	_ = 	snop;
	(pc) =	sbr.ind lr, $3  }
0x3a: {  	_ = 	snop  }
0x3b: {  	_ = 	snop  }
0x3c: {  	p2 =	seq.s32 s10, $0x1;
	s10 =	sld [smem:$0x3FB3]  }
0x3d: {  	_ =	shalt  }
0x3e: {  	_ =	shalt  }
0x3f: {  	_ =	shalt  }
0x40: {  	_ =	shalt  }
0x41: {  	_ =	shalt  }
0x42: {  	_ =	shalt  }
0x43: {  	_ =	shalt  }
0x44: {  	_ =	shalt  }
0x45: {  	_ =	shalt  }
0x46: {  	_ =	shalt  }
0x47: {  	_ =	shalt  }
0x48: {  	_ =	shalt  }
0x49: {  	_ =	shalt  }
0x4a: {  	_ =	shalt  }
0x4b: {  	_ =	shalt  }
0x4c: {  	_ =	shalt  }
0x4d: {  	_ =	shalt  }
0x4e: {  	_ =	shalt  }
0x4f: {  	_ =	shalt  }
0x50: {  	_ =	shalt  }
0x51: {  	_ =	shalt  }
0x52: {  	_ =	shalt  }
0x53: {  	_ =	shalt  }
0x54: {  	_ =	shalt  }
0x55: {  	_ =	shalt  }
0x56: {  	_ =	shalt  }
0x57: {  	_ =	shalt  }
0x58: {  	_ =	shalt  }
0x59: {  	_ =	shalt  }
0x5a: {  	_ =	shalt  }
0x5b: {  	_ =	shalt  }
0x5c: {  	_ =	shalt  }
0x5d: {  	_ =	shalt  }
0x5e: {  	_ =	shalt  }
0x5f: {  	_ =	shalt  }
0x60: {  	_ =	shalt  }
0x61: {  	_ =	shalt  }
0x62: {  	_ =	shalt  }
0x63: {  	_ =	shalt  }
0x64: {  	_ =	shalt  }
0x65: {  	_ =	shalt  }
0x66: {  	_ =	shalt  }
0x67: {  	_ =	shalt  }
0x68: {  	_ =	shalt  }
0x69: {  	_ =	shalt  }
0x6a: {  	_ =	shalt  }
0x6b: {  	_ =	shalt  }
0x6c: {  	_ =	shalt  }
0x6d: {  	_ =	shalt  }
0x6e: {  	_ =	shalt  }
0x6f: {  	_ =	shalt  }
0x70: {  	_ =	shalt  }
0x71: {  	_ =	shalt  }
0x72: {  	_ =	shalt  }
0x73: {  	_ =	shalt  }
0x74: {  	_ =	shalt  }
0x75: {  	_ =	shalt  }
0x76: {  	_ =	shalt  }
0x77: {  	_ =	shalt  }
0x78: {  	_ =	shalt  }
0x79: {  	_ =	shalt  }
0x7a: {  	_ =	shalt  }
0x7b: {  	_ =	shalt  }
0x7c: {  	_ =	shalt  }
0x7d: {  	_ =	shalt  }
0x7e: {  	_ =	shalt  }
0x7f: {  	_ =	shalt  }
0x80: {  	_ =	shalt  }
0x81: {  	_ =	shalt  }
0x82: {  	_ =	shalt  }
0x83: {  	_ =	shalt  }
0x84: {  	_ =	shalt  }
0x85: {  	_ =	shalt  }
0x86: {  	_ =	shalt  }
0x87: {  	_ =	shalt  }
.Lfunc_end0:
.L_simem_size_0:
called_computation_lowered:
.L_overlay_start_0:
0x88: {  	s2 =	sld [smem:$0x3FD9]  }
0x89: {  	s3 =	sld [smem:$0x3FFE];
	_ =	sdelay $0x1  }
0x8a: {  	s1 =	srdreg.scid  }
0x8b: {  	s0 =	sand.u32 $0x1, s1  }
0x8c: {  	s16 =	sshll.u32 s0, $0xA;
	s2 =	sadd.s32 s3, s2  }
0x8d: {  	s2 =	sadd.s32 s2, s16  }
0x8e: {  	[smem:$0x3FBF] =	sst s2  }
0x8f: {  	_ = 	snop  }
0x90: {  	(tm) =	ssettm $0x1  }
0x91: {  	s17 =	sld [smem:$0x3FFB];
	_ =	sdelay $0x3  }
0x92: {  	_ =	strace s17  }
0x93: {  	s2 =	sld [smem:$0x3FFC];
	_ =	sdelay $0x3  }
0x94: {  	_ =	strace s2  }
0x95: {  	s2 =	sld [smem:$0x3FFD];
	_ =	sdelay $0x3  }
0x96: {  	_ =	strace s2  }
0x97: {  	_ =	strace $0x8FFFFFFF  }
0x98: {  	s18 =	sld [smem:$0x3FDB];
	_ =	sdelay $0x1  }
0x99: {  	s19 =	simm.s32 $_scs_section_size  }
0x9a: {  	s4 =	simm.s32 $_size__tile_overlayer_lowered;
	s5 =	simm.s32 $_tile_overlayer_lowered  }
0x9b: {  	s22 =	simm.s32 $0x1BFF;
	s21 =	sshll.u32 s5, $0x1;
	s2 =	sadd.s32 s19, s18  }
0x9c: {  	s6 =	simm.s32 $0x0;
	s20 =	sshll.u32 s4, $0x1;
	s4 =	sadd.s32 s21, s2  }
0x9d: {  	[timem:s6], [sflag:s22] =	dma.local [hbm:s4], s20  }
0x9e: {  	_ =	swait.ge [sflag:s22], s20  }
0x9f: {  	s3 =	ssub.s32 $0x0, s20;
	[sflag:s22] =	ssyncset.done $0x0  }
0xa0: {  	[sflag:s22] =	ssyncadd.s32 s3;
	_ =	sdelay $0x1  }
0xa1: {  	s23 =	simm.s32 $0x1B8B  }
0xa2: {  	_ =	swait.ge [sflag:s23], $0x1  }
0xa3: {  	[sflag:s23] =	ssyncset.done $0x0  }
0xa4: {  	s25 =	simm.s32 $0x1B8E;
	s24 =	sld [smem:$0x3FFE];
	[sflag:s23] =	ssyncadd.s32 $0xFFFFFFFF  }
0xa5: {  	s26 =	simm.s32 $execute0_lowered;
	[smem:$0x3FD2] =	sst s25  }
0xa6: {  	s4 =	sshll.u32 s26, $0x1;
	_ =	strace $0x80000046;
	[dreg:$0x1] =	wrdreg $0xFFFFFFFF  }
0xa7: {  	s28 =	simm.s32 $_size_execute0_lowered;
	s2 =	sadd.s32 s2, s4;
	[dreg:$0x0] =	wrdreg $0x0  }
0xa8: {  	s4 =	sshll.u32 s28, $0x1;
	[dreg:$0x2] =	wrdreg s2  }
0xa9: {  	[dreg:$0x3] =	wrdreg s4  }
0xaa: {  	[dreg:$0x4] =	wrdreg $0xC0  }
0xab: {  	_ =	task [dreg:s6], $0x5FFFF  }
0xac: {  	[dreg:$0x1] =	wrdreg $0xFFFFFFFF  }
0xad: {  	[dreg:$0x0] =	wrdreg $0x60  }
0xae: {  	[dreg:$0x2] =	wrdreg s24  }
0xaf: {  	[dreg:$0x3] =	wrdreg $0x43000  }
0xb0: {  	[dreg:$0x4] =	wrdreg $0x9  }
0xb1: {  	_ =	task.clear_ibuf [dreg:s6], $0x5FFFF;
	_ =	strace $0x90000046  }
0xb2: {  	s29 =	simm.s32 $0x9;
	_ =	strace $0x80000048  }
0xb3: {  	_ =	swait.ge [sflag:s29], $0x1  }
0xb4: {  	[sflag:s29] =	ssyncadd.s32 $0xFFFFFFFF  }
0xb5: {  	_ =	strace $0x90000048  }
0xb6: {  	_ =	sfence  }
0xb7: {  	s30 =	sld [smem:$0x0];
	_ =	sdelay $0x2  }
0xb8: {  	s31 =	sshll.u32 s1, $0xD;
	s1 =	sshrl.u32 s1, $0x2  }
0xb9: {  	s3 =	sand.u32 $0x4000, s31;
	s1 =	sadd.s32 s1, s30  }
0xba: {  	s0 =	sor.u32 s3, s0;
	s1 =	sshll.u32 s1, $0x11  }
0xbb: {  	s0 =	sor.u32 s1, s0  }
0xbc: {  	s0 =	sadd.s32 $0x8F2B, s0  }
0xbd: {  	[sflag:s0] =	ssyncadd.remote.s32 $0x1  }
0xbe: {  	_ =	sfence.sel $0xFFFF  }
0xbf: {  	[dreg:$0x0] =	wrdreg $0xFFFFFFFF;
	(pc) =	sbr.abs _section_cstart, $3  }
0xc0: {  	[dreg:$0x1] =	wrdreg $0xFFFFFFFF  }
0xc1: {  	_ =	task.clear_ibuf [dreg:s6], $0x2FFFF;
	_ =	strace $0x9FFFFFFF  }
0xc2: {  	(tm) =	ssettm $0x7FFFFFFF  }
0xc3: {  	_ =	shalt  }
tec
execute0_lowered:
.L_overlay_start_1:
0x0: {  	(tag) =	ssettag $0x1  }
0x1: {  	s4 =	rddreg [dreg:$0x0];
	s1 =	srdreg.scid  }
0x2: {  	s0 =	stileid.u32;
	s2 =	rddreg [dreg:$0x1]  }
0x3: {  	s3 =	simm.s32 $0x0;
	s11 =	simm.s32 $0x4000;
	s12 =	simm.s32 $0x1  }
0x4: {  	s13 =	simm.s32 $0x0;
	s5 =	sand.u32 $0x1, s1;
	s1 =	rddreg [dreg:$0x2]  }
0x5: {  	s6 =	smul.u32 $0x280, s0;
	[smem:$0x7FF] =	sst s3;
	s9 =	sshll.u32 s0, $0xC  }
0x6: {  	s7 =	smul.u32 $0x2800, s5;
	s8 =	sshll.u32 s5, $0xB;
	s5 =	ssub.s32 $0x2, s5  }
0x7: {  	_ =	strace $0x80000047;
	s8 =	sadd.s32 s8, s4;
	s30 =	sshrl.u32 s5, $0x1  }
0x8: {  	s7 =	sadd.s32 s6, s7;
	s10 =	ssub.s32 s5, s30;
	s31 =	sadd.s32 s9, s8  }
0x9: {  	s8 =	simm.s32 $0x4080;
	s9 =	simm.s32 $0x2;
	s7 =	sshrl.u32 s7, $0x3  }
0xa: {  	s5 =	sadd.s32 $0x3E00, s31;
	s7 =	sadd.s32 s7, s4;
	s4 =	sadd.s32 s6, s2  }
0xb: {  	v0 =	vimm.f32 $1.000000000e+00;
	v1 =	vimm.f32 $0.0e+00;
	s6 =	sadd.s32 $0x13E00, s7;
	s7 =	smax.u32 s10, $0x1;
	s10 =	simm.s32 $0x50  }
.LBB2_1:
0xc: {  	[tilespmem:$0x4000] =	vst v0  }
0xd: {  	[tilespmem:$0x4010] =	vst v0  }
0xe: {  	[tilespmem:$0x4020] =	vst v0  }
0xf: {  	[tilespmem:$0x4030] =	vst v0  }
0x10: {  	[tilespmem:$0x4040] =	vst v0  }
0x11: {  	[tilespmem:$0x4080] =	vst v1  }
0x12: {  	[tilespmem:$0x4090] =	vst v1  }
0x13: {  	[tilespmem:$0x40A0] =	vst v1  }
0x14: {  	[tilespmem:$0x40B0] =	vst v1  }
0x15: {  	[tilespmem:$0x40C0] =	vst v1  }
0x16: {  	[tilespmem:$0x40D0] =	vst v1  }
0x17: {  	[tilespmem:$0x40E0] =	vst v1  }
0x18: {  	[tilespmem:$0x40F0] =	vst v1  }
0x19: {  	[tilespmem:$0x4100] =	vst v1  }
0x1a: {  	[tilespmem:$0x4110] =	vst v1  }
0x1b: {  	[tilespmem:$0x4120] =	vst v1  }
0x1c: {  	[tilespmem:$0x4130] =	vst v1  }
0x1d: {  	[tilespmem:$0x4140] =	vst v1  }
0x1e: {  	[tilespmem:$0x4150] =	vst v1  }
0x1f: {  	[tilespmem:$0x4160] =	vst v1  }
0x20: {  	[tilespmem:$0x4170] =	vst v1  }
0x21: {  	[tilespmem:$0x4180] =	vst v1  }
0x22: {  	[tilespmem:$0x4190] =	vst v1  }
0x23: {  	[tilespmem:$0x41A0] =	vst v1  }
0x24: {  	[tilespmem:$0x41B0] =	vst v1  }
0x25: {  	[tilespmem:$0x41C0] =	vst v1  }
0x26: {  	[tilespmem:$0x41D0] =	vst v1  }
0x27: {  	[tilespmem:$0x41E0] =	vst v1  }
0x28: {  	[tilespmem:$0x41F0] =	vst v1  }
0x29: {  	[tilespmem:$0x4200] =	vst v1  }
0x2a: {  	[tilespmem:$0x4210] =	vst v1  }
0x2b: {  	[tilespmem:$0x4220] =	vst v1  }
0x2c: {  	[tilespmem:$0x4230] =	vst v1  }
0x2d: {  	[tilespmem:$0x4240] =	vst v1  }
0x2e: {  	[tilespmem:$0x4250] =	vst v1  }
0x2f: {  	[tilespmem:$0x4260] =	vst v1  }
0x30: {  	[tilespmem:$0x4270] =	vst v1  }
0x31: {  	[tilespmem:$0x4280] =	vst v1  }
0x32: {  	[tilespmem:$0x4290] =	vst v1  }
0x33: {  	[tilespmem:$0x42A0] =	vst v1  }
0x34: {  	[tilespmem:$0x42B0] =	vst v1  }
0x35: {  	[tilespmem:$0x42C0] =	vst v1  }
0x36: {  	[tilespmem:$0x42D0] =	vst v1  }
0x37: {  	[tilespmem:$0x42E0] =	vst v1  }
0x38: {  	[tilespmem:$0x42F0] =	vst v1  }
0x39: {  	[spmem:s4] =	stream.linear.scatter [tilespmem:s8], [sflag:$0x2], $0x280, $0x38;
	[tilespmem:$0x4580] =	vst v63  }
0x3a: {  	_ =	swait.ge [sflag:s9], $0x280  }
0x3b: {  	[sflag:s9] =	ssyncset.done $0x0  }
0x3c: {  	[sflag:s9] =	ssyncadd.s32 $0xFFFFFD80  }
0x3d: {  	[tilespmem:s3], [sflag:$0x2] =	stream.linear.gather [hbm4b:s5+s3], $0x3E80, $0x38;
	[tilespmem:$0x4580] =	vst v63  }
0x3e: {  	_ =	swait.ge [sflag:s9], $0x3E80  }
0x3f: {  	[sflag:s9] =	ssyncset.done $0x0  }
0x40: {  	[sflag:s9] =	ssyncadd.s32 $0xFFFFC180  }
0x41: {  	s14 =	simm.s32 $0x0;
	[bflag:$0x0] =	sbarrier.arrive $0xFFFF  }
0x42: {  	[spmem:s2] =	stream.indirect.scatter.add.f32 [tilespmem:s11], [sflag:$0x1], $0x1, s14, s10, $0xb8;
	[tilespmem:$0x4580] =	vst v63  }
0x43: {  	s28 =	simm.s32 $0x80  }
0x44: {  	[spmem:s2] =	stream.indirect.scatter.add.f32 [tilespmem:s11], [sflag:$0x1], $0x1, s28, s10, $0xb8;
	[tilespmem:$0x4580] =	vst v63  }
0x45: {  	s29 =	simm.s32 $0x100  }
0x46: {  	[spmem:s2] =	stream.indirect.scatter.add.f32 [tilespmem:s11], [sflag:$0x1], $0x1, s29, s10, $0xb8;
	[tilespmem:$0x4580] =	vst v63  }
0x47: {  	s30 =	simm.s32 $0x180  }
0x48: {  	[spmem:s2] =	stream.indirect.scatter.add.f32 [tilespmem:s11], [sflag:$0x1], $0x1, s30, s10, $0xb8;
	[tilespmem:$0x4580] =	vst v63  }
0x49: {  	s31 =	simm.s32 $0x200  }
0x4a: {  	[spmem:s2] =	stream.indirect.scatter.add.f32 [tilespmem:s11], [sflag:$0x1], $0x1, s31, s10, $0xb8;
	[tilespmem:$0x4580] =	vst v63  }
0x4b: {  	_ =	swait.ge [sflag:s12], $0x50  }
0x4c: {  	[sflag:s12] =	ssyncset.done $0x0  }
0x4d: {  	[sflag:s12] =	ssyncadd.s32 $0xFFFFFFB0  }
0x4e: {  	_ =	swait.ge [sflag:s12], $0x50  }
0x4f: {  	[sflag:s12] =	ssyncset.done $0x0  }
0x50: {  	[sflag:s12] =	ssyncadd.s32 $0xFFFFFFB0  }
0x51: {  	_ =	swait.ge [sflag:s12], $0x50  }
0x52: {  	[sflag:s12] =	ssyncset.done $0x0  }
0x53: {  	[sflag:s12] =	ssyncadd.s32 $0xFFFFFFB0  }
0x54: {  	_ =	swait.ge [sflag:s12], $0x50  }
0x55: {  	[sflag:s12] =	ssyncset.done $0x0  }
0x56: {  	[sflag:s12] =	ssyncadd.s32 $0xFFFFFFB0  }
0x57: {  	_ =	swait.ge [sflag:s12], $0x50  }
0x58: {  	s15 =	simm.s32 $0x1400;
	s14 =	simm.s32 $0xA00;
	[sflag:s12] =	ssyncset.done $0x0  }
.LBB2_2:
0x59: {  	s16 =	sshra.s32 s14, $0x2  }
0x5a: {  	[sflag:s12] =	ssyncadd.s32 $0xFFFFFFB0;
	s14 =	smov.u32 s15;
	s17 =	sadd.s32 $0xA00, s15  }
0x5b: {  	[spmem:s2] =	stream.indirect.scatter.add.f32 [tilespmem:s11], [sflag:$0x1], $0x1, s16, s10, $0xb8;
	[tilespmem:$0x4580] =	vst v63  }
0x5c: {  	p0 =	sne.s32 s15, $0xF000;
	s15 =	sadd.s32 $0x80, s16  }
0x5d: {  	[spmem:s2] =	stream.indirect.scatter.add.f32 [tilespmem:s11], [sflag:$0x1], $0x1, s15, s10, $0xb8;
	[tilespmem:$0x4580] =	vst v63  }
0x5e: {  	s15 =	sadd.s32 $0x100, s16  }
0x5f: {  	[spmem:s2] =	stream.indirect.scatter.add.f32 [tilespmem:s11], [sflag:$0x1], $0x1, s15, s10, $0xb8;
	[tilespmem:$0x4580] =	vst v63  }
0x60: {  	s15 =	sadd.s32 $0x180, s16  }
0x61: {  	[spmem:s2] =	stream.indirect.scatter.add.f32 [tilespmem:s11], [sflag:$0x1], $0x1, s15, s10, $0xb8;
	[tilespmem:$0x4580] =	vst v63  }
0x62: {  	s15 =	sadd.s32 $0x200, s16  }
0x63: {  	[spmem:s2] =	stream.indirect.scatter.add.f32 [tilespmem:s11], [sflag:$0x1], $0x1, s15, s10, $0xb8;
	[tilespmem:$0x4580] =	vst v63  }
0x64: {  	_ =	swait.ge [sflag:s12], $0x50  }
0x65: {  	[sflag:s12] =	ssyncset.done $0x0  }
0x66: {  	[sflag:s12] =	ssyncadd.s32 $0xFFFFFFB0  }
0x67: {  	_ =	swait.ge [sflag:s12], $0x50  }
0x68: {  	[sflag:s12] =	ssyncset.done $0x0  }
0x69: {  	[sflag:s12] =	ssyncadd.s32 $0xFFFFFFB0  }
0x6a: {  	_ =	swait.ge [sflag:s12], $0x50  }
0x6b: {  	[sflag:s12] =	ssyncset.done $0x0  }
0x6c: {  	[sflag:s12] =	ssyncadd.s32 $0xFFFFFFB0  }
.Ltmp0:
0x6d: {  	_ =	swait.ge [sflag:s12], $0x50;
	(pc) =	sbr.rel @p0 .LBB2_2-.Ltmp0, $4  }
0x6e: {  	[sflag:s12] =	ssyncset.done $0x0  }
0x6f: {  	[sflag:s12] =	ssyncadd.s32 $0xFFFFFFB0  }
0x70: {  	_ =	swait.ge [sflag:s12], $0x50  }
0x71: {  	s15 =	smov.u32 s17;
	[sflag:s12] =	ssyncset.done $0x0  }
0x72: {  	s14 =	sshra.s32 s14, $0x2;
	[sflag:s12] =	ssyncadd.s32 $0xFFFFFFB0  }
0x73: {  	[spmem:s2] =	stream.indirect.scatter.add.f32 [tilespmem:s11], [sflag:$0x1], $0x1, s14, s10, $0xb8;
	[tilespmem:$0x4580] =	vst v63  }
0x74: {  	s15 =	sadd.s32 $0x80, s14  }
0x75: {  	[spmem:s2] =	stream.indirect.scatter.add.f32 [tilespmem:s11], [sflag:$0x1], $0x1, s15, s10, $0xb8;
	[tilespmem:$0x4580] =	vst v63  }
0x76: {  	s30 =	sadd.s32 $0x100, s14  }
0x77: {  	[spmem:s2] =	stream.indirect.scatter.add.f32 [tilespmem:s11], [sflag:$0x1], $0x1, s30, s10, $0xb8;
	[tilespmem:$0x4580] =	vst v63  }
0x78: {  	s31 =	sadd.s32 $0x180, s14  }
0x79: {  	[spmem:s2] =	stream.indirect.scatter.add.f32 [tilespmem:s11], [sflag:$0x1], $0x1, s31, s10, $0xb8;
	[tilespmem:$0x4580] =	vst v63  }
0x7a: {  	s14 =	sadd.s32 $0x200, s14  }
0x7b: {  	[spmem:s2] =	stream.indirect.scatter.add.f32 [tilespmem:s11], [sflag:$0x1], $0x1, s14, s10, $0xb8;
	[tilespmem:$0x4580] =	vst v63  }
0x7c: {  	_ =	swait.ge [sflag:s12], $0x50  }
0x7d: {  	[sflag:s12] =	ssyncset.done $0x0  }
0x7e: {  	[sflag:s12] =	ssyncadd.s32 $0xFFFFFFB0  }
0x7f: {  	_ =	swait.ge [sflag:s12], $0x50  }
0x80: {  	[sflag:s12] =	ssyncset.done $0x0  }
0x81: {  	[sflag:s12] =	ssyncadd.s32 $0xFFFFFFB0  }
0x82: {  	_ =	swait.ge [sflag:s12], $0x50  }
0x83: {  	[sflag:s12] =	ssyncset.done $0x0  }
0x84: {  	[sflag:s12] =	ssyncadd.s32 $0xFFFFFFB0  }
0x85: {  	_ =	swait.ge [sflag:s12], $0x50  }
0x86: {  	[sflag:s12] =	ssyncset.done $0x0  }
0x87: {  	[sflag:s12] =	ssyncadd.s32 $0xFFFFFFB0  }
0x88: {  	_ =	swait.ge [sflag:s12], $0x50  }
0x89: {  	[sflag:s12] =	ssyncset.done $0x0  }
0x8a: {  	[sflag:s12] =	ssyncadd.s32 $0xFFFFFFB0  }
0x8b: {  	[bflag:$0x0] =	sbarrier.arrive $0xFFFF  }
0x8c: {  	[tilespmem:s8], [sflag:$0x2] =	stream.linear.gather [spmem:s4], $0x280, $0x38;
	[tilespmem:$0x4580] =	vst v63  }
0x8d: {  	s13 =	sadd.s32 $0x1, s13;
	_ =	swait.ge [sflag:s9], $0x280  }
0x8e: {  	p0 =	sne.s32 s13, s7;
	[sflag:s9] =	ssyncset.done $0x0  }
.Ltmp1:
0x8f: {  	[sflag:s9] =	ssyncadd.s32 $0xFFFFFD80;
	(pc) =	sbr.rel @p0 .LBB2_1-.Ltmp1, $4  }
0x90: {  	[hbm4b:s6+s3] =	stream.linear.scatter [tilespmem:s8], [sflag:$0x2], $0x280, $0x38;
	[tilespmem:$0x4580] =	vst v63  }
0x91: {  	_ =	swait.ge [sflag:s9], $0x280  }
0x92: {  	[sflag:s9] =	ssyncset.done $0x0  }
0x93: {  	[sflag:s9] =	ssyncadd.s32 $0xFFFFFD80  }
0x94: {  	_ =	sfence.sel $0x180000  }
0x95: {  	[bflag:$0x0] =	sbarrier.arrive $0xFFFF  }
0x96: {  	p0 =	sne.s32 s0, $0x0;
	_ =	strace $0x90000047  }
0x97: {  	s0 =	sadd.s32 @!p0 $0x100000, s1;
	[bflag:$0x2] =	sbarrier.arrive $0xFFFF  }
0x98: {  	[sflag:s0] =	ssyncadd.tile.s32 @!p0 $0x1;
	_ =	shalt  }
.Lfunc_end2:
_tile_overlayer_lowered:
.L_overlay_start_2:
0x99: {  	(tag) =	ssettag $0x2  }
0x9a: {  	s0 =	rddreg [dreg:$0x0];
	s2 =	stileid.u32  }
0x9b: {  	s1 =	rddreg [dreg:$0x1];
	p0 =	sne.s32 s2, $0x0  }
0x9c: {  	s3 =	rddreg [dreg:$0x2];
	[bflag:$0x3] =	sbarrier.arrive $0xFFFF;
	s2 =	simm.s32 @!p0 $0x1C02  }
0x9d: {  	[timem:s3], [sflag:s2] =	dma.local @!p0 [hbm:s0], s1  }
0x9e: {  	s0 =	simm.s32 @!p0 $0x2  }
0x9f: {  	_ =	swait.ge @!p0 [sflag:s0], s1  }
0xa0: {  	s1 =	ssub.s32 @!p0 $0x0, s1;
	[sflag:s0] =	ssyncset.done @!p0 $0x0  }
0xa1: {  	[sflag:s0] =	ssyncadd.s32 @!p0 s1  }
0xa2: {  	[bflag:$0x3] =	sbarrier.arrive $0xFFFF  }
0xa3: {  	_ =	shalt  }

</sc_bundles>
